<compile_context>
chip_gen: v7x
topology: tpu7x:2x2x1
jax: 0.10.2.dev20260603
libtpu: 0.0.44.dev20260713+nightly
codegen_flags: <defaults>
</compile_context>

<pallas_src>
import functools

import jax
import jax.numpy as jnp
from jax import lax
from jax.experimental import pallas as pl
from jax.experimental.pallas import tpu as pltpu
from jax.experimental.pallas import tpu_sc as plsc

N = 10000
E = 320000
D_IN = 128
HID = 128
HID2 = 64
NUM_CLASSES = 40
PAIR_NORM_SCALE = 1.0

N_PAD = 10240
ROWS_PER_TILE = N_PAD // 16
CH = 128
KC0 = 127
KC1 = 31
NCHUNKS = 16 * (KC0 + KC1)
E_PAD = NCHUNKS * CH
PAD_ROW = N_PAD - 1

BLK = 640


def _make_sc_spmm(D):
    @functools.partial(
        pl.kernel,
        mesh=plsc.VectorSubcoreMesh(core_axis_name="c", subcore_axis_name="s"),
        out_type=jax.ShapeDtypeStruct((2, N_PAD, D), jnp.float32),
        scratch_types=[
            pltpu.VMEM((2, CH), jnp.int32),
            pltpu.VMEM((2, CH), jnp.int32),
            pltpu.VMEM((CH, D), jnp.float32),
            pltpu.VMEM((CH, D), jnp.float32),
            pltpu.VMEM_SHARED((N_PAD, D), jnp.float32),
            pltpu.SemaphoreType.DMA,
            pltpu.SemaphoreType.DMA,
        ],
    )
    def body(edge_hbm, sup_hbm, out_hbm, eb0, eb1, rows0, rows1, accum, sem0, sem1):
        c = lax.axis_index("c")
        s = lax.axis_index("s")
        base = jnp.where(c == 0, s * KC0, 16 * KC0 + s * KC1)
        nchunks = jnp.where(c == 0, KC0, KC1)
        ebuf = (eb0, eb1)
        rows = (rows0, rows1)
        sems = (sem0, sem1)

        zero = jnp.zeros((16,), jnp.float32)

        def zrow(r, carry):
            for j in range(D // 16):
                rows0[r, pl.ds(j * 16, 16)] = zero
            return carry

        lax.fori_loop(0, CH, zrow, 0)
        row0 = s * ROWS_PER_TILE
        for k in range(ROWS_PER_TILE // CH):
            pltpu.sync_copy(rows0, accum.at[pl.ds(row0 + k * CH, CH)])
        plsc.subcore_barrier()

        pltpu.sync_copy(edge_hbm.at[base], eb0)
        pltpu.async_copy(sup_hbm.at[eb0.at[0]], rows0, sem0)

        def pair(g, carry):
            for b in range(2):
                bn = 1 - b
                kn = 2 * g + b + 1
                pltpu.sync_copy(edge_hbm.at[base + kn], ebuf[bn])
                pltpu.make_async_copy(
                    sup_hbm.at[ebuf[b].at[0]], rows[b], sems[b]
                ).wait()
                pltpu.async_copy(sup_hbm.at[ebuf[bn].at[0]], rows[bn], sems[bn])
                pltpu.sync_copy(rows[b], accum.at[ebuf[b].at[1]], add=True)
            return carry

        lax.fori_loop(0, (nchunks - 1) // 2, pair, 0)
        pltpu.make_async_copy(sup_hbm.at[eb0.at[0]], rows0, sem0).wait()
        pltpu.sync_copy(rows0, accum.at[eb0.at[1]], add=True)
        plsc.subcore_barrier()

        pltpu.sync_copy(
            accum.at[pl.ds(row0, ROWS_PER_TILE)],
            out_hbm.at[c, pl.ds(row0, ROWS_PER_TILE)],
        )

    return body


_sc_spmm_128 = _make_sc_spmm(HID)


def _mm_body(x_ref, w_ref, o_ref):
    o_ref[...] = jnp.dot(x_ref[...], w_ref[...], preferred_element_type=jnp.float32, precision=lax.Precision.HIGHEST)


def _matmul(x, w):
    n, d = x.shape
    return pl.pallas_call(
        _mm_body,
        grid=(n // BLK,),
        in_specs=[
            pl.BlockSpec((BLK, d), lambda i: (i, 0)),
            pl.BlockSpec(w.shape, lambda i: (0, 0)),
        ],
        out_specs=pl.BlockSpec((BLK, w.shape[1]), lambda i: (i, 0)),
        out_shape=jax.ShapeDtypeStruct((n, w.shape[1]), jnp.float32),
    )(x, w)


def _norm_mm_fused_body(p_ref, w_ref, o_ref, cs_ref, sq_ref):
    phase = pl.program_id(0)
    i = pl.program_id(1)
    h = jax.nn.relu(p_ref[0] + p_ref[1])

    @pl.when(jnp.logical_and(phase == 0, i == 0))
    def _():
        cs_ref[...] = jnp.zeros_like(cs_ref)
        sq_ref[...] = jnp.zeros_like(sq_ref)

    @pl.when(phase == 0)
    def _():
        cs_ref[...] += jnp.sum(h, axis=0, keepdims=True)
        sq_ref[...] += jnp.sum(h * h).reshape(1, 1)

    @pl.when(phase == 1)
    def _():
        mu = cs_ref[...] * (1.0 / N)
        var = sq_ref[0, 0] * (1.0 / (N * HID)) - jnp.mean(mu * mu)
        a = PAIR_NORM_SCALE * lax.rsqrt(var)
        hw = jnp.dot(h, w_ref[...], preferred_element_type=jnp.float32,
                     precision=lax.Precision.HIGHEST)
        muw = jnp.dot(mu, w_ref[...], preferred_element_type=jnp.float32,
                      precision=lax.Precision.HIGHEST)
        o_ref[...] = hw * a - muw * a


def _norm_mm_fused(parts, w):
    return pl.pallas_call(
        _norm_mm_fused_body,
        grid=(2, N_PAD // BLK),
        in_specs=[
            pl.BlockSpec((2, BLK, HID), lambda p, i: (0, i, 0)),
            pl.BlockSpec((HID, HID), lambda p, i: (0, 0)),
        ],
        out_specs=pl.BlockSpec((BLK, HID), lambda p, i: (i, 0)),
        out_shape=jax.ShapeDtypeStruct((N_PAD, HID), jnp.float32),
        scratch_shapes=[
            pltpu.VMEM((1, HID), jnp.float32),
            pltpu.VMEM((1, 1), jnp.float32),
        ],
    )(parts, w)


def _merge_relu_mm_body(p_ref, w_ref, o_ref):
    h = jax.nn.relu(p_ref[0] + p_ref[1])
    o_ref[...] = jnp.dot(h, w_ref[...], preferred_element_type=jnp.float32, precision=lax.Precision.HIGHEST)


def _merge_relu_mm(parts, w):
    d_in, d_out = w.shape
    return pl.pallas_call(
        _merge_relu_mm_body,
        grid=(N_PAD // BLK,),
        in_specs=[
            pl.BlockSpec((2, BLK, d_in), lambda i: (0, i, 0)),
            pl.BlockSpec((d_in, d_out), lambda i: (0, 0)),
        ],
        out_specs=pl.BlockSpec((BLK, d_out), lambda i: (i, 0)),
        out_shape=jax.ShapeDtypeStruct((N_PAD, d_out), jnp.float32),
    )(parts, w)


def _merge_logsoftmax_body(p_ref, o_ref):
    t = p_ref[0] + p_ref[1]
    col = lax.broadcasted_iota(jnp.int32, t.shape, 1)
    valid = col < NUM_CLASSES
    neg = jnp.full_like(t, -jnp.inf)
    m = jnp.max(jnp.where(valid, t, neg), axis=1, keepdims=True)
    e = jnp.where(valid, jnp.exp(t - m), 0.0)
    lse = jnp.log(jnp.sum(e, axis=1, keepdims=True))
    o_ref[...] = t - m - lse


def _merge_logsoftmax(parts):
    return pl.pallas_call(
        _merge_logsoftmax_body,
        grid=(N_PAD // BLK,),
        in_specs=[pl.BlockSpec((2, BLK, HID), lambda i: (0, i, 0))],
        out_specs=pl.BlockSpec((BLK, HID), lambda i: (i, 0)),
        out_shape=jax.ShapeDtypeStruct((N_PAD, HID), jnp.float32),
    )(parts)


def kernel(x, edge_index, W_in, W1, W_out):
    x_pad = jnp.zeros((N_PAD, D_IN), jnp.float32).at[:N].set(x)
    dst = jnp.full((E_PAD,), PAD_ROW, jnp.int32).at[:E].set(edge_index[0])
    src = jnp.full((E_PAD,), PAD_ROW, jnp.int32).at[:E].set(edge_index[1])
    edges = jnp.stack([src.reshape(NCHUNKS, CH), dst.reshape(NCHUNKS, CH)], axis=1)
    w1_pad = jnp.zeros((HID, HID), jnp.float32).at[:, :HID2].set(W1)
    w_out_pad = jnp.zeros((HID, HID), jnp.float32).at[:HID2, :NUM_CLASSES].set(W_out)

    sup1 = _matmul(x_pad, W_in)
    parts1 = _sc_spmm_128(edges, sup1)
    sup2 = _norm_mm_fused(parts1, w1_pad)
    parts2 = _sc_spmm_128(edges, sup2)
    sup3 = _merge_relu_mm(parts2, w_out_pad)
    parts3 = _sc_spmm_128(edges, sup3)
    out = _merge_logsoftmax(parts3)
    return out[:N, :NUM_CLASSES]

# --- scband reference (transcript-rebuilt; emitter-appended) ---
"""Pipeline reference for scband-gcn-60430189855413 (READ-ONLY COPY).

The authoritative reference and input builder live on the scoring server;
editing this copy changes nothing except your own understanding.
"""

import jax, jax.numpy as jnp
import numpy as np

N = 10000
E = 320000
D_IN = 128
HID = 128
NUM_CLASSES = 40
PAIR_NORM_SCALE = 1.0


def setup_inputs(seed: int = 0) -> dict:
    key = jax.random.key(seed)
    k1, k2, k3, k4, k5 = jax.random.split(key, 5)
    x = jax.random.normal(k1, (N, D_IN), dtype=jnp.float32)
    edge_index = jax.random.randint(k2, (2, E), 0, N, dtype=jnp.int32)
    stdv_in = 1.0 / HID ** 0.5
    W_in = jax.random.uniform(k3, (D_IN, HID), dtype=jnp.float32, minval=-stdv_in, maxval=stdv_in)
    stdv1 = 1.0 / (HID // 2) ** 0.5
    W1 = jax.random.uniform(k4, (HID, HID // 2), dtype=jnp.float32, minval=-stdv1, maxval=stdv1)
    stdv_out = 1.0 / NUM_CLASSES ** 0.5
    W_out = jax.random.uniform(k5, (HID // 2, NUM_CLASSES), dtype=jnp.float32, minval=-stdv_out, maxval=stdv_out)
    return {"x": x, "edge_index": edge_index, "W_in": W_in, "W1": W1, "W_out": W_out}


def _gcn_conv(h, W, src, dst):
    # torch.spmm(adj, x @ W) with adj built from (row=edge_index[0], col=edge_index[1]) and
    # all-ones values == scatter-add of support[col] into rows. loop=False so no self loops.
    support = h @ W
    msg = jnp.take(support, src, axis=0)
    return jax.ops.segment_sum(msg, dst, num_segments=N)


def _pair_norm(h, scale):
    h = h - h.mean(axis=0, keepdims=True)
    std = jnp.sqrt(jnp.mean(h ** 2))
    return scale * h / std


def reference(x, edge_index, W_in, W1, W_out):
    dst = edge_index[0]
    src = edge_index[1]
    h = jax.nn.relu(_gcn_conv(x, W_in, src, dst))
    h = _pair_norm(h, PAIR_NORM_SCALE)
    h = jax.nn.relu(_gcn_conv(h, W1, src, dst))
    h = _gcn_conv(h, W_out, src, dst)
    return jax.nn.log_softmax(h, axis=1)

if __name__ == "__main__":
    import jax
    _d = setup_inputs()
    print(jax.jit(kernel)(*tuple(_d.values())))

</pallas_src>

<mosaic_0001>
#map = affine_map<(d0, d1) -> (0, 0, 0)>
#map1 = affine_map<(d0, d1) -> (0, 0)>
module attributes {stable_mosaic.version = 14 : i64} {
  func.func @body(%arg0: i32, %arg1: i32, %arg2: memref<2528x2x128xi32, #tpu.memory_space<hbm>>, %arg3: memref<10240x128xf32, #tpu.memory_space<hbm>>, %arg4: memref<2x10240x128xf32, #tpu.memory_space<hbm>>, %arg5: memref<2x128xi32, #tpu.memory_space<vmem>>, %arg6: memref<2x128xi32, #tpu.memory_space<vmem>>, %arg7: memref<128x128xf32, #tpu.memory_space<vmem>>, %arg8: memref<128x128xf32, #tpu.memory_space<vmem>>, %arg9: memref<10240x128xf32, #tpu.memory_space<vmem_shared>>, %arg10: memref<!tpu.dma_semaphore, #tpu.memory_space<semaphore_mem>>, %arg11: memref<!tpu.dma_semaphore, #tpu.memory_space<semaphore_mem>>) attributes {dimension_semantics = [#tpu.dimension_semantics<core_parallel>, #tpu.dimension_semantics<subcore_parallel>], iteration_bounds = array<i64: 2, 16>, scalar_prefetch = 0 : i64, scratch_operands = 7 : i64, tpu.core_type = #tpu.core_type<sc_vector_subcore>, window_params = [{transform_indices = #map}, {transform_indices = #map1}, {transform_indices = #map}]} {
    %eq3A = arith.constant 0 : i32
    %eq3A_0 = arith.cmpi eq, %arg0, %eq3A : i32
    %mul3A = arith.constant 127 : i32
    %mul3A_1 = arith.muli %arg1, %mul3A : i32
    %mul3A_2 = arith.constant 31 : i32
    %mul3A_3 = arith.muli %arg1, %mul3A_2 : i32
    %add3A = arith.constant 2032 : i32
    %add3A_4 = arith.addi %add3A, %mul3A_3 : i32
    %select_n3A = arith.select %eq3A_0, %mul3A_1, %add3A_4 : i32
    %eq3A_5 = arith.constant 0 : i32
    %eq3A_6 = arith.cmpi eq, %arg0, %eq3A_5 : i32
    %jit3A = arith.constant 127 : i32
    %jit3A_7 = arith.constant 31 : i32
    %select_n3A_8 = arith.select %eq3A_6, %jit3A, %jit3A_7 : i32
    %broadcast_in_dim3A = arith.constant 0.000000e+00 : f32
    %broadcast_in_dim3A_9 = vector.broadcast %broadcast_in_dim3A : f32 to vector<16xf32>
    %scan3A = arith.constant 0 : i32
    %scan3A_10 = arith.constant 0 : i32
    %scan3A_11 = arith.constant 128 : i32
    %scan3A_12 = arith.addi %scan3A_10, %scan3A_11 : i32
    %scan3A_13 = arith.constant 1 : i32
    scf.for %scan3A_69 = %scan3A_10 to %scan3A_12 step %scan3A_13  : i32 {
      %swap3A = arith.index_cast %scan3A_69 : i32 to index
      %swap3A_70 = arith.constant 0 : index
      %swap3A_71 = tpu.vector_load %arg7[%swap3A, %swap3A_70] {strides = array<i32>} : memref<128x128xf32, #tpu.memory_space<vmem>>, vector<1x16xf32>,
      %swap3A_72 = vector.shape_cast %swap3A_71 : vector<1x16xf32> to vector<16xf32>
      %swap3A_73 = vector.shape_cast %broadcast_in_dim3A_9 : vector<16xf32> to vector<1x16xf32>
      tpu.vector_store %arg7[%swap3A, %swap3A_70], %swap3A_73 {strides = array<i32>} : memref<128x128xf32, #tpu.memory_space<vmem>>, vector<1x16xf32>,
      %swap3A_74 = arith.index_cast %scan3A_69 : i32 to index
      %swap3A_75 = arith.constant 16 : index
      %swap3A_76 = tpu.vector_load %arg7[%swap3A_74, %swap3A_75] {strides = array<i32>} : memref<128x128xf32, #tpu.memory_space<vmem>>, vector<1x16xf32>,
      %swap3A_77 = vector.shape_cast %swap3A_76 : vector<1x16xf32> to vector<16xf32>
      %swap3A_78 = vector.shape_cast %broadcast_in_dim3A_9 : vector<16xf32> to vector<1x16xf32>
      tpu.vector_store %arg7[%swap3A_74, %swap3A_75], %swap3A_78 {strides = array<i32>} : memref<128x128xf32, #tpu.memory_space<vmem>>, vector<1x16xf32>,
      %swap3A_79 = arith.index_cast %scan3A_69 : i32 to index
      %swap3A_80 = arith.constant 32 : index
      %swap3A_81 = tpu.vector_load %arg7[%swap3A_79, %swap3A_80] {strides = array<i32>} : memref<128x128xf32, #tpu.memory_space<vmem>>, vector<1x16xf32>,
      %swap3A_82 = vector.shape_cast %swap3A_81 : vector<1x16xf32> to vector<16xf32>
      %swap3A_83 = vector.shape_cast %broadcast_in_dim3A_9 : vector<16xf32> to vector<1x16xf32>
      tpu.vector_store %arg7[%swap3A_79, %swap3A_80], %swap3A_83 {strides = array<i32>} : memref<128x128xf32, #tpu.memory_space<vmem>>, vector<1x16xf32>,
      %swap3A_84 = arith.index_cast %scan3A_69 : i32 to index
      %swap3A_85 = arith.constant 48 : index
      %swap3A_86 = tpu.vector_load %arg7[%swap3A_84, %swap3A_85] {strides = array<i32>} : memref<128x128xf32, #tpu.memory_space<vmem>>, vector<1x16xf32>,
      %swap3A_87 = vector.shape_cast %swap3A_86 : vector<1x16xf32> to vector<16xf32>
      %swap3A_88 = vector.shape_cast %broadcast_in_dim3A_9 : vector<16xf32> to vector<1x16xf32>
      tpu.vector_store %arg7[%swap3A_84, %swap3A_85], %swap3A_88 {strides = array<i32>} : memref<128x128xf32, #tpu.memory_space<vmem>>, vector<1x16xf32>,
      %swap3A_89 = arith.index_cast %scan3A_69 : i32 to index
      %swap3A_90 = arith.constant 64 : index
      %swap3A_91 = tpu.vector_load %arg7[%swap3A_89, %swap3A_90] {strides = array<i32>} : memref<128x128xf32, #tpu.memory_space<vmem>>, vector<1x16xf32>,
      %swap3A_92 = vector.shape_cast %swap3A_91 : vector<1x16xf32> to vector<16xf32>
      %swap3A_93 = vector.shape_cast %broadcast_in_dim3A_9 : vector<16xf32> to vector<1x16xf32>
      tpu.vector_store %arg7[%swap3A_89, %swap3A_90], %swap3A_93 {strides = array<i32>} : memref<128x128xf32, #tpu.memory_space<vmem>>, vector<1x16xf32>,
      %swap3A_94 = arith.index_cast %scan3A_69 : i32 to index
      %swap3A_95 = arith.constant 80 : index
      %swap3A_96 = tpu.vector_load %arg7[%swap3A_94, %swap3A_95] {strides = array<i32>} : memref<128x128xf32, #tpu.memory_space<vmem>>, vector<1x16xf32>,
      %swap3A_97 = vector.shape_cast %swap3A_96 : vector<1x16xf32> to vector<16xf32>
      %swap3A_98 = vector.shape_cast %broadcast_in_dim3A_9 : vector<16xf32> to vector<1x16xf32>
      tpu.vector_store %arg7[%swap3A_94, %swap3A_95], %swap3A_98 {strides = array<i32>} : memref<128x128xf32, #tpu.memory_space<vmem>>, vector<1x16xf32>,
      %swap3A_99 = arith.index_cast %scan3A_69 : i32 to index
      %swap3A_100 = arith.constant 96 : index
      %swap3A_101 = tpu.vector_load %arg7[%swap3A_99, %swap3A_100] {strides = array<i32>} : memref<128x128xf32, #tpu.memory_space<vmem>>, vector<1x16xf32>,
      %swap3A_102 = vector.shape_cast %swap3A_101 : vector<1x16xf32> to vector<16xf32>
      %swap3A_103 = vector.shape_cast %broadcast_in_dim3A_9 : vector<16xf32> to vector<1x16xf32>
      tpu.vector_store %arg7[%swap3A_99, %swap3A_100], %swap3A_103 {strides = array<i32>} : memref<128x128xf32, #tpu.memory_space<vmem>>, vector<1x16xf32>,
      %swap3A_104 = arith.index_cast %scan3A_69 : i32 to index
      %swap3A_105 = arith.constant 112 : index
      %swap3A_106 = tpu.vector_load %arg7[%swap3A_104, %swap3A_105] {strides = array<i32>} : memref<128x128xf32, #tpu.memory_space<vmem>>, vector<1x16xf32>,
      %swap3A_107 = vector.shape_cast %swap3A_106 : vector<1x16xf32> to vector<16xf32>
      %swap3A_108 = vector.shape_cast %broadcast_in_dim3A_9 : vector<16xf32> to vector<1x16xf32>
      tpu.vector_store %arg7[%swap3A_104, %swap3A_105], %swap3A_108 {strides = array<i32>} : memref<128x128xf32, #tpu.memory_space<vmem>>, vector<1x16xf32>,
    }
    %scan3A_14 = arith.constant 128 : i32
    %mul3A_15 = arith.constant 640 : i32
    %mul3A_16 = arith.muli %arg1, %mul3A_15 : i32
    %add3A_17 = arith.constant 0 : i32
    %add3A_18 = arith.addi %mul3A_16, %add3A_17 : i32
    "tpu.region"() ({
      %run_scoped3A_69 = tpu.sem_alloc : memref<!tpu.dma_semaphore, #tpu.memory_space<semaphore_mem>>
      %dma_start3A_70 = arith.constant 0 : i32
      %dma_start3A_71 = tpu.memref_slice %arg9[%add3A_18, %dma_start3A_70] : memref<10240x128xf32, #tpu.memory_space<vmem_shared>> -> memref<128x128xf32, #tpu.memory_space<vmem_shared>>
      %dma_start3A_72 = arith.constant 0 : i32
      %dma_start3A_73 = tpu.memref_slice %arg9[%add3A_18, %dma_start3A_72] : memref<10240x128xf32, #tpu.memory_space<vmem_shared>> -> memref<128x128xf32, #tpu.memory_space<vmem_shared>>
      tpu.enqueue_dma source(%arg7 : memref<128x128xf32, #tpu.memory_space<vmem>>) target(%dma_start3A_73 : memref<128x128xf32, #tpu.memory_space<vmem_shared>>) target_semaphore(%run_scoped3A_69 : memref<!tpu.dma_semaphore, #tpu.memory_space<semaphore_mem>>)
      %dma_wait3A_74 = arith.constant 0 : i32
      %dma_wait3A_75 = tpu.memref_slice %arg9[%add3A_18, %dma_wait3A_74] : memref<10240x128xf32, #tpu.memory_space<vmem_shared>> -> memref<128x128xf32, #tpu.memory_space<vmem_shared>>
      %dma_wait3A_76 = arith.constant 0 : i32
      %dma_wait3A_77 = tpu.memref_slice %arg9[%add3A_18, %dma_wait3A_76] : memref<10240x128xf32, #tpu.memory_space<vmem_shared>> -> memref<128x128xf32, #tpu.memory_space<vmem_shared>>
      tpu.wait_dma2 semaphore(%run_scoped3A_69 : memref<!tpu.dma_semaphore, #tpu.memory_space<semaphore_mem>>) src(%arg7 : memref<128x128xf32, #tpu.memory_space<vmem>>) dst(%dma_wait3A_77 : memref<128x128xf32, #tpu.memory_space<vmem_shared>>)
      tpu.yield
    }) : () -> ()
    %add3A_19 = arith.constant 128 : i32
    %add3A_20 = arith.addi %mul3A_16, %add3A_19 : i32
    "tpu.region"() ({
      %run_scoped3A_69 = tpu.sem_alloc : memref<!tpu.dma_semaphore, #tpu.memory_space<semaphore_mem>>
      %dma_start3A_70 = arith.constant 0 : i32
      %dma_start3A_71 = tpu.memref_slice %arg9[%add3A_20, %dma_start3A_70] : memref<10240x128xf32, #tpu.memory_space<vmem_shared>> -> memref<128x128xf32, #tpu.memory_space<vmem_shared>>
      %dma_start3A_72 = arith.constant 0 : i32
      %dma_start3A_73 = tpu.memref_slice %arg9[%add3A_20, %dma_start3A_72] : memref<10240x128xf32, #tpu.memory_space<vmem_shared>> -> memref<128x128xf32, #tpu.memory_space<vmem_shared>>
      tpu.enqueue_dma source(%arg7 : memref<128x128xf32, #tpu.memory_space<vmem>>) target(%dma_start3A_73 : memref<128x128xf32, #tpu.memory_space<vmem_shared>>) target_semaphore(%run_scoped3A_69 : memref<!tpu.dma_semaphore, #tpu.memory_space<semaphore_mem>>)
      %dma_wait3A_74 = arith.constant 0 : i32
      %dma_wait3A_75 = tpu.memref_slice %arg9[%add3A_20, %dma_wait3A_74] : memref<10240x128xf32, #tpu.memory_space<vmem_shared>> -> memref<128x128xf32, #tpu.memory_space<vmem_shared>>
      %dma_wait3A_76 = arith.constant 0 : i32
      %dma_wait3A_77 = tpu.memref_slice %arg9[%add3A_20, %dma_wait3A_76] : memref<10240x128xf32, #tpu.memory_space<vmem_shared>> -> memref<128x128xf32, #tpu.memory_space<vmem_shared>>
      tpu.wait_dma2 semaphore(%run_scoped3A_69 : memref<!tpu.dma_semaphore, #tpu.memory_space<semaphore_mem>>) src(%arg7 : memref<128x128xf32, #tpu.memory_space<vmem>>) dst(%dma_wait3A_77 : memref<128x128xf32, #tpu.memory_space<vmem_shared>>)
      tpu.yield
    }) : () -> ()
    %add3A_21 = arith.constant 256 : i32
    %add3A_22 = arith.addi %mul3A_16, %add3A_21 : i32
    "tpu.region"() ({
      %run_scoped3A_69 = tpu.sem_alloc : memref<!tpu.dma_semaphore, #tpu.memory_space<semaphore_mem>>
      %dma_start3A_70 = arith.constant 0 : i32
      %dma_start3A_71 = tpu.memref_slice %arg9[%add3A_22, %dma_start3A_70] : memref<10240x128xf32, #tpu.memory_space<vmem_shared>> -> memref<128x128xf32, #tpu.memory_space<vmem_shared>>
      %dma_start3A_72 = arith.constant 0 : i32
      %dma_start3A_73 = tpu.memref_slice %arg9[%add3A_22, %dma_start3A_72] : memref<10240x128xf32, #tpu.memory_space<vmem_shared>> -> memref<128x128xf32, #tpu.memory_space<vmem_shared>>
      tpu.enqueue_dma source(%arg7 : memref<128x128xf32, #tpu.memory_space<vmem>>) target(%dma_start3A_73 : memref<128x128xf32, #tpu.memory_space<vmem_shared>>) target_semaphore(%run_scoped3A_69 : memref<!tpu.dma_semaphore, #tpu.memory_space<semaphore_mem>>)
      %dma_wait3A_74 = arith.constant 0 : i32
      %dma_wait3A_75 = tpu.memref_slice %arg9[%add3A_22, %dma_wait3A_74] : memref<10240x128xf32, #tpu.memory_space<vmem_shared>> -> memref<128x128xf32, #tpu.memory_space<vmem_shared>>
      %dma_wait3A_76 = arith.constant 0 : i32
      %dma_wait3A_77 = tpu.memref_slice %arg9[%add3A_22, %dma_wait3A_76] : memref<10240x128xf32, #tpu.memory_space<vmem_shared>> -> memref<128x128xf32, #tpu.memory_space<vmem_shared>>
      tpu.wait_dma2 semaphore(%run_scoped3A_69 : memref<!tpu.dma_semaphore, #tpu.memory_space<semaphore_mem>>) src(%arg7 : memref<128x128xf32, #tpu.memory_space<vmem>>) dst(%dma_wait3A_77 : memref<128x128xf32, #tpu.memory_space<vmem_shared>>)
      tpu.yield
    }) : () -> ()
    %add3A_23 = arith.constant 384 : i32
    %add3A_24 = arith.addi %mul3A_16, %add3A_23 : i32
    "tpu.region"() ({
      %run_scoped3A_69 = tpu.sem_alloc : memref<!tpu.dma_semaphore, #tpu.memory_space<semaphore_mem>>
      %dma_start3A_70 = arith.constant 0 : i32
      %dma_start3A_71 = tpu.memref_slice %arg9[%add3A_24, %dma_start3A_70] : memref<10240x128xf32, #tpu.memory_space<vmem_shared>> -> memref<128x128xf32, #tpu.memory_space<vmem_shared>>
      %dma_start3A_72 = arith.constant 0 : i32
      %dma_start3A_73 = tpu.memref_slice %arg9[%add3A_24, %dma_start3A_72] : memref<10240x128xf32, #tpu.memory_space<vmem_shared>> -> memref<128x128xf32, #tpu.memory_space<vmem_shared>>
      tpu.enqueue_dma source(%arg7 : memref<128x128xf32, #tpu.memory_space<vmem>>) target(%dma_start3A_73 : memref<128x128xf32, #tpu.memory_space<vmem_shared>>) target_semaphore(%run_scoped3A_69 : memref<!tpu.dma_semaphore, #tpu.memory_space<semaphore_mem>>)
      %dma_wait3A_74 = arith.constant 0 : i32
      %dma_wait3A_75 = tpu.memref_slice %arg9[%add3A_24, %dma_wait3A_74] : memref<10240x128xf32, #tpu.memory_space<vmem_shared>> -> memref<128x128xf32, #tpu.memory_space<vmem_shared>>
      %dma_wait3A_76 = arith.constant 0 : i32
      %dma_wait3A_77 = tpu.memref_slice %arg9[%add3A_24, %dma_wait3A_76] : memref<10240x128xf32, #tpu.memory_space<vmem_shared>> -> memref<128x128xf32, #tpu.memory_space<vmem_shared>>
      tpu.wait_dma2 semaphore(%run_scoped3A_69 : memref<!tpu.dma_semaphore, #tpu.memory_space<semaphore_mem>>) src(%arg7 : memref<128x128xf32, #tpu.memory_space<vmem>>) dst(%dma_wait3A_77 : memref<128x128xf32, #tpu.memory_space<vmem_shared>>)
      tpu.yield
    }) : () -> ()
    %add3A_25 = arith.constant 512 : i32
    %add3A_26 = arith.addi %mul3A_16, %add3A_25 : i32
    "tpu.region"() ({
      %run_scoped3A_69 = tpu.sem_alloc : memref<!tpu.dma_semaphore, #tpu.memory_space<semaphore_mem>>
      %dma_start3A_70 = arith.constant 0 : i32
      %dma_start3A_71 = tpu.memref_slice %arg9[%add3A_26, %dma_start3A_70] : memref<10240x128xf32, #tpu.memory_space<vmem_shared>> -> memref<128x128xf32, #tpu.memory_space<vmem_shared>>
      %dma_start3A_72 = arith.constant 0 : i32
      %dma_start3A_73 = tpu.memref_slice %arg9[%add3A_26, %dma_start3A_72] : memref<10240x128xf32, #tpu.memory_space<vmem_shared>> -> memref<128x128xf32, #tpu.memory_space<vmem_shared>>
      tpu.enqueue_dma source(%arg7 : memref<128x128xf32, #tpu.memory_space<vmem>>) target(%dma_start3A_73 : memref<128x128xf32, #tpu.memory_space<vmem_shared>>) target_semaphore(%run_scoped3A_69 : memref<!tpu.dma_semaphore, #tpu.memory_space<semaphore_mem>>)
      %dma_wait3A_74 = arith.constant 0 : i32
      %dma_wait3A_75 = tpu.memref_slice %arg9[%add3A_26, %dma_wait3A_74] : memref<10240x128xf32, #tpu.memory_space<vmem_shared>> -> memref<128x128xf32, #tpu.memory_space<vmem_shared>>
      %dma_wait3A_76 = arith.constant 0 : i32
      %dma_wait3A_77 = tpu.memref_slice %arg9[%add3A_26, %dma_wait3A_76] : memref<10240x128xf32, #tpu.memory_space<vmem_shared>> -> memref<128x128xf32, #tpu.memory_space<vmem_shared>>
      tpu.wait_dma2 semaphore(%run_scoped3A_69 : memref<!tpu.dma_semaphore, #tpu.memory_space<semaphore_mem>>) src(%arg7 : memref<128x128xf32, #tpu.memory_space<vmem>>) dst(%dma_wait3A_77 : memref<128x128xf32, #tpu.memory_space<vmem_shared>>)
      tpu.yield
    }) : () -> ()
    %barrier3A = arith.constant 0 : index
    tpu.barrier barrier_id(%barrier3A)
    "tpu.region"() ({
      %run_scoped3A_69 = tpu.sem_alloc : memref<!tpu.dma_semaphore, #tpu.memory_space<semaphore_mem>>
      %dma_start3A_70 = arith.constant 0 : i32
      %dma_start3A_71 = arith.constant 0 : i32
      %dma_start3A_72 = tpu.memref_slice %arg2[%select_n3A, %dma_start3A_70, %dma_start3A_71] : memref<2528x2x128xi32, #tpu.memory_space<hbm>> -> memref<1x2x128xi32, #tpu.memory_space<hbm>>
      %dma_start3A_73 = tpu.memref_squeeze %dma_start3A_72 : memref<1x2x128xi32, #tpu.memory_space<hbm>> -> memref<2x128xi32, #tpu.memory_space<hbm>>
      %dma_start3A_74 = arith.constant 0 : i32
      %dma_start3A_75 = arith.constant 0 : i32
      %dma_start3A_76 = tpu.memref_slice %arg2[%select_n3A, %dma_start3A_74, %dma_start3A_75] : memref<2528x2x128xi32, #tpu.memory_space<hbm>> -> memref<1x2x128xi32, #tpu.memory_space<hbm>>
      %dma_start3A_77 = tpu.memref_squeeze %dma_start3A_76 : memref<1x2x128xi32, #tpu.memory_space<hbm>> -> memref<2x128xi32, #tpu.memory_space<hbm>>
      tpu.enqueue_dma source(%dma_start3A_77 : memref<2x128xi32, #tpu.memory_space<hbm>>) target(%arg5 : memref<2x128xi32, #tpu.memory_space<vmem>>) target_semaphore(%run_scoped3A_69 : memref<!tpu.dma_semaphore, #tpu.memory_space<semaphore_mem>>)
      %dma_wait3A_78 = arith.constant 0 : i32
      %dma_wait3A_79 = arith.constant 0 : i32
      %dma_wait3A_80 = tpu.memref_slice %arg2[%select_n3A, %dma_wait3A_78, %dma_wait3A_79] : memref<2528x2x128xi32, #tpu.memory_space<hbm>> -> memref<1x2x128xi32, #tpu.memory_space<hbm>>
      %dma_wait3A_81 = tpu.memref_squeeze %dma_wait3A_80 : memref<1x2x128xi32, #tpu.memory_space<hbm>> -> memref<2x128xi32, #tpu.memory_space<hbm>>
      %dma_wait3A_82 = arith.constant 0 : i32
      %dma_wait3A_83 = arith.constant 0 : i32
      %dma_wait3A_84 = tpu.memref_slice %arg2[%select_n3A, %dma_wait3A_82, %dma_wait3A_83] : memref<2528x2x128xi32, #tpu.memory_space<hbm>> -> memref<1x2x128xi32, #tpu.memory_space<hbm>>
      %dma_wait3A_85 = tpu.memref_squeeze %dma_wait3A_84 : memref<1x2x128xi32, #tpu.memory_space<hbm>> -> memref<2x128xi32, #tpu.memory_space<hbm>>
      tpu.wait_dma2 semaphore(%run_scoped3A_69 : memref<!tpu.dma_semaphore, #tpu.memory_space<semaphore_mem>>) src(%dma_wait3A_85 : memref<2x128xi32, #tpu.memory_space<hbm>>) dst(%arg5 : memref<2x128xi32, #tpu.memory_space<vmem>>)
      tpu.yield
    }) : () -> ()
    %dma_start3A = arith.constant 0 : i32
    %dma_start3A_27 = arith.constant 0 : i32
    %dma_start3A_28 = tpu.memref_slice %arg5[%dma_start3A, %dma_start3A_27] : memref<2x128xi32, #tpu.memory_space<vmem>> -> memref<1x128xi32, #tpu.memory_space<vmem>>
    %dma_start3A_29 = tpu.memref_squeeze %dma_start3A_28 : memref<1x128xi32, #tpu.memory_space<vmem>> -> memref<128xi32, #tpu.memory_space<vmem>>
    %dma_start3A_30 = arith.constant 0 : i32
    %dma_start3A_31 = arith.constant 0 : i32
    %dma_start3A_32 = tpu.memref_slice %arg3[%dma_start3A_30, %dma_start3A_31] : memref<10240x128xf32, #tpu.memory_space<hbm>> -> memref<10240x128xf32, #tpu.memory_space<hbm>>
    tpu.enqueue_indirect_dma source(%dma_start3A_32 : memref<10240x128xf32, #tpu.memory_space<hbm>>) target(%arg7 : memref<128x128xf32, #tpu.memory_space<vmem>>) offsets(%dma_start3A_29 : memref<128xi32, #tpu.memory_space<vmem>>) semaphore(%arg10 : memref<!tpu.dma_semaphore, #tpu.memory_space<semaphore_mem>>)
    %sub3A = arith.constant 1 : i32
    %sub3A_33 = arith.subi %select_n3A_8, %sub3A : i32
    %jit3A_34 = arith.constant 2 : i32
    %div3A = arith.divsi %sub3A_33, %jit3A_34 : i32
    %sign3A = arith.constant 0 : i32
    %sign3A_35 = arith.cmpi sgt, %sub3A_33, %sign3A : i32
    %sign3A_36 = arith.extui %sign3A_35 : i1 to i32
    %sign3A_37 = arith.constant 0 : i32
    %sign3A_38 = arith.cmpi slt, %sub3A_33, %sign3A_37 : i32
    %sign3A_39 = arith.extui %sign3A_38 : i1 to i32
    %sign3A_40 = arith.subi %sign3A_36, %sign3A_39 : i32
    %sign3A_41 = arith.constant 0 : i32
    %sign3A_42 = arith.cmpi sgt, %jit3A_34, %sign3A_41 : i32
    %sign3A_43 = arith.extui %sign3A_42 : i1 to i32
    %sign3A_44 = arith.constant 0 : i32
    %sign3A_45 = arith.cmpi slt, %jit3A_34, %sign3A_44 : i32
    %sign3A_46 = arith.extui %sign3A_45 : i1 to i32
    %sign3A_47 = arith.subi %sign3A_43, %sign3A_46 : i32
    %ne3A = arith.cmpi ne, %sign3A_40, %sign3A_47 : i32
    %rem3A = arith.remsi %sub3A_33, %jit3A_34 : i32
    %ne3A_48 = arith.constant 0 : i32
    %ne3A_49 = arith.cmpi ne, %rem3A, %ne3A_48 : i32
    %and3A = arith.andi %ne3A, %ne3A_49 : i1
    %sub3A_50 = arith.constant 1 : i32
    %sub3A_51 = arith.subi %div3A, %sub3A_50 : i32
    %select_n3A_52 = arith.select %and3A, %sub3A_51, %div3A : i32
    %while3A = arith.constant 0 : i32
    %while3A_53 = arith.constant 0 : i32
    %while3A_54 = arith.subi %select_n3A_52, %while3A_53 : i32
    %while3A_55 = arith.addi %while3A_53, %while3A_54 : i32
    %while3A_56 = arith.constant 1 : i32
    %while3A_57 = arith.divsi %while3A_54, %while3A_56 : i32
    %while3A_58 = arith.muli %while3A_57, %while3A_56 : i32
    %while3A_59 = arith.addi %while3A_53, %while3A_58 : i32
    %while3A_60 = arith.constant 1 : i32
    scf.for %while3A_69 = %while3A_53 to %while3A_59 step %while3A_60  : i32 {
      %mul3A_70 = arith.constant 2 : i32
      %mul3A_71 = arith.muli %mul3A_70, %while3A_69 : i32
      %add3A_72 = arith.constant 0 : i32
      %add3A_73 = arith.addi %mul3A_71, %add3A_72 : i32
      %add3A_74 = arith.constant 1 : i32
      %add3A_75 = arith.addi %add3A_73, %add3A_74 : i32
      %add3A_76 = arith.addi %select_n3A, %add3A_75 : i32
      "tpu.region"() ({
        %run_scoped3A_114 = tpu.sem_alloc : memref<!tpu.dma_semaphore, #tpu.memory_space<semaphore_mem>>
        %dma_start3A_115 = arith.constant 0 : i32
        %dma_start3A_116 = arith.constant 0 : i32
        %dma_start3A_117 = tpu.memref_slice %arg2[%add3A_76, %dma_start3A_115, %dma_start3A_116] : memref<2528x2x128xi32, #tpu.memory_space<hbm>> -> memref<1x2x128xi32, #tpu.memory_space<hbm>>
        %dma_start3A_118 = tpu.memref_squeeze %dma_start3A_117 : memref<1x2x128xi32, #tpu.memory_space<hbm>> -> memref<2x128xi32, #tpu.memory_space<hbm>>
        %dma_start3A_119 = arith.constant 0 : i32
        %dma_start3A_120 = arith.constant 0 : i32
        %dma_start3A_121 = tpu.memref_slice %arg2[%add3A_76, %dma_start3A_119, %dma_start3A_120] : memref<2528x2x128xi32, #tpu.memory_space<hbm>> -> memref<1x2x128xi32, #tpu.memory_space<hbm>>
        %dma_start3A_122 = tpu.memref_squeeze %dma_start3A_121 : memref<1x2x128xi32, #tpu.memory_space<hbm>> -> memref<2x128xi32, #tpu.memory_space<hbm>>
        tpu.enqueue_dma source(%dma_start3A_122 : memref<2x128xi32, #tpu.memory_space<hbm>>) target(%arg6 : memref<2x128xi32, #tpu.memory_space<vmem>>) target_semaphore(%run_scoped3A_114 : memref<!tpu.dma_semaphore, #tpu.memory_space<semaphore_mem>>)
        %dma_wait3A_123 = arith.constant 0 : i32
        %dma_wait3A_124 = arith.constant 0 : i32
        %dma_wait3A_125 = tpu.memref_slice %arg2[%add3A_76, %dma_wait3A_123, %dma_wait3A_124] : memref<2528x2x128xi32, #tpu.memory_space<hbm>> -> memref<1x2x128xi32, #tpu.memory_space<hbm>>
        %dma_wait3A_126 = tpu.memref_squeeze %dma_wait3A_125 : memref<1x2x128xi32, #tpu.memory_space<hbm>> -> memref<2x128xi32, #tpu.memory_space<hbm>>
        %dma_wait3A_127 = arith.constant 0 : i32
        %dma_wait3A_128 = arith.constant 0 : i32
        %dma_wait3A_129 = tpu.memref_slice %arg2[%add3A_76, %dma_wait3A_127, %dma_wait3A_128] : memref<2528x2x128xi32, #tpu.memory_space<hbm>> -> memref<1x2x128xi32, #tpu.memory_space<hbm>>
        %dma_wait3A_130 = tpu.memref_squeeze %dma_wait3A_129 : memref<1x2x128xi32, #tpu.memory_space<hbm>> -> memref<2x128xi32, #tpu.memory_space<hbm>>
        tpu.wait_dma2 semaphore(%run_scoped3A_114 : memref<!tpu.dma_semaphore, #tpu.memory_space<semaphore_mem>>) src(%dma_wait3A_130 : memref<2x128xi32, #tpu.memory_space<hbm>>) dst(%arg6 : memref<2x128xi32, #tpu.memory_space<vmem>>)
        tpu.yield
      }) : () -> ()
      %dma_wait3A_77 = arith.constant 0 : i32
      %dma_wait3A_78 = arith.constant 0 : i32
      %dma_wait3A_79 = tpu.memref_slice %arg5[%dma_wait3A_77, %dma_wait3A_78] : memref<2x128xi32, #tpu.memory_space<vmem>> -> memref<1x128xi32, #tpu.memory_space<vmem>>
      %dma_wait3A_80 = tpu.memref_squeeze %dma_wait3A_79 : memref<1x128xi32, #tpu.memory_space<vmem>> -> memref<128xi32, #tpu.memory_space<vmem>>
      %dma_wait3A_81 = arith.constant 0 : i32
      %dma_wait3A_82 = arith.constant 0 : i32
      %dma_wait3A_83 = tpu.memref_slice %arg3[%dma_wait3A_81, %dma_wait3A_82] : memref<10240x128xf32, #tpu.memory_space<hbm>> -> memref<10240x128xf32, #tpu.memory_space<hbm>>
      tpu.wait_indirect_dma semaphore(%arg10 : memref<!tpu.dma_semaphore, #tpu.memory_space<semaphore_mem>>) src(%dma_wait3A_83 : memref<10240x128xf32, #tpu.memory_space<hbm>>) dst(%arg7 : memref<128x128xf32, #tpu.memory_space<vmem>>)
      %dma_start3A_84 = arith.constant 0 : i32
      %dma_start3A_85 = arith.constant 0 : i32
      %dma_start3A_86 = tpu.memref_slice %arg6[%dma_start3A_84, %dma_start3A_85] : memref<2x128xi32, #tpu.memory_space<vmem>> -> memref<1x128xi32, #tpu.memory_space<vmem>>
      %dma_start3A_87 = tpu.memref_squeeze %dma_start3A_86 : memref<1x128xi32, #tpu.memory_space<vmem>> -> memref<128xi32, #tpu.memory_space<vmem>>
      %dma_start3A_88 = arith.constant 0 : i32
      %dma_start3A_89 = arith.constant 0 : i32
      %dma_start3A_90 = tpu.memref_slice %arg3[%dma_start3A_88, %dma_start3A_89] : memref<10240x128xf32, #tpu.memory_space<hbm>> -> memref<10240x128xf32, #tpu.memory_space<hbm>>
      tpu.enqueue_indirect_dma source(%dma_start3A_90 : memref<10240x128xf32, #tpu.memory_space<hbm>>) target(%arg8 : memref<128x128xf32, #tpu.memory_space<vmem>>) offsets(%dma_start3A_87 : memref<128xi32, #tpu.memory_space<vmem>>) semaphore(%arg11 : memref<!tpu.dma_semaphore, #tpu.memory_space<semaphore_mem>>)
      %run_scoped3A_91 = arith.constant 1 : i32
      "tpu.region"() ({
        %run_scoped3A_114 = tpu.sem_alloc : memref<!tpu.dma_semaphore, #tpu.memory_space<semaphore_mem>>
        %dma_start3A_115 = arith.constant 0 : i32
        %dma_start3A_116 = tpu.memref_slice %arg5[%run_scoped3A_91, %dma_start3A_115] : memref<2x128xi32, #tpu.memory_space<vmem>> -> memref<1x128xi32, #tpu.memory_space<vmem>>
        %dma_start3A_117 = tpu.memref_squeeze %dma_start3A_116 : memref<1x128xi32, #tpu.memory_space<vmem>> -> memref<128xi32, #tpu.memory_space<vmem>>
        %dma_start3A_118 = arith.constant 0 : i32
        %dma_start3A_119 = arith.constant 0 : i32
        %dma_start3A_120 = tpu.memref_slice %arg9[%dma_start3A_118, %dma_start3A_119] : memref<10240x128xf32, #tpu.memory_space<vmem_shared>> -> memref<10240x128xf32, #tpu.memory_space<vmem_shared>>
        tpu.enqueue_indirect_dma source(%arg7 : memref<128x128xf32, #tpu.memory_space<vmem>>) target(%dma_start3A_120 : memref<10240x128xf32, #tpu.memory_space<vmem_shared>>) offsets(%dma_start3A_117 : memref<128xi32, #tpu.memory_space<vmem>>) semaphore(%run_scoped3A_114 : memref<!tpu.dma_semaphore, #tpu.memory_space<semaphore_mem>>) {add = true}
        %dma_wait3A_121 = arith.constant 0 : i32
        %dma_wait3A_122 = tpu.memref_slice %arg5[%run_scoped3A_91, %dma_wait3A_121] : memref<2x128xi32, #tpu.memory_space<vmem>> -> memref<1x128xi32, #tpu.memory_space<vmem>>
        %dma_wait3A_123 = tpu.memref_squeeze %dma_wait3A_122 : memref<1x128xi32, #tpu.memory_space<vmem>> -> memref<128xi32, #tpu.memory_space<vmem>>
        %dma_wait3A_124 = arith.constant 0 : i32
        %dma_wait3A_125 = arith.constant 0 : i32
        %dma_wait3A_126 = tpu.memref_slice %arg9[%dma_wait3A_124, %dma_wait3A_125] : memref<10240x128xf32, #tpu.memory_space<vmem_shared>> -> memref<10240x128xf32, #tpu.memory_space<vmem_shared>>
        tpu.wait_indirect_dma semaphore(%run_scoped3A_114 : memref<!tpu.dma_semaphore, #tpu.memory_space<semaphore_mem>>) src(%arg7 : memref<128x128xf32, #tpu.memory_space<vmem>>) dst(%dma_wait3A_126 : memref<10240x128xf32, #tpu.memory_space<vmem_shared>>)
        tpu.yield
      }) : () -> ()
      %mul3A_92 = arith.constant 2 : i32
      %mul3A_93 = arith.muli %mul3A_92, %while3A_69 : i32
      %add3A_94 = arith.constant 1 : i32
      %add3A_95 = arith.addi %mul3A_93, %add3A_94 : i32
      %add3A_96 = arith.constant 1 : i32
      %add3A_97 = arith.addi %add3A_95, %add3A_96 : i32
      %add3A_98 = arith.addi %select_n3A, %add3A_97 : i32
      "tpu.region"() ({
        %run_scoped3A_114 = tpu.sem_alloc : memref<!tpu.dma_semaphore, #tpu.memory_space<semaphore_mem>>
        %dma_start3A_115 = arith.constant 0 : i32
        %dma_start3A_116 = arith.constant 0 : i32
        %dma_start3A_117 = tpu.memref_slice %arg2[%add3A_98, %dma_start3A_115, %dma_start3A_116] : memref<2528x2x128xi32, #tpu.memory_space<hbm>> -> memref<1x2x128xi32, #tpu.memory_space<hbm>>
        %dma_start3A_118 = tpu.memref_squeeze %dma_start3A_117 : memref<1x2x128xi32, #tpu.memory_space<hbm>> -> memref<2x128xi32, #tpu.memory_space<hbm>>
        %dma_start3A_119 = arith.constant 0 : i32
        %dma_start3A_120 = arith.constant 0 : i32
        %dma_start3A_121 = tpu.memref_slice %arg2[%add3A_98, %dma_start3A_119, %dma_start3A_120] : memref<2528x2x128xi32, #tpu.memory_space<hbm>> -> memref<1x2x128xi32, #tpu.memory_space<hbm>>
        %dma_start3A_122 = tpu.memref_squeeze %dma_start3A_121 : memref<1x2x128xi32, #tpu.memory_space<hbm>> -> memref<2x128xi32, #tpu.memory_space<hbm>>
        tpu.enqueue_dma source(%dma_start3A_122 : memref<2x128xi32, #tpu.memory_space<hbm>>) target(%arg5 : memref<2x128xi32, #tpu.memory_space<vmem>>) target_semaphore(%run_scoped3A_114 : memref<!tpu.dma_semaphore, #tpu.memory_space<semaphore_mem>>)
        %dma_wait3A_123 = arith.constant 0 : i32
        %dma_wait3A_124 = arith.constant 0 : i32
        %dma_wait3A_125 = tpu.memref_slice %arg2[%add3A_98, %dma_wait3A_123, %dma_wait3A_124] : memref<2528x2x128xi32, #tpu.memory_space<hbm>> -> memref<1x2x128xi32, #tpu.memory_space<hbm>>
        %dma_wait3A_126 = tpu.memref_squeeze %dma_wait3A_125 : memref<1x2x128xi32, #tpu.memory_space<hbm>> -> memref<2x128xi32, #tpu.memory_space<hbm>>
        %dma_wait3A_127 = arith.constant 0 : i32
        %dma_wait3A_128 = arith.constant 0 : i32
        %dma_wait3A_129 = tpu.memref_slice %arg2[%add3A_98, %dma_wait3A_127, %dma_wait3A_128] : memref<2528x2x128xi32, #tpu.memory_space<hbm>> -> memref<1x2x128xi32, #tpu.memory_space<hbm>>
        %dma_wait3A_130 = tpu.memref_squeeze %dma_wait3A_129 : memref<1x2x128xi32, #tpu.memory_space<hbm>> -> memref<2x128xi32, #tpu.memory_space<hbm>>
        tpu.wait_dma2 semaphore(%run_scoped3A_114 : memref<!tpu.dma_semaphore, #tpu.memory_space<semaphore_mem>>) src(%dma_wait3A_130 : memref<2x128xi32, #tpu.memory_space<hbm>>) dst(%arg5 : memref<2x128xi32, #tpu.memory_space<vmem>>)
        tpu.yield
      }) : () -> ()
      %dma_wait3A_99 = arith.constant 0 : i32
      %dma_wait3A_100 = arith.constant 0 : i32
      %dma_wait3A_101 = tpu.memref_slice %arg6[%dma_wait3A_99, %dma_wait3A_100] : memref<2x128xi32, #tpu.memory_space<vmem>> -> memref<1x128xi32, #tpu.memory_space<vmem>>
      %dma_wait3A_102 = tpu.memref_squeeze %dma_wait3A_101 : memref<1x128xi32, #tpu.memory_space<vmem>> -> memref<128xi32, #tpu.memory_space<vmem>>
      %dma_wait3A_103 = arith.constant 0 : i32
      %dma_wait3A_104 = arith.constant 0 : i32
      %dma_wait3A_105 = tpu.memref_slice %arg3[%dma_wait3A_103, %dma_wait3A_104] : memref<10240x128xf32, #tpu.memory_space<hbm>> -> memref<10240x128xf32, #tpu.memory_space<hbm>>
      tpu.wait_indirect_dma semaphore(%arg11 : memref<!tpu.dma_semaphore, #tpu.memory_space<semaphore_mem>>) src(%dma_wait3A_105 : memref<10240x128xf32, #tpu.memory_space<hbm>>) dst(%arg8 : memref<128x128xf32, #tpu.memory_space<vmem>>)
      %dma_start3A_106 = arith.constant 0 : i32
      %dma_start3A_107 = arith.constant 0 : i32
      %dma_start3A_108 = tpu.memref_slice %arg5[%dma_start3A_106, %dma_start3A_107] : memref<2x128xi32, #tpu.memory_space<vmem>> -> memref<1x128xi32, #tpu.memory_space<vmem>>
      %dma_start3A_109 = tpu.memref_squeeze %dma_start3A_108 : memref<1x128xi32, #tpu.memory_space<vmem>> -> memref<128xi32, #tpu.memory_space<vmem>>
      %dma_start3A_110 = arith.constant 0 : i32
      %dma_start3A_111 = arith.constant 0 : i32
      %dma_start3A_112 = tpu.memref_slice %arg3[%dma_start3A_110, %dma_start3A_111] : memref<10240x128xf32, #tpu.memory_space<hbm>> -> memref<10240x128xf32, #tpu.memory_space<hbm>>
      tpu.enqueue_indirect_dma source(%dma_start3A_112 : memref<10240x128xf32, #tpu.memory_space<hbm>>) target(%arg7 : memref<128x128xf32, #tpu.memory_space<vmem>>) offsets(%dma_start3A_109 : memref<128xi32, #tpu.memory_space<vmem>>) semaphore(%arg10 : memref<!tpu.dma_semaphore, #tpu.memory_space<semaphore_mem>>)
      %run_scoped3A_113 = arith.constant 1 : i32
      "tpu.region"() ({
        %run_scoped3A_114 = tpu.sem_alloc : memref<!tpu.dma_semaphore, #tpu.memory_space<semaphore_mem>>
        %dma_start3A_115 = arith.constant 0 : i32
        %dma_start3A_116 = tpu.memref_slice %arg6[%run_scoped3A_113, %dma_start3A_115] : memref<2x128xi32, #tpu.memory_space<vmem>> -> memref<1x128xi32, #tpu.memory_space<vmem>>
        %dma_start3A_117 = tpu.memref_squeeze %dma_start3A_116 : memref<1x128xi32, #tpu.memory_space<vmem>> -> memref<128xi32, #tpu.memory_space<vmem>>
        %dma_start3A_118 = arith.constant 0 : i32
        %dma_start3A_119 = arith.constant 0 : i32
        %dma_start3A_120 = tpu.memref_slice %arg9[%dma_start3A_118, %dma_start3A_119] : memref<10240x128xf32, #tpu.memory_space<vmem_shared>> -> memref<10240x128xf32, #tpu.memory_space<vmem_shared>>
        tpu.enqueue_indirect_dma source(%arg8 : memref<128x128xf32, #tpu.memory_space<vmem>>) target(%dma_start3A_120 : memref<10240x128xf32, #tpu.memory_space<vmem_shared>>) offsets(%dma_start3A_117 : memref<128xi32, #tpu.memory_space<vmem>>) semaphore(%run_scoped3A_114 : memref<!tpu.dma_semaphore, #tpu.memory_space<semaphore_mem>>) {add = true}
        %dma_wait3A_121 = arith.constant 0 : i32
        %dma_wait3A_122 = tpu.memref_slice %arg6[%run_scoped3A_113, %dma_wait3A_121] : memref<2x128xi32, #tpu.memory_space<vmem>> -> memref<1x128xi32, #tpu.memory_space<vmem>>
        %dma_wait3A_123 = tpu.memref_squeeze %dma_wait3A_122 : memref<1x128xi32, #tpu.memory_space<vmem>> -> memref<128xi32, #tpu.memory_space<vmem>>
        %dma_wait3A_124 = arith.constant 0 : i32
        %dma_wait3A_125 = arith.constant 0 : i32
        %dma_wait3A_126 = tpu.memref_slice %arg9[%dma_wait3A_124, %dma_wait3A_125] : memref<10240x128xf32, #tpu.memory_space<vmem_shared>> -> memref<10240x128xf32, #tpu.memory_space<vmem_shared>>
        tpu.wait_indirect_dma semaphore(%run_scoped3A_114 : memref<!tpu.dma_semaphore, #tpu.memory_space<semaphore_mem>>) src(%arg8 : memref<128x128xf32, #tpu.memory_space<vmem>>) dst(%dma_wait3A_126 : memref<10240x128xf32, #tpu.memory_space<vmem_shared>>)
        tpu.yield
      }) : () -> ()
    }
    %while3A_61 = arith.constant 1 : i32
    scf.for %while3A_69 = %while3A_59 to %while3A_55 step %while3A_61  : i32 {
      %mul3A_70 = arith.constant 2 : i32
      %mul3A_71 = arith.muli %mul3A_70, %while3A_69 : i32
      %add3A_72 = arith.constant 0 : i32
      %add3A_73 = arith.addi %mul3A_71, %add3A_72 : i32
      %add3A_74 = arith.constant 1 : i32
      %add3A_75 = arith.addi %add3A_73, %add3A_74 : i32
      %add3A_76 = arith.addi %select_n3A, %add3A_75 : i32
      "tpu.region"() ({
        %run_scoped3A_114 = tpu.sem_alloc : memref<!tpu.dma_semaphore, #tpu.memory_space<semaphore_mem>>
        %dma_start3A_115 = arith.constant 0 : i32
        %dma_start3A_116 = arith.constant 0 : i32
        %dma_start3A_117 = tpu.memref_slice %arg2[%add3A_76, %dma_start3A_115, %dma_start3A_116] : memref<2528x2x128xi32, #tpu.memory_space<hbm>> -> memref<1x2x128xi32, #tpu.memory_space<hbm>>
        %dma_start3A_118 = tpu.memref_squeeze %dma_start3A_117 : memref<1x2x128xi32, #tpu.memory_space<hbm>> -> memref<2x128xi32, #tpu.memory_space<hbm>>
        %dma_start3A_119 = arith.constant 0 : i32
        %dma_start3A_120 = arith.constant 0 : i32
        %dma_start3A_121 = tpu.memref_slice %arg2[%add3A_76, %dma_start3A_119, %dma_start3A_120] : memref<2528x2x128xi32, #tpu.memory_space<hbm>> -> memref<1x2x128xi32, #tpu.memory_space<hbm>>
        %dma_start3A_122 = tpu.memref_squeeze %dma_start3A_121 : memref<1x2x128xi32, #tpu.memory_space<hbm>> -> memref<2x128xi32, #tpu.memory_space<hbm>>
        tpu.enqueue_dma source(%dma_start3A_122 : memref<2x128xi32, #tpu.memory_space<hbm>>) target(%arg6 : memref<2x128xi32, #tpu.memory_space<vmem>>) target_semaphore(%run_scoped3A_114 : memref<!tpu.dma_semaphore, #tpu.memory_space<semaphore_mem>>)
        %dma_wait3A_123 = arith.constant 0 : i32
        %dma_wait3A_124 = arith.constant 0 : i32
        %dma_wait3A_125 = tpu.memref_slice %arg2[%add3A_76, %dma_wait3A_123, %dma_wait3A_124] : memref<2528x2x128xi32, #tpu.memory_space<hbm>> -> memref<1x2x128xi32, #tpu.memory_space<hbm>>
        %dma_wait3A_126 = tpu.memref_squeeze %dma_wait3A_125 : memref<1x2x128xi32, #tpu.memory_space<hbm>> -> memref<2x128xi32, #tpu.memory_space<hbm>>
        %dma_wait3A_127 = arith.constant 0 : i32
        %dma_wait3A_128 = arith.constant 0 : i32
        %dma_wait3A_129 = tpu.memref_slice %arg2[%add3A_76, %dma_wait3A_127, %dma_wait3A_128] : memref<2528x2x128xi32, #tpu.memory_space<hbm>> -> memref<1x2x128xi32, #tpu.memory_space<hbm>>
        %dma_wait3A_130 = tpu.memref_squeeze %dma_wait3A_129 : memref<1x2x128xi32, #tpu.memory_space<hbm>> -> memref<2x128xi32, #tpu.memory_space<hbm>>
        tpu.wait_dma2 semaphore(%run_scoped3A_114 : memref<!tpu.dma_semaphore, #tpu.memory_space<semaphore_mem>>) src(%dma_wait3A_130 : memref<2x128xi32, #tpu.memory_space<hbm>>) dst(%arg6 : memref<2x128xi32, #tpu.memory_space<vmem>>)
        tpu.yield
      }) : () -> ()
      %dma_wait3A_77 = arith.constant 0 : i32
      %dma_wait3A_78 = arith.constant 0 : i32
      %dma_wait3A_79 = tpu.memref_slice %arg5[%dma_wait3A_77, %dma_wait3A_78] : memref<2x128xi32, #tpu.memory_space<vmem>> -> memref<1x128xi32, #tpu.memory_space<vmem>>
      %dma_wait3A_80 = tpu.memref_squeeze %dma_wait3A_79 : memref<1x128xi32, #tpu.memory_space<vmem>> -> memref<128xi32, #tpu.memory_space<vmem>>
      %dma_wait3A_81 = arith.constant 0 : i32
      %dma_wait3A_82 = arith.constant 0 : i32
      %dma_wait3A_83 = tpu.memref_slice %arg3[%dma_wait3A_81, %dma_wait3A_82] : memref<10240x128xf32, #tpu.memory_space<hbm>> -> memref<10240x128xf32, #tpu.memory_space<hbm>>
      tpu.wait_indirect_dma semaphore(%arg10 : memref<!tpu.dma_semaphore, #tpu.memory_space<semaphore_mem>>) src(%dma_wait3A_83 : memref<10240x128xf32, #tpu.memory_space<hbm>>) dst(%arg7 : memref<128x128xf32, #tpu.memory_space<vmem>>)
      %dma_start3A_84 = arith.constant 0 : i32
      %dma_start3A_85 = arith.constant 0 : i32
      %dma_start3A_86 = tpu.memref_slice %arg6[%dma_start3A_84, %dma_start3A_85] : memref<2x128xi32, #tpu.memory_space<vmem>> -> memref<1x128xi32, #tpu.memory_space<vmem>>
      %dma_start3A_87 = tpu.memref_squeeze %dma_start3A_86 : memref<1x128xi32, #tpu.memory_space<vmem>> -> memref<128xi32, #tpu.memory_space<vmem>>
      %dma_start3A_88 = arith.constant 0 : i32
      %dma_start3A_89 = arith.constant 0 : i32
      %dma_start3A_90 = tpu.memref_slice %arg3[%dma_start3A_88, %dma_start3A_89] : memref<10240x128xf32, #tpu.memory_space<hbm>> -> memref<10240x128xf32, #tpu.memory_space<hbm>>
      tpu.enqueue_indirect_dma source(%dma_start3A_90 : memref<10240x128xf32, #tpu.memory_space<hbm>>) target(%arg8 : memref<128x128xf32, #tpu.memory_space<vmem>>) offsets(%dma_start3A_87 : memref<128xi32, #tpu.memory_space<vmem>>) semaphore(%arg11 : memref<!tpu.dma_semaphore, #tpu.memory_space<semaphore_mem>>)
      %run_scoped3A_91 = arith.constant 1 : i32
      "tpu.region"() ({
        %run_scoped3A_114 = tpu.sem_alloc : memref<!tpu.dma_semaphore, #tpu.memory_space<semaphore_mem>>
        %dma_start3A_115 = arith.constant 0 : i32
        %dma_start3A_116 = tpu.memref_slice %arg5[%run_scoped3A_91, %dma_start3A_115] : memref<2x128xi32, #tpu.memory_space<vmem>> -> memref<1x128xi32, #tpu.memory_space<vmem>>
        %dma_start3A_117 = tpu.memref_squeeze %dma_start3A_116 : memref<1x128xi32, #tpu.memory_space<vmem>> -> memref<128xi32, #tpu.memory_space<vmem>>
        %dma_start3A_118 = arith.constant 0 : i32
        %dma_start3A_119 = arith.constant 0 : i32
        %dma_start3A_120 = tpu.memref_slice %arg9[%dma_start3A_118, %dma_start3A_119] : memref<10240x128xf32, #tpu.memory_space<vmem_shared>> -> memref<10240x128xf32, #tpu.memory_space<vmem_shared>>
        tpu.enqueue_indirect_dma source(%arg7 : memref<128x128xf32, #tpu.memory_space<vmem>>) target(%dma_start3A_120 : memref<10240x128xf32, #tpu.memory_space<vmem_shared>>) offsets(%dma_start3A_117 : memref<128xi32, #tpu.memory_space<vmem>>) semaphore(%run_scoped3A_114 : memref<!tpu.dma_semaphore, #tpu.memory_space<semaphore_mem>>) {add = true}
        %dma_wait3A_121 = arith.constant 0 : i32
        %dma_wait3A_122 = tpu.memref_slice %arg5[%run_scoped3A_91, %dma_wait3A_121] : memref<2x128xi32, #tpu.memory_space<vmem>> -> memref<1x128xi32, #tpu.memory_space<vmem>>
        %dma_wait3A_123 = tpu.memref_squeeze %dma_wait3A_122 : memref<1x128xi32, #tpu.memory_space<vmem>> -> memref<128xi32, #tpu.memory_space<vmem>>
        %dma_wait3A_124 = arith.constant 0 : i32
        %dma_wait3A_125 = arith.constant 0 : i32
        %dma_wait3A_126 = tpu.memref_slice %arg9[%dma_wait3A_124, %dma_wait3A_125] : memref<10240x128xf32, #tpu.memory_space<vmem_shared>> -> memref<10240x128xf32, #tpu.memory_space<vmem_shared>>
        tpu.wait_indirect_dma semaphore(%run_scoped3A_114 : memref<!tpu.dma_semaphore, #tpu.memory_space<semaphore_mem>>) src(%arg7 : memref<128x128xf32, #tpu.memory_space<vmem>>) dst(%dma_wait3A_126 : memref<10240x128xf32, #tpu.memory_space<vmem_shared>>)
        tpu.yield
      }) : () -> ()
      %mul3A_92 = arith.constant 2 : i32
      %mul3A_93 = arith.muli %mul3A_92, %while3A_69 : i32
      %add3A_94 = arith.constant 1 : i32
      %add3A_95 = arith.addi %mul3A_93, %add3A_94 : i32
      %add3A_96 = arith.constant 1 : i32
      %add3A_97 = arith.addi %add3A_95, %add3A_96 : i32
      %add3A_98 = arith.addi %select_n3A, %add3A_97 : i32
      "tpu.region"() ({
        %run_scoped3A_114 = tpu.sem_alloc : memref<!tpu.dma_semaphore, #tpu.memory_space<semaphore_mem>>
        %dma_start3A_115 = arith.constant 0 : i32
        %dma_start3A_116 = arith.constant 0 : i32
        %dma_start3A_117 = tpu.memref_slice %arg2[%add3A_98, %dma_start3A_115, %dma_start3A_116] : memref<2528x2x128xi32, #tpu.memory_space<hbm>> -> memref<1x2x128xi32, #tpu.memory_space<hbm>>
        %dma_start3A_118 = tpu.memref_squeeze %dma_start3A_117 : memref<1x2x128xi32, #tpu.memory_space<hbm>> -> memref<2x128xi32, #tpu.memory_space<hbm>>
        %dma_start3A_119 = arith.constant 0 : i32
        %dma_start3A_120 = arith.constant 0 : i32
        %dma_start3A_121 = tpu.memref_slice %arg2[%add3A_98, %dma_start3A_119, %dma_start3A_120] : memref<2528x2x128xi32, #tpu.memory_space<hbm>> -> memref<1x2x128xi32, #tpu.memory_space<hbm>>
        %dma_start3A_122 = tpu.memref_squeeze %dma_start3A_121 : memref<1x2x128xi32, #tpu.memory_space<hbm>> -> memref<2x128xi32, #tpu.memory_space<hbm>>
        tpu.enqueue_dma source(%dma_start3A_122 : memref<2x128xi32, #tpu.memory_space<hbm>>) target(%arg5 : memref<2x128xi32, #tpu.memory_space<vmem>>) target_semaphore(%run_scoped3A_114 : memref<!tpu.dma_semaphore, #tpu.memory_space<semaphore_mem>>)
        %dma_wait3A_123 = arith.constant 0 : i32
        %dma_wait3A_124 = arith.constant 0 : i32
        %dma_wait3A_125 = tpu.memref_slice %arg2[%add3A_98, %dma_wait3A_123, %dma_wait3A_124] : memref<2528x2x128xi32, #tpu.memory_space<hbm>> -> memref<1x2x128xi32, #tpu.memory_space<hbm>>
        %dma_wait3A_126 = tpu.memref_squeeze %dma_wait3A_125 : memref<1x2x128xi32, #tpu.memory_space<hbm>> -> memref<2x128xi32, #tpu.memory_space<hbm>>
        %dma_wait3A_127 = arith.constant 0 : i32
        %dma_wait3A_128 = arith.constant 0 : i32
        %dma_wait3A_129 = tpu.memref_slice %arg2[%add3A_98, %dma_wait3A_127, %dma_wait3A_128] : memref<2528x2x128xi32, #tpu.memory_space<hbm>> -> memref<1x2x128xi32, #tpu.memory_space<hbm>>
        %dma_wait3A_130 = tpu.memref_squeeze %dma_wait3A_129 : memref<1x2x128xi32, #tpu.memory_space<hbm>> -> memref<2x128xi32, #tpu.memory_space<hbm>>
        tpu.wait_dma2 semaphore(%run_scoped3A_114 : memref<!tpu.dma_semaphore, #tpu.memory_space<semaphore_mem>>) src(%dma_wait3A_130 : memref<2x128xi32, #tpu.memory_space<hbm>>) dst(%arg5 : memref<2x128xi32, #tpu.memory_space<vmem>>)
        tpu.yield
      }) : () -> ()
      %dma_wait3A_99 = arith.constant 0 : i32
      %dma_wait3A_100 = arith.constant 0 : i32
      %dma_wait3A_101 = tpu.memref_slice %arg6[%dma_wait3A_99, %dma_wait3A_100] : memref<2x128xi32, #tpu.memory_space<vmem>> -> memref<1x128xi32, #tpu.memory_space<vmem>>
      %dma_wait3A_102 = tpu.memref_squeeze %dma_wait3A_101 : memref<1x128xi32, #tpu.memory_space<vmem>> -> memref<128xi32, #tpu.memory_space<vmem>>
      %dma_wait3A_103 = arith.constant 0 : i32
      %dma_wait3A_104 = arith.constant 0 : i32
      %dma_wait3A_105 = tpu.memref_slice %arg3[%dma_wait3A_103, %dma_wait3A_104] : memref<10240x128xf32, #tpu.memory_space<hbm>> -> memref<10240x128xf32, #tpu.memory_space<hbm>>
      tpu.wait_indirect_dma semaphore(%arg11 : memref<!tpu.dma_semaphore, #tpu.memory_space<semaphore_mem>>) src(%dma_wait3A_105 : memref<10240x128xf32, #tpu.memory_space<hbm>>) dst(%arg8 : memref<128x128xf32, #tpu.memory_space<vmem>>)
      %dma_start3A_106 = arith.constant 0 : i32
      %dma_start3A_107 = arith.constant 0 : i32
      %dma_start3A_108 = tpu.memref_slice %arg5[%dma_start3A_106, %dma_start3A_107] : memref<2x128xi32, #tpu.memory_space<vmem>> -> memref<1x128xi32, #tpu.memory_space<vmem>>
      %dma_start3A_109 = tpu.memref_squeeze %dma_start3A_108 : memref<1x128xi32, #tpu.memory_space<vmem>> -> memref<128xi32, #tpu.memory_space<vmem>>
      %dma_start3A_110 = arith.constant 0 : i32
      %dma_start3A_111 = arith.constant 0 : i32
      %dma_start3A_112 = tpu.memref_slice %arg3[%dma_start3A_110, %dma_start3A_111] : memref<10240x128xf32, #tpu.memory_space<hbm>> -> memref<10240x128xf32, #tpu.memory_space<hbm>>
      tpu.enqueue_indirect_dma source(%dma_start3A_112 : memref<10240x128xf32, #tpu.memory_space<hbm>>) target(%arg7 : memref<128x128xf32, #tpu.memory_space<vmem>>) offsets(%dma_start3A_109 : memref<128xi32, #tpu.memory_space<vmem>>) semaphore(%arg10 : memref<!tpu.dma_semaphore, #tpu.memory_space<semaphore_mem>>)
      %run_scoped3A_113 = arith.constant 1 : i32
      "tpu.region"() ({
        %run_scoped3A_114 = tpu.sem_alloc : memref<!tpu.dma_semaphore, #tpu.memory_space<semaphore_mem>>
        %dma_start3A_115 = arith.constant 0 : i32
        %dma_start3A_116 = tpu.memref_slice %arg6[%run_scoped3A_113, %dma_start3A_115] : memref<2x128xi32, #tpu.memory_space<vmem>> -> memref<1x128xi32, #tpu.memory_space<vmem>>
        %dma_start3A_117 = tpu.memref_squeeze %dma_start3A_116 : memref<1x128xi32, #tpu.memory_space<vmem>> -> memref<128xi32, #tpu.memory_space<vmem>>
        %dma_start3A_118 = arith.constant 0 : i32
        %dma_start3A_119 = arith.constant 0 : i32
        %dma_start3A_120 = tpu.memref_slice %arg9[%dma_start3A_118, %dma_start3A_119] : memref<10240x128xf32, #tpu.memory_space<vmem_shared>> -> memref<10240x128xf32, #tpu.memory_space<vmem_shared>>
        tpu.enqueue_indirect_dma source(%arg8 : memref<128x128xf32, #tpu.memory_space<vmem>>) target(%dma_start3A_120 : memref<10240x128xf32, #tpu.memory_space<vmem_shared>>) offsets(%dma_start3A_117 : memref<128xi32, #tpu.memory_space<vmem>>) semaphore(%run_scoped3A_114 : memref<!tpu.dma_semaphore, #tpu.memory_space<semaphore_mem>>) {add = true}
        %dma_wait3A_121 = arith.constant 0 : i32
        %dma_wait3A_122 = tpu.memref_slice %arg6[%run_scoped3A_113, %dma_wait3A_121] : memref<2x128xi32, #tpu.memory_space<vmem>> -> memref<1x128xi32, #tpu.memory_space<vmem>>
        %dma_wait3A_123 = tpu.memref_squeeze %dma_wait3A_122 : memref<1x128xi32, #tpu.memory_space<vmem>> -> memref<128xi32, #tpu.memory_space<vmem>>
        %dma_wait3A_124 = arith.constant 0 : i32
        %dma_wait3A_125 = arith.constant 0 : i32
        %dma_wait3A_126 = tpu.memref_slice %arg9[%dma_wait3A_124, %dma_wait3A_125] : memref<10240x128xf32, #tpu.memory_space<vmem_shared>> -> memref<10240x128xf32, #tpu.memory_space<vmem_shared>>
        tpu.wait_indirect_dma semaphore(%run_scoped3A_114 : memref<!tpu.dma_semaphore, #tpu.memory_space<semaphore_mem>>) src(%arg8 : memref<128x128xf32, #tpu.memory_space<vmem>>) dst(%dma_wait3A_126 : memref<10240x128xf32, #tpu.memory_space<vmem_shared>>)
        tpu.yield
      }) : () -> ()
    }
    %dma_wait3A = arith.constant 0 : i32
    %dma_wait3A_62 = arith.constant 0 : i32
    %dma_wait3A_63 = tpu.memref_slice %arg5[%dma_wait3A, %dma_wait3A_62] : memref<2x128xi32, #tpu.memory_space<vmem>> -> memref<1x128xi32, #tpu.memory_space<vmem>>
    %dma_wait3A_64 = tpu.memref_squeeze %dma_wait3A_63 : memref<1x128xi32, #tpu.memory_space<vmem>> -> memref<128xi32, #tpu.memory_space<vmem>>
    %dma_wait3A_65 = arith.constant 0 : i32
    %dma_wait3A_66 = arith.constant 0 : i32
    %dma_wait3A_67 = tpu.memref_slice %arg3[%dma_wait3A_65, %dma_wait3A_66] : memref<10240x128xf32, #tpu.memory_space<hbm>> -> memref<10240x128xf32, #tpu.memory_space<hbm>>
    tpu.wait_indirect_dma semaphore(%arg10 : memref<!tpu.dma_semaphore, #tpu.memory_space<semaphore_mem>>) src(%dma_wait3A_67 : memref<10240x128xf32, #tpu.memory_space<hbm>>) dst(%arg7 : memref<128x128xf32, #tpu.memory_space<vmem>>)
    %run_scoped3A = arith.constant 1 : i32
    "tpu.region"() ({
      %run_scoped3A_69 = tpu.sem_alloc : memref<!tpu.dma_semaphore, #tpu.memory_space<semaphore_mem>>
      %dma_start3A_70 = arith.constant 0 : i32
      %dma_start3A_71 = tpu.memref_slice %arg5[%run_scoped3A, %dma_start3A_70] : memref<2x128xi32, #tpu.memory_space<vmem>> -> memref<1x128xi32, #tpu.memory_space<vmem>>
      %dma_start3A_72 = tpu.memref_squeeze %dma_start3A_71 : memref<1x128xi32, #tpu.memory_space<vmem>> -> memref<128xi32, #tpu.memory_space<vmem>>
      %dma_start3A_73 = arith.constant 0 : i32
      %dma_start3A_74 = arith.constant 0 : i32
      %dma_start3A_75 = tpu.memref_slice %arg9[%dma_start3A_73, %dma_start3A_74] : memref<10240x128xf32, #tpu.memory_space<vmem_shared>> -> memref<10240x128xf32, #tpu.memory_space<vmem_shared>>
      tpu.enqueue_indirect_dma source(%arg7 : memref<128x128xf32, #tpu.memory_space<vmem>>) target(%dma_start3A_75 : memref<10240x128xf32, #tpu.memory_space<vmem_shared>>) offsets(%dma_start3A_72 : memref<128xi32, #tpu.memory_space<vmem>>) semaphore(%run_scoped3A_69 : memref<!tpu.dma_semaphore, #tpu.memory_space<semaphore_mem>>) {add = true}
      %dma_wait3A_76 = arith.constant 0 : i32
      %dma_wait3A_77 = tpu.memref_slice %arg5[%run_scoped3A, %dma_wait3A_76] : memref<2x128xi32, #tpu.memory_space<vmem>> -> memref<1x128xi32, #tpu.memory_space<vmem>>
      %dma_wait3A_78 = tpu.memref_squeeze %dma_wait3A_77 : memref<1x128xi32, #tpu.memory_space<vmem>> -> memref<128xi32, #tpu.memory_space<vmem>>
      %dma_wait3A_79 = arith.constant 0 : i32
      %dma_wait3A_80 = arith.constant 0 : i32
      %dma_wait3A_81 = tpu.memref_slice %arg9[%dma_wait3A_79, %dma_wait3A_80] : memref<10240x128xf32, #tpu.memory_space<vmem_shared>> -> memref<10240x128xf32, #tpu.memory_space<vmem_shared>>
      tpu.wait_indirect_dma semaphore(%run_scoped3A_69 : memref<!tpu.dma_semaphore, #tpu.memory_space<semaphore_mem>>) src(%arg7 : memref<128x128xf32, #tpu.memory_space<vmem>>) dst(%dma_wait3A_81 : memref<10240x128xf32, #tpu.memory_space<vmem_shared>>)
      tpu.yield
    }) : () -> ()
    %barrier3A_68 = arith.constant 0 : index
    tpu.barrier barrier_id(%barrier3A_68)
    "tpu.region"() ({
      %run_scoped3A_69 = tpu.sem_alloc : memref<!tpu.dma_semaphore, #tpu.memory_space<semaphore_mem>>
      %dma_start3A_70 = arith.constant 0 : i32
      %dma_start3A_71 = tpu.memref_slice %arg4[%arg0, %mul3A_16, %dma_start3A_70] : memref<2x10240x128xf32, #tpu.memory_space<hbm>> -> memref<1x640x128xf32, #tpu.memory_space<hbm>>
      %dma_start3A_72 = tpu.memref_squeeze %dma_start3A_71 : memref<1x640x128xf32, #tpu.memory_space<hbm>> -> memref<640x128xf32, #tpu.memory_space<hbm>>
      %dma_start3A_73 = arith.constant 0 : i32
      %dma_start3A_74 = tpu.memref_slice %arg9[%mul3A_16, %dma_start3A_73] : memref<10240x128xf32, #tpu.memory_space<vmem_shared>> -> memref<640x128xf32, #tpu.memory_space<vmem_shared>>
      tpu.enqueue_dma source(%dma_start3A_74 : memref<640x128xf32, #tpu.memory_space<vmem_shared>>) target(%dma_start3A_72 : memref<640x128xf32, #tpu.memory_space<hbm>>) target_semaphore(%run_scoped3A_69 : memref<!tpu.dma_semaphore, #tpu.memory_space<semaphore_mem>>)
      %dma_wait3A_75 = arith.constant 0 : i32
      %dma_wait3A_76 = tpu.memref_slice %arg4[%arg0, %mul3A_16, %dma_wait3A_75] : memref<2x10240x128xf32, #tpu.memory_space<hbm>> -> memref<1x640x128xf32, #tpu.memory_space<hbm>>
      %dma_wait3A_77 = tpu.memref_squeeze %dma_wait3A_76 : memref<1x640x128xf32, #tpu.memory_space<hbm>> -> memref<640x128xf32, #tpu.memory_space<hbm>>
      %dma_wait3A_78 = arith.constant 0 : i32
      %dma_wait3A_79 = tpu.memref_slice %arg9[%mul3A_16, %dma_wait3A_78] : memref<10240x128xf32, #tpu.memory_space<vmem_shared>> -> memref<640x128xf32, #tpu.memory_space<vmem_shared>>
      tpu.wait_dma2 semaphore(%run_scoped3A_69 : memref<!tpu.dma_semaphore, #tpu.memory_space<semaphore_mem>>) src(%dma_wait3A_79 : memref<640x128xf32, #tpu.memory_space<vmem_shared>>) dst(%dma_wait3A_77 : memref<640x128xf32, #tpu.memory_space<hbm>>)
      tpu.yield
    }) : () -> ()
    return
  }
}

#map = affine_map<(d0, d1) -> (0, 0, 0)>
#map1 = affine_map<(d0, d1) -> (0, 0)>
module attributes {stable_mosaic.version = 14 : i64} {
  func.func @body(%arg0: i32, %arg1: i32, %arg2: memref<2528x2x128xi32, #tpu.memory_space<hbm>>, %arg3: memref<10240x128xf32, #tpu.memory_space<hbm>>, %arg4: memref<2x10240x128xf32, #tpu.memory_space<hbm>>, %arg5: memref<2x128xi32, #tpu.memory_space<vmem>>, %arg6: memref<2x128xi32, #tpu.memory_space<vmem>>, %arg7: memref<128x128xf32, #tpu.memory_space<vmem>>, %arg8: memref<128x128xf32, #tpu.memory_space<vmem>>, %arg9: memref<10240x128xf32, #tpu.memory_space<vmem_shared>>, %arg10: memref<!tpu.dma_semaphore, #tpu.memory_space<semaphore_mem>>, %arg11: memref<!tpu.dma_semaphore, #tpu.memory_space<semaphore_mem>>) attributes {dimension_semantics = [#tpu.dimension_semantics<core_parallel>, #tpu.dimension_semantics<subcore_parallel>], iteration_bounds = array<i64: 2, 16>, scalar_prefetch = 0 : i64, scratch_operands = 7 : i64, tpu.core_type = #tpu.core_type<sc_vector_subcore>, window_params = [{transform_indices = #map}, {transform_indices = #map1}, {transform_indices = #map}]} {
    %eq3A = arith.constant 0 : i32
    %eq3A_0 = arith.cmpi eq, %arg0, %eq3A : i32
    %mul3A = arith.constant 127 : i32
    %mul3A_1 = arith.muli %arg1, %mul3A : i32
    %mul3A_2 = arith.constant 31 : i32
    %mul3A_3 = arith.muli %arg1, %mul3A_2 : i32
    %add3A = arith.constant 2032 : i32
    %add3A_4 = arith.addi %add3A, %mul3A_3 : i32
    %select_n3A = arith.select %eq3A_0, %mul3A_1, %add3A_4 : i32
    %eq3A_5 = arith.constant 0 : i32
    %eq3A_6 = arith.cmpi eq, %arg0, %eq3A_5 : i32
    %jit3A = arith.constant 127 : i32
    %jit3A_7 = arith.constant 31 : i32
    %select_n3A_8 = arith.select %eq3A_6, %jit3A, %jit3A_7 : i32
    %broadcast_in_dim3A = arith.constant 0.000000e+00 : f32
    %broadcast_in_dim3A_9 = vector.broadcast %broadcast_in_dim3A : f32 to vector<16xf32>
    %scan3A = arith.constant 0 : i32
    %scan3A_10 = arith.constant 0 : i32
    %scan3A_11 = arith.constant 128 : i32
    %scan3A_12 = arith.addi %scan3A_10, %scan3A_11 : i32
    %scan3A_13 = arith.constant 1 : i32
    scf.for %scan3A_69 = %scan3A_10 to %scan3A_12 step %scan3A_13  : i32 {
      %swap3A = arith.index_cast %scan3A_69 : i32 to index
      %swap3A_70 = arith.constant 0 : index
      %swap3A_71 = tpu.vector_load %arg7[%swap3A, %swap3A_70] {strides = array<i32>} : memref<128x128xf32, #tpu.memory_space<vmem>>, vector<1x16xf32>,
      %swap3A_72 = vector.shape_cast %swap3A_71 : vector<1x16xf32> to vector<16xf32>
      %swap3A_73 = vector.shape_cast %broadcast_in_dim3A_9 : vector<16xf32> to vector<1x16xf32>
      tpu.vector_store %arg7[%swap3A, %swap3A_70], %swap3A_73 {strides = array<i32>} : memref<128x128xf32, #tpu.memory_space<vmem>>, vector<1x16xf32>,
      %swap3A_74 = arith.index_cast %scan3A_69 : i32 to index
      %swap3A_75 = arith.constant 16 : index
      %swap3A_76 = tpu.vector_load %arg7[%swap3A_74, %swap3A_75] {strides = array<i32>} : memref<128x128xf32, #tpu.memory_space<vmem>>, vector<1x16xf32>,
      %swap3A_77 = vector.shape_cast %swap3A_76 : vector<1x16xf32> to vector<16xf32>
      %swap3A_78 = vector.shape_cast %broadcast_in_dim3A_9 : vector<16xf32> to vector<1x16xf32>
      tpu.vector_store %arg7[%swap3A_74, %swap3A_75], %swap3A_78 {strides = array<i32>} : memref<128x128xf32, #tpu.memory_space<vmem>>, vector<1x16xf32>,
      %swap3A_79 = arith.index_cast %scan3A_69 : i32 to index
      %swap3A_80 = arith.constant 32 : index
      %swap3A_81 = tpu.vector_load %arg7[%swap3A_79, %swap3A_80] {strides = array<i32>} : memref<128x128xf32, #tpu.memory_space<vmem>>, vector<1x16xf32>,
      %swap3A_82 = vector.shape_cast %swap3A_81 : vector<1x16xf32> to vector<16xf32>
      %swap3A_83 = vector.shape_cast %broadcast_in_dim3A_9 : vector<16xf32> to vector<1x16xf32>
      tpu.vector_store %arg7[%swap3A_79, %swap3A_80], %swap3A_83 {strides = array<i32>} : memref<128x128xf32, #tpu.memory_space<vmem>>, vector<1x16xf32>,
      %swap3A_84 = arith.index_cast %scan3A_69 : i32 to index
      %swap3A_85 = arith.constant 48 : index
      %swap3A_86 = tpu.vector_load %arg7[%swap3A_84, %swap3A_85] {strides = array<i32>} : memref<128x128xf32, #tpu.memory_space<vmem>>, vector<1x16xf32>,
      %swap3A_87 = vector.shape_cast %swap3A_86 : vector<1x16xf32> to vector<16xf32>
      %swap3A_88 = vector.shape_cast %broadcast_in_dim3A_9 : vector<16xf32> to vector<1x16xf32>
      tpu.vector_store %arg7[%swap3A_84, %swap3A_85], %swap3A_88 {strides = array<i32>} : memref<128x128xf32, #tpu.memory_space<vmem>>, vector<1x16xf32>,
      %swap3A_89 = arith.index_cast %scan3A_69 : i32 to index
      %swap3A_90 = arith.constant 64 : index
      %swap3A_91 = tpu.vector_load %arg7[%swap3A_89, %swap3A_90] {strides = array<i32>} : memref<128x128xf32, #tpu.memory_space<vmem>>, vector<1x16xf32>,
      %swap3A_92 = vector.shape_cast %swap3A_91 : vector<1x16xf32> to vector<16xf32>
      %swap3A_93 = vector.shape_cast %broadcast_in_dim3A_9 : vector<16xf32> to vector<1x16xf32>
      tpu.vector_store %arg7[%swap3A_89, %swap3A_90], %swap3A_93 {strides = array<i32>} : memref<128x128xf32, #tpu.memory_space<vmem>>, vector<1x16xf32>,
      %swap3A_94 = arith.index_cast %scan3A_69 : i32 to index
      %swap3A_95 = arith.constant 80 : index
      %swap3A_96 = tpu.vector_load %arg7[%swap3A_94, %swap3A_95] {strides = array<i32>} : memref<128x128xf32, #tpu.memory_space<vmem>>, vector<1x16xf32>,
      %swap3A_97 = vector.shape_cast %swap3A_96 : vector<1x16xf32> to vector<16xf32>
      %swap3A_98 = vector.shape_cast %broadcast_in_dim3A_9 : vector<16xf32> to vector<1x16xf32>
      tpu.vector_store %arg7[%swap3A_94, %swap3A_95], %swap3A_98 {strides = array<i32>} : memref<128x128xf32, #tpu.memory_space<vmem>>, vector<1x16xf32>,
      %swap3A_99 = arith.index_cast %scan3A_69 : i32 to index
      %swap3A_100 = arith.constant 96 : index
      %swap3A_101 = tpu.vector_load %arg7[%swap3A_99, %swap3A_100] {strides = array<i32>} : memref<128x128xf32, #tpu.memory_space<vmem>>, vector<1x16xf32>,
      %swap3A_102 = vector.shape_cast %swap3A_101 : vector<1x16xf32> to vector<16xf32>
      %swap3A_103 = vector.shape_cast %broadcast_in_dim3A_9 : vector<16xf32> to vector<1x16xf32>
      tpu.vector_store %arg7[%swap3A_99, %swap3A_100], %swap3A_103 {strides = array<i32>} : memref<128x128xf32, #tpu.memory_space<vmem>>, vector<1x16xf32>,
      %swap3A_104 = arith.index_cast %scan3A_69 : i32 to index
      %swap3A_105 = arith.constant 112 : index
      %swap3A_106 = tpu.vector_load %arg7[%swap3A_104, %swap3A_105] {strides = array<i32>} : memref<128x128xf32, #tpu.memory_space<vmem>>, vector<1x16xf32>,
      %swap3A_107 = vector.shape_cast %swap3A_106 : vector<1x16xf32> to vector<16xf32>
      %swap3A_108 = vector.shape_cast %broadcast_in_dim3A_9 : vector<16xf32> to vector<1x16xf32>
      tpu.vector_store %arg7[%swap3A_104, %swap3A_105], %swap3A_108 {strides = array<i32>} : memref<128x128xf32, #tpu.memory_space<vmem>>, vector<1x16xf32>,
    }
    %scan3A_14 = arith.constant 128 : i32
    %mul3A_15 = arith.constant 640 : i32
    %mul3A_16 = arith.muli %arg1, %mul3A_15 : i32
    %add3A_17 = arith.constant 0 : i32
    %add3A_18 = arith.addi %mul3A_16, %add3A_17 : i32
    "tpu.region"() ({
      %run_scoped3A_69 = tpu.sem_alloc : memref<!tpu.dma_semaphore, #tpu.memory_space<semaphore_mem>>
      %dma_start3A_70 = arith.constant 0 : i32
      %dma_start3A_71 = tpu.memref_slice %arg9[%add3A_18, %dma_start3A_70] : memref<10240x128xf32, #tpu.memory_space<vmem_shared>> -> memref<128x128xf32, #tpu.memory_space<vmem_shared>>
      %dma_start3A_72 = arith.constant 0 : i32
      %dma_start3A_73 = tpu.memref_slice %arg9[%add3A_18, %dma_start3A_72] : memref<10240x128xf32, #tpu.memory_space<vmem_shared>> -> memref<128x128xf32, #tpu.memory_space<vmem_shared>>
      tpu.enqueue_dma source(%arg7 : memref<128x128xf32, #tpu.memory_space<vmem>>) target(%dma_start3A_73 : memref<128x128xf32, #tpu.memory_space<vmem_shared>>) target_semaphore(%run_scoped3A_69 : memref<!tpu.dma_semaphore, #tpu.memory_space<semaphore_mem>>)
      %dma_wait3A_74 = arith.constant 0 : i32
      %dma_wait3A_75 = tpu.memref_slice %arg9[%add3A_18, %dma_wait3A_74] : memref<10240x128xf32, #tpu.memory_space<vmem_shared>> -> memref<128x128xf32, #tpu.memory_space<vmem_shared>>
      %dma_wait3A_76 = arith.constant 0 : i32
      %dma_wait3A_77 = tpu.memref_slice %arg9[%add3A_18, %dma_wait3A_76] : memref<10240x128xf32, #tpu.memory_space<vmem_shared>> -> memref<128x128xf32, #tpu.memory_space<vmem_shared>>
      tpu.wait_dma2 semaphore(%run_scoped3A_69 : memref<!tpu.dma_semaphore, #tpu.memory_space<semaphore_mem>>) src(%arg7 : memref<128x128xf32, #tpu.memory_space<vmem>>) dst(%dma_wait3A_77 : memref<128x128xf32, #tpu.memory_space<vmem_shared>>)
      tpu.yield
    }) : () -> ()
    %add3A_19 = arith.constant 128 : i32
    %add3A_20 = arith.addi %mul3A_16, %add3A_19 : i32
    "tpu.region"() ({
      %run_scoped3A_69 = tpu.sem_alloc : memref<!tpu.dma_semaphore, #tpu.memory_space<semaphore_mem>>
      %dma_start3A_70 = arith.constant 0 : i32
      %dma_start3A_71 = tpu.memref_slice %arg9[%add3A_20, %dma_start3A_70] : memref<10240x128xf32, #tpu.memory_space<vmem_shared>> -> memref<128x128xf32, #tpu.memory_space<vmem_shared>>
      %dma_start3A_72 = arith.constant 0 : i32
      %dma_start3A_73 = tpu.memref_slice %arg9[%add3A_20, %dma_start3A_72] : memref<10240x128xf32, #tpu.memory_space<vmem_shared>> -> memref<128x128xf32, #tpu.memory_space<vmem_shared>>
      tpu.enqueue_dma source(%arg7 : memref<128x128xf32, #tpu.memory_space<vmem>>) target(%dma_start3A_73 : memref<128x128xf32, #tpu.memory_space<vmem_shared>>) target_semaphore(%run_scoped3A_69 : memref<!tpu.dma_semaphore, #tpu.memory_space<semaphore_mem>>)
      %dma_wait3A_74 = arith.constant 0 : i32
      %dma_wait3A_75 = tpu.memref_slice %arg9[%add3A_20, %dma_wait3A_74] : memref<10240x128xf32, #tpu.memory_space<vmem_shared>> -> memref<128x128xf32, #tpu.memory_space<vmem_shared>>
      %dma_wait3A_76 = arith.constant 0 : i32
      %dma_wait3A_77 = tpu.memref_slice %arg9[%add3A_20, %dma_wait3A_76] : memref<10240x128xf32, #tpu.memory_space<vmem_shared>> -> memref<128x128xf32, #tpu.memory_space<vmem_shared>>
      tpu.wait_dma2 semaphore(%run_scoped3A_69 : memref<!tpu.dma_semaphore, #tpu.memory_space<semaphore_mem>>) src(%arg7 : memref<128x128xf32, #tpu.memory_space<vmem>>) dst(%dma_wait3A_77 : memref<128x128xf32, #tpu.memory_space<vmem_shared>>)
      tpu.yield
    }) : () -> ()
    %add3A_21 = arith.constant 256 : i32
    %add3A_22 = arith.addi %mul3A_16, %add3A_21 : i32
    "tpu.region"() ({
      %run_scoped3A_69 = tpu.sem_alloc : memref<!tpu.dma_semaphore, #tpu.memory_space<semaphore_mem>>
      %dma_start3A_70 = arith.constant 0 : i32
      %dma_start3A_71 = tpu.memref_slice %arg9[%add3A_22, %dma_start3A_70] : memref<10240x128xf32, #tpu.memory_space<vmem_shared>> -> memref<128x128xf32, #tpu.memory_space<vmem_shared>>
      %dma_start3A_72 = arith.constant 0 : i32
      %dma_start3A_73 = tpu.memref_slice %arg9[%add3A_22, %dma_start3A_72] : memref<10240x128xf32, #tpu.memory_space<vmem_shared>> -> memref<128x128xf32, #tpu.memory_space<vmem_shared>>
      tpu.enqueue_dma source(%arg7 : memref<128x128xf32, #tpu.memory_space<vmem>>) target(%dma_start3A_73 : memref<128x128xf32, #tpu.memory_space<vmem_shared>>) target_semaphore(%run_scoped3A_69 : memref<!tpu.dma_semaphore, #tpu.memory_space<semaphore_mem>>)
      %dma_wait3A_74 = arith.constant 0 : i32
      %dma_wait3A_75 = tpu.memref_slice %arg9[%add3A_22, %dma_wait3A_74] : memref<10240x128xf32, #tpu.memory_space<vmem_shared>> -> memref<128x128xf32, #tpu.memory_space<vmem_shared>>
      %dma_wait3A_76 = arith.constant 0 : i32
      %dma_wait3A_77 = tpu.memref_slice %arg9[%add3A_22, %dma_wait3A_76] : memref<10240x128xf32, #tpu.memory_space<vmem_shared>> -> memref<128x128xf32, #tpu.memory_space<vmem_shared>>
      tpu.wait_dma2 semaphore(%run_scoped3A_69 : memref<!tpu.dma_semaphore, #tpu.memory_space<semaphore_mem>>) src(%arg7 : memref<128x128xf32, #tpu.memory_space<vmem>>) dst(%dma_wait3A_77 : memref<128x128xf32, #tpu.memory_space<vmem_shared>>)
      tpu.yield
    }) : () -> ()
    %add3A_23 = arith.constant 384 : i32
    %add3A_24 = arith.addi %mul3A_16, %add3A_23 : i32
    "tpu.region"() ({
      %run_scoped3A_69 = tpu.sem_alloc : memref<!tpu.dma_semaphore, #tpu.memory_space<semaphore_mem>>
      %dma_start3A_70 = arith.constant 0 : i32
      %dma_start3A_71 = tpu.memref_slice %arg9[%add3A_24, %dma_start3A_70] : memref<10240x128xf32, #tpu.memory_space<vmem_shared>> -> memref<128x128xf32, #tpu.memory_space<vmem_shared>>
      %dma_start3A_72 = arith.constant 0 : i32
      %dma_start3A_73 = tpu.memref_slice %arg9[%add3A_24, %dma_start3A_72] : memref<10240x128xf32, #tpu.memory_space<vmem_shared>> -> memref<128x128xf32, #tpu.memory_space<vmem_shared>>
      tpu.enqueue_dma source(%arg7 : memref<128x128xf32, #tpu.memory_space<vmem>>) target(%dma_start3A_73 : memref<128x128xf32, #tpu.memory_space<vmem_shared>>) target_semaphore(%run_scoped3A_69 : memref<!tpu.dma_semaphore, #tpu.memory_space<semaphore_mem>>)
      %dma_wait3A_74 = arith.constant 0 : i32
      %dma_wait3A_75 = tpu.memref_slice %arg9[%add3A_24, %dma_wait3A_74] : memref<10240x128xf32, #tpu.memory_space<vmem_shared>> -> memref<128x128xf32, #tpu.memory_space<vmem_shared>>
      %dma_wait3A_76 = arith.constant 0 : i32
      %dma_wait3A_77 = tpu.memref_slice %arg9[%add3A_24, %dma_wait3A_76] : memref<10240x128xf32, #tpu.memory_space<vmem_shared>> -> memref<128x128xf32, #tpu.memory_space<vmem_shared>>
      tpu.wait_dma2 semaphore(%run_scoped3A_69 : memref<!tpu.dma_semaphore, #tpu.memory_space<semaphore_mem>>) src(%arg7 : memref<128x128xf32, #tpu.memory_space<vmem>>) dst(%dma_wait3A_77 : memref<128x128xf32, #tpu.memory_space<vmem_shared>>)
      tpu.yield
    }) : () -> ()
    %add3A_25 = arith.constant 512 : i32
    %add3A_26 = arith.addi %mul3A_16, %add3A_25 : i32
    "tpu.region"() ({
      %run_scoped3A_69 = tpu.sem_alloc : memref<!tpu.dma_semaphore, #tpu.memory_space<semaphore_mem>>
      %dma_start3A_70 = arith.constant 0 : i32
      %dma_start3A_71 = tpu.memref_slice %arg9[%add3A_26, %dma_start3A_70] : memref<10240x128xf32, #tpu.memory_space<vmem_shared>> -> memref<128x128xf32, #tpu.memory_space<vmem_shared>>
      %dma_start3A_72 = arith.constant 0 : i32
      %dma_start3A_73 = tpu.memref_slice %arg9[%add3A_26, %dma_start3A_72] : memref<10240x128xf32, #tpu.memory_space<vmem_shared>> -> memref<128x128xf32, #tpu.memory_space<vmem_shared>>
      tpu.enqueue_dma source(%arg7 : memref<128x128xf32, #tpu.memory_space<vmem>>) target(%dma_start3A_73 : memref<128x128xf32, #tpu.memory_space<vmem_shared>>) target_semaphore(%run_scoped3A_69 : memref<!tpu.dma_semaphore, #tpu.memory_space<semaphore_mem>>)
      %dma_wait3A_74 = arith.constant 0 : i32
      %dma_wait3A_75 = tpu.memref_slice %arg9[%add3A_26, %dma_wait3A_74] : memref<10240x128xf32, #tpu.memory_space<vmem_shared>> -> memref<128x128xf32, #tpu.memory_space<vmem_shared>>
      %dma_wait3A_76 = arith.constant 0 : i32
      %dma_wait3A_77 = tpu.memref_slice %arg9[%add3A_26, %dma_wait3A_76] : memref<10240x128xf32, #tpu.memory_space<vmem_shared>> -> memref<128x128xf32, #tpu.memory_space<vmem_shared>>
      tpu.wait_dma2 semaphore(%run_scoped3A_69 : memref<!tpu.dma_semaphore, #tpu.memory_space<semaphore_mem>>) src(%arg7 : memref<128x128xf32, #tpu.memory_space<vmem>>) dst(%dma_wait3A_77 : memref<128x128xf32, #tpu.memory_space<vmem_shared>>)
      tpu.yield
    }) : () -> ()
    %barrier3A = arith.constant 0 : index
    tpu.barrier barrier_id(%barrier3A)
    "tpu.region"() ({
      %run_scoped3A_69 = tpu.sem_alloc : memref<!tpu.dma_semaphore, #tpu.memory_space<semaphore_mem>>
      %dma_start3A_70 = arith.constant 0 : i32
      %dma_start3A_71 = arith.constant 0 : i32
      %dma_start3A_72 = tpu.memref_slice %arg2[%select_n3A, %dma_start3A_70, %dma_start3A_71] : memref<2528x2x128xi32, #tpu.memory_space<hbm>> -> memref<1x2x128xi32, #tpu.memory_space<hbm>>
      %dma_start3A_73 = tpu.memref_squeeze %dma_start3A_72 : memref<1x2x128xi32, #tpu.memory_space<hbm>> -> memref<2x128xi32, #tpu.memory_space<hbm>>
      %dma_start3A_74 = arith.constant 0 : i32
      %dma_start3A_75 = arith.constant 0 : i32
      %dma_start3A_76 = tpu.memref_slice %arg2[%select_n3A, %dma_start3A_74, %dma_start3A_75] : memref<2528x2x128xi32, #tpu.memory_space<hbm>> -> memref<1x2x128xi32, #tpu.memory_space<hbm>>
      %dma_start3A_77 = tpu.memref_squeeze %dma_start3A_76 : memref<1x2x128xi32, #tpu.memory_space<hbm>> -> memref<2x128xi32, #tpu.memory_space<hbm>>
      tpu.enqueue_dma source(%dma_start3A_77 : memref<2x128xi32, #tpu.memory_space<hbm>>) target(%arg5 : memref<2x128xi32, #tpu.memory_space<vmem>>) target_semaphore(%run_scoped3A_69 : memref<!tpu.dma_semaphore, #tpu.memory_space<semaphore_mem>>)
      %dma_wait3A_78 = arith.constant 0 : i32
      %dma_wait3A_79 = arith.constant 0 : i32
      %dma_wait3A_80 = tpu.memref_slice %arg2[%select_n3A, %dma_wait3A_78, %dma_wait3A_79] : memref<2528x2x128xi32, #tpu.memory_space<hbm>> -> memref<1x2x128xi32, #tpu.memory_space<hbm>>
      %dma_wait3A_81 = tpu.memref_squeeze %dma_wait3A_80 : memref<1x2x128xi32, #tpu.memory_space<hbm>> -> memref<2x128xi32, #tpu.memory_space<hbm>>
      %dma_wait3A_82 = arith.constant 0 : i32
      %dma_wait3A_83 = arith.constant 0 : i32
      %dma_wait3A_84 = tpu.memref_slice %arg2[%select_n3A, %dma_wait3A_82, %dma_wait3A_83] : memref<2528x2x128xi32, #tpu.memory_space<hbm>> -> memref<1x2x128xi32, #tpu.memory_space<hbm>>
      %dma_wait3A_85 = tpu.memref_squeeze %dma_wait3A_84 : memref<1x2x128xi32, #tpu.memory_space<hbm>> -> memref<2x128xi32, #tpu.memory_space<hbm>>
      tpu.wait_dma2 semaphore(%run_scoped3A_69 : memref<!tpu.dma_semaphore, #tpu.memory_space<semaphore_mem>>) src(%dma_wait3A_85 : memref<2x128xi32, #tpu.memory_space<hbm>>) dst(%arg5 : memref<2x128xi32, #tpu.memory_space<vmem>>)
      tpu.yield
    }) : () -> ()
    %dma_start3A = arith.constant 0 : i32
    %dma_start3A_27 = arith.constant 0 : i32
    %dma_start3A_28 = tpu.memref_slice %arg5[%dma_start3A, %dma_start3A_27] : memref<2x128xi32, #tpu.memory_space<vmem>> -> memref<1x128xi32, #tpu.memory_space<vmem>>
    %dma_start3A_29 = tpu.memref_squeeze %dma_start3A_28 : memref<1x128xi32, #tpu.memory_space<vmem>> -> memref<128xi32, #tpu.memory_space<vmem>>
    %dma_start3A_30 = arith.constant 0 : i32
    %dma_start3A_31 = arith.constant 0 : i32
    %dma_start3A_32 = tpu.memref_slice %arg3[%dma_start3A_30, %dma_start3A_31] : memref<10240x128xf32, #tpu.memory_space<hbm>> -> memref<10240x128xf32, #tpu.memory_space<hbm>>
    tpu.enqueue_indirect_dma source(%dma_start3A_32 : memref<10240x128xf32, #tpu.memory_space<hbm>>) target(%arg7 : memref<128x128xf32, #tpu.memory_space<vmem>>) offsets(%dma_start3A_29 : memref<128xi32, #tpu.memory_space<vmem>>) semaphore(%arg10 : memref<!tpu.dma_semaphore, #tpu.memory_space<semaphore_mem>>)
    %sub3A = arith.constant 1 : i32
    %sub3A_33 = arith.subi %select_n3A_8, %sub3A : i32
    %jit3A_34 = arith.constant 2 : i32
    %div3A = arith.divsi %sub3A_33, %jit3A_34 : i32
    %sign3A = arith.constant 0 : i32
    %sign3A_35 = arith.cmpi sgt, %sub3A_33, %sign3A : i32
    %sign3A_36 = arith.extui %sign3A_35 : i1 to i32
    %sign3A_37 = arith.constant 0 : i32
    %sign3A_38 = arith.cmpi slt, %sub3A_33, %sign3A_37 : i32
    %sign3A_39 = arith.extui %sign3A_38 : i1 to i32
    %sign3A_40 = arith.subi %sign3A_36, %sign3A_39 : i32
    %sign3A_41 = arith.constant 0 : i32
    %sign3A_42 = arith.cmpi sgt, %jit3A_34, %sign3A_41 : i32
    %sign3A_43 = arith.extui %sign3A_42 : i1 to i32
    %sign3A_44 = arith.constant 0 : i32
    %sign3A_45 = arith.cmpi slt, %jit3A_34, %sign3A_44 : i32
    %sign3A_46 = arith.extui %sign3A_45 : i1 to i32
    %sign3A_47 = arith.subi %sign3A_43, %sign3A_46 : i32
    %ne3A = arith.cmpi ne, %sign3A_40, %sign3A_47 : i32
    %rem3A = arith.remsi %sub3A_33, %jit3A_34 : i32
    %ne3A_48 = arith.constant 0 : i32
    %ne3A_49 = arith.cmpi ne, %rem3A, %ne3A_48 : i32
    %and3A = arith.andi %ne3A, %ne3A_49 : i1
    %sub3A_50 = arith.constant 1 : i32
    %sub3A_51 = arith.subi %div3A, %sub3A_50 : i32
    %select_n3A_52 = arith.select %and3A, %sub3A_51, %div3A : i32
    %while3A = arith.constant 0 : i32
    %while3A_53 = arith.constant 0 : i32
    %while3A_54 = arith.subi %select_n3A_52, %while3A_53 : i32
    %while3A_55 = arith.addi %while3A_53, %while3A_54 : i32
    %while3A_56 = arith.constant 1 : i32
    %while3A_57 = arith.divsi %while3A_54, %while3A_56 : i32
    %while3A_58 = arith.muli %while3A_57, %while3A_56 : i32
    %while3A_59 = arith.addi %while3A_53, %while3A_58 : i32
    %while3A_60 = arith.constant 1 : i32
    scf.for %while3A_69 = %while3A_53 to %while3A_59 step %while3A_60  : i32 {
      %mul3A_70 = arith.constant 2 : i32
      %mul3A_71 = arith.muli %mul3A_70, %while3A_69 : i32
      %add3A_72 = arith.constant 0 : i32
      %add3A_73 = arith.addi %mul3A_71, %add3A_72 : i32
      %add3A_74 = arith.constant 1 : i32
      %add3A_75 = arith.addi %add3A_73, %add3A_74 : i32
      %add3A_76 = arith.addi %select_n3A, %add3A_75 : i32
      "tpu.region"() ({
        %run_scoped3A_114 = tpu.sem_alloc : memref<!tpu.dma_semaphore, #tpu.memory_space<semaphore_mem>>
        %dma_start3A_115 = arith.constant 0 : i32
        %dma_start3A_116 = arith.constant 0 : i32
        %dma_start3A_117 = tpu.memref_slice %arg2[%add3A_76, %dma_start3A_115, %dma_start3A_116] : memref<2528x2x128xi32, #tpu.memory_space<hbm>> -> memref<1x2x128xi32, #tpu.memory_space<hbm>>
        %dma_start3A_118 = tpu.memref_squeeze %dma_start3A_117 : memref<1x2x128xi32, #tpu.memory_space<hbm>> -> memref<2x128xi32, #tpu.memory_space<hbm>>
        %dma_start3A_119 = arith.constant 0 : i32
        %dma_start3A_120 = arith.constant 0 : i32
        %dma_start3A_121 = tpu.memref_slice %arg2[%add3A_76, %dma_start3A_119, %dma_start3A_120] : memref<2528x2x128xi32, #tpu.memory_space<hbm>> -> memref<1x2x128xi32, #tpu.memory_space<hbm>>
        %dma_start3A_122 = tpu.memref_squeeze %dma_start3A_121 : memref<1x2x128xi32, #tpu.memory_space<hbm>> -> memref<2x128xi32, #tpu.memory_space<hbm>>
        tpu.enqueue_dma source(%dma_start3A_122 : memref<2x128xi32, #tpu.memory_space<hbm>>) target(%arg6 : memref<2x128xi32, #tpu.memory_space<vmem>>) target_semaphore(%run_scoped3A_114 : memref<!tpu.dma_semaphore, #tpu.memory_space<semaphore_mem>>)
        %dma_wait3A_123 = arith.constant 0 : i32
        %dma_wait3A_124 = arith.constant 0 : i32
        %dma_wait3A_125 = tpu.memref_slice %arg2[%add3A_76, %dma_wait3A_123, %dma_wait3A_124] : memref<2528x2x128xi32, #tpu.memory_space<hbm>> -> memref<1x2x128xi32, #tpu.memory_space<hbm>>
        %dma_wait3A_126 = tpu.memref_squeeze %dma_wait3A_125 : memref<1x2x128xi32, #tpu.memory_space<hbm>> -> memref<2x128xi32, #tpu.memory_space<hbm>>
        %dma_wait3A_127 = arith.constant 0 : i32
        %dma_wait3A_128 = arith.constant 0 : i32
        %dma_wait3A_129 = tpu.memref_slice %arg2[%add3A_76, %dma_wait3A_127, %dma_wait3A_128] : memref<2528x2x128xi32, #tpu.memory_space<hbm>> -> memref<1x2x128xi32, #tpu.memory_space<hbm>>
        %dma_wait3A_130 = tpu.memref_squeeze %dma_wait3A_129 : memref<1x2x128xi32, #tpu.memory_space<hbm>> -> memref<2x128xi32, #tpu.memory_space<hbm>>
        tpu.wait_dma2 semaphore(%run_scoped3A_114 : memref<!tpu.dma_semaphore, #tpu.memory_space<semaphore_mem>>) src(%dma_wait3A_130 : memref<2x128xi32, #tpu.memory_space<hbm>>) dst(%arg6 : memref<2x128xi32, #tpu.memory_space<vmem>>)
        tpu.yield
      }) : () -> ()
      %dma_wait3A_77 = arith.constant 0 : i32
      %dma_wait3A_78 = arith.constant 0 : i32
      %dma_wait3A_79 = tpu.memref_slice %arg5[%dma_wait3A_77, %dma_wait3A_78] : memref<2x128xi32, #tpu.memory_space<vmem>> -> memref<1x128xi32, #tpu.memory_space<vmem>>
      %dma_wait3A_80 = tpu.memref_squeeze %dma_wait3A_79 : memref<1x128xi32, #tpu.memory_space<vmem>> -> memref<128xi32, #tpu.memory_space<vmem>>
      %dma_wait3A_81 = arith.constant 0 : i32
      %dma_wait3A_82 = arith.constant 0 : i32
      %dma_wait3A_83 = tpu.memref_slice %arg3[%dma_wait3A_81, %dma_wait3A_82] : memref<10240x128xf32, #tpu.memory_space<hbm>> -> memref<10240x128xf32, #tpu.memory_space<hbm>>
      tpu.wait_indirect_dma semaphore(%arg10 : memref<!tpu.dma_semaphore, #tpu.memory_space<semaphore_mem>>) src(%dma_wait3A_83 : memref<10240x128xf32, #tpu.memory_space<hbm>>) dst(%arg7 : memref<128x128xf32, #tpu.memory_space<vmem>>)
      %dma_start3A_84 = arith.constant 0 : i32
      %dma_start3A_85 = arith.constant 0 : i32
      %dma_start3A_86 = tpu.memref_slice %arg6[%dma_start3A_84, %dma_start3A_85] : memref<2x128xi32, #tpu.memory_space<vmem>> -> memref<1x128xi32, #tpu.memory_space<vmem>>
      %dma_start3A_87 = tpu.memref_squeeze %dma_start3A_86 : memref<1x128xi32, #tpu.memory_space<vmem>> -> memref<128xi32, #tpu.memory_space<vmem>>
      %dma_start3A_88 = arith.constant 0 : i32
      %dma_start3A_89 = arith.constant 0 : i32
      %dma_start3A_90 = tpu.memref_slice %arg3[%dma_start3A_88, %dma_start3A_89] : memref<10240x128xf32, #tpu.memory_space<hbm>> -> memref<10240x128xf32, #tpu.memory_space<hbm>>
      tpu.enqueue_indirect_dma source(%dma_start3A_90 : memref<10240x128xf32, #tpu.memory_space<hbm>>) target(%arg8 : memref<128x128xf32, #tpu.memory_space<vmem>>) offsets(%dma_start3A_87 : memref<128xi32, #tpu.memory_space<vmem>>) semaphore(%arg11 : memref<!tpu.dma_semaphore, #tpu.memory_space<semaphore_mem>>)
      %run_scoped3A_91 = arith.constant 1 : i32
      "tpu.region"() ({
        %run_scoped3A_114 = tpu.sem_alloc : memref<!tpu.dma_semaphore, #tpu.memory_space<semaphore_mem>>
        %dma_start3A_115 = arith.constant 0 : i32
        %dma_start3A_116 = tpu.memref_slice %arg5[%run_scoped3A_91, %dma_start3A_115] : memref<2x128xi32, #tpu.memory_space<vmem>> -> memref<1x128xi32, #tpu.memory_space<vmem>>
        %dma_start3A_117 = tpu.memref_squeeze %dma_start3A_116 : memref<1x128xi32, #tpu.memory_space<vmem>> -> memref<128xi32, #tpu.memory_space<vmem>>
        %dma_start3A_118 = arith.constant 0 : i32
        %dma_start3A_119 = arith.constant 0 : i32
        %dma_start3A_120 = tpu.memref_slice %arg9[%dma_start3A_118, %dma_start3A_119] : memref<10240x128xf32, #tpu.memory_space<vmem_shared>> -> memref<10240x128xf32, #tpu.memory_space<vmem_shared>>
        tpu.enqueue_indirect_dma source(%arg7 : memref<128x128xf32, #tpu.memory_space<vmem>>) target(%dma_start3A_120 : memref<10240x128xf32, #tpu.memory_space<vmem_shared>>) offsets(%dma_start3A_117 : memref<128xi32, #tpu.memory_space<vmem>>) semaphore(%run_scoped3A_114 : memref<!tpu.dma_semaphore, #tpu.memory_space<semaphore_mem>>) {add = true}
        %dma_wait3A_121 = arith.constant 0 : i32
        %dma_wait3A_122 = tpu.memref_slice %arg5[%run_scoped3A_91, %dma_wait3A_121] : memref<2x128xi32, #tpu.memory_space<vmem>> -> memref<1x128xi32, #tpu.memory_space<vmem>>
        %dma_wait3A_123 = tpu.memref_squeeze %dma_wait3A_122 : memref<1x128xi32, #tpu.memory_space<vmem>> -> memref<128xi32, #tpu.memory_space<vmem>>
        %dma_wait3A_124 = arith.constant 0 : i32
        %dma_wait3A_125 = arith.constant 0 : i32
        %dma_wait3A_126 = tpu.memref_slice %arg9[%dma_wait3A_124, %dma_wait3A_125] : memref<10240x128xf32, #tpu.memory_space<vmem_shared>> -> memref<10240x128xf32, #tpu.memory_space<vmem_shared>>
        tpu.wait_indirect_dma semaphore(%run_scoped3A_114 : memref<!tpu.dma_semaphore, #tpu.memory_space<semaphore_mem>>) src(%arg7 : memref<128x128xf32, #tpu.memory_space<vmem>>) dst(%dma_wait3A_126 : memref<10240x128xf32, #tpu.memory_space<vmem_shared>>)
        tpu.yield
      }) : () -> ()
      %mul3A_92 = arith.constant 2 : i32
      %mul3A_93 = arith.muli %mul3A_92, %while3A_69 : i32
      %add3A_94 = arith.constant 1 : i32
      %add3A_95 = arith.addi %mul3A_93, %add3A_94 : i32
      %add3A_96 = arith.constant 1 : i32
      %add3A_97 = arith.addi %add3A_95, %add3A_96 : i32
      %add3A_98 = arith.addi %select_n3A, %add3A_97 : i32
      "tpu.region"() ({
        %run_scoped3A_114 = tpu.sem_alloc : memref<!tpu.dma_semaphore, #tpu.memory_space<semaphore_mem>>
        %dma_start3A_115 = arith.constant 0 : i32
        %dma_start3A_116 = arith.constant 0 : i32
        %dma_start3A_117 = tpu.memref_slice %arg2[%add3A_98, %dma_start3A_115, %dma_start3A_116] : memref<2528x2x128xi32, #tpu.memory_space<hbm>> -> memref<1x2x128xi32, #tpu.memory_space<hbm>>
        %dma_start3A_118 = tpu.memref_squeeze %dma_start3A_117 : memref<1x2x128xi32, #tpu.memory_space<hbm>> -> memref<2x128xi32, #tpu.memory_space<hbm>>
        %dma_start3A_119 = arith.constant 0 : i32
        %dma_start3A_120 = arith.constant 0 : i32
        %dma_start3A_121 = tpu.memref_slice %arg2[%add3A_98, %dma_start3A_119, %dma_start3A_120] : memref<2528x2x128xi32, #tpu.memory_space<hbm>> -> memref<1x2x128xi32, #tpu.memory_space<hbm>>
        %dma_start3A_122 = tpu.memref_squeeze %dma_start3A_121 : memref<1x2x128xi32, #tpu.memory_space<hbm>> -> memref<2x128xi32, #tpu.memory_space<hbm>>
        tpu.enqueue_dma source(%dma_start3A_122 : memref<2x128xi32, #tpu.memory_space<hbm>>) target(%arg5 : memref<2x128xi32, #tpu.memory_space<vmem>>) target_semaphore(%run_scoped3A_114 : memref<!tpu.dma_semaphore, #tpu.memory_space<semaphore_mem>>)
        %dma_wait3A_123 = arith.constant 0 : i32
        %dma_wait3A_124 = arith.constant 0 : i32
        %dma_wait3A_125 = tpu.memref_slice %arg2[%add3A_98, %dma_wait3A_123, %dma_wait3A_124] : memref<2528x2x128xi32, #tpu.memory_space<hbm>> -> memref<1x2x128xi32, #tpu.memory_space<hbm>>
        %dma_wait3A_126 = tpu.memref_squeeze %dma_wait3A_125 : memref<1x2x128xi32, #tpu.memory_space<hbm>> -> memref<2x128xi32, #tpu.memory_space<hbm>>
        %dma_wait3A_127 = arith.constant 0 : i32
        %dma_wait3A_128 = arith.constant 0 : i32
        %dma_wait3A_129 = tpu.memref_slice %arg2[%add3A_98, %dma_wait3A_127, %dma_wait3A_128] : memref<2528x2x128xi32, #tpu.memory_space<hbm>> -> memref<1x2x128xi32, #tpu.memory_space<hbm>>
        %dma_wait3A_130 = tpu.memref_squeeze %dma_wait3A_129 : memref<1x2x128xi32, #tpu.memory_space<hbm>> -> memref<2x128xi32, #tpu.memory_space<hbm>>
        tpu.wait_dma2 semaphore(%run_scoped3A_114 : memref<!tpu.dma_semaphore, #tpu.memory_space<semaphore_mem>>) src(%dma_wait3A_130 : memref<2x128xi32, #tpu.memory_space<hbm>>) dst(%arg5 : memref<2x128xi32, #tpu.memory_space<vmem>>)
        tpu.yield
      }) : () -> ()
      %dma_wait3A_99 = arith.constant 0 : i32
      %dma_wait3A_100 = arith.constant 0 : i32
      %dma_wait3A_101 = tpu.memref_slice %arg6[%dma_wait3A_99, %dma_wait3A_100] : memref<2x128xi32, #tpu.memory_space<vmem>> -> memref<1x128xi32, #tpu.memory_space<vmem>>
      %dma_wait3A_102 = tpu.memref_squeeze %dma_wait3A_101 : memref<1x128xi32, #tpu.memory_space<vmem>> -> memref<128xi32, #tpu.memory_space<vmem>>
      %dma_wait3A_103 = arith.constant 0 : i32
      %dma_wait3A_104 = arith.constant 0 : i32
      %dma_wait3A_105 = tpu.memref_slice %arg3[%dma_wait3A_103, %dma_wait3A_104] : memref<10240x128xf32, #tpu.memory_space<hbm>> -> memref<10240x128xf32, #tpu.memory_space<hbm>>
      tpu.wait_indirect_dma semaphore(%arg11 : memref<!tpu.dma_semaphore, #tpu.memory_space<semaphore_mem>>) src(%dma_wait3A_105 : memref<10240x128xf32, #tpu.memory_space<hbm>>) dst(%arg8 : memref<128x128xf32, #tpu.memory_space<vmem>>)
      %dma_start3A_106 = arith.constant 0 : i32
      %dma_start3A_107 = arith.constant 0 : i32
      %dma_start3A_108 = tpu.memref_slice %arg5[%dma_start3A_106, %dma_start3A_107] : memref<2x128xi32, #tpu.memory_space<vmem>> -> memref<1x128xi32, #tpu.memory_space<vmem>>
      %dma_start3A_109 = tpu.memref_squeeze %dma_start3A_108 : memref<1x128xi32, #tpu.memory_space<vmem>> -> memref<128xi32, #tpu.memory_space<vmem>>
      %dma_start3A_110 = arith.constant 0 : i32
      %dma_start3A_111 = arith.constant 0 : i32
      %dma_start3A_112 = tpu.memref_slice %arg3[%dma_start3A_110, %dma_start3A_111] : memref<10240x128xf32, #tpu.memory_space<hbm>> -> memref<10240x128xf32, #tpu.memory_space<hbm>>
      tpu.enqueue_indirect_dma source(%dma_start3A_112 : memref<10240x128xf32, #tpu.memory_space<hbm>>) target(%arg7 : memref<128x128xf32, #tpu.memory_space<vmem>>) offsets(%dma_start3A_109 : memref<128xi32, #tpu.memory_space<vmem>>) semaphore(%arg10 : memref<!tpu.dma_semaphore, #tpu.memory_space<semaphore_mem>>)
      %run_scoped3A_113 = arith.constant 1 : i32
      "tpu.region"() ({
        %run_scoped3A_114 = tpu.sem_alloc : memref<!tpu.dma_semaphore, #tpu.memory_space<semaphore_mem>>
        %dma_start3A_115 = arith.constant 0 : i32
        %dma_start3A_116 = tpu.memref_slice %arg6[%run_scoped3A_113, %dma_start3A_115] : memref<2x128xi32, #tpu.memory_space<vmem>> -> memref<1x128xi32, #tpu.memory_space<vmem>>
        %dma_start3A_117 = tpu.memref_squeeze %dma_start3A_116 : memref<1x128xi32, #tpu.memory_space<vmem>> -> memref<128xi32, #tpu.memory_space<vmem>>
        %dma_start3A_118 = arith.constant 0 : i32
        %dma_start3A_119 = arith.constant 0 : i32
        %dma_start3A_120 = tpu.memref_slice %arg9[%dma_start3A_118, %dma_start3A_119] : memref<10240x128xf32, #tpu.memory_space<vmem_shared>> -> memref<10240x128xf32, #tpu.memory_space<vmem_shared>>
        tpu.enqueue_indirect_dma source(%arg8 : memref<128x128xf32, #tpu.memory_space<vmem>>) target(%dma_start3A_120 : memref<10240x128xf32, #tpu.memory_space<vmem_shared>>) offsets(%dma_start3A_117 : memref<128xi32, #tpu.memory_space<vmem>>) semaphore(%run_scoped3A_114 : memref<!tpu.dma_semaphore, #tpu.memory_space<semaphore_mem>>) {add = true}
        %dma_wait3A_121 = arith.constant 0 : i32
        %dma_wait3A_122 = tpu.memref_slice %arg6[%run_scoped3A_113, %dma_wait3A_121] : memref<2x128xi32, #tpu.memory_space<vmem>> -> memref<1x128xi32, #tpu.memory_space<vmem>>
        %dma_wait3A_123 = tpu.memref_squeeze %dma_wait3A_122 : memref<1x128xi32, #tpu.memory_space<vmem>> -> memref<128xi32, #tpu.memory_space<vmem>>
        %dma_wait3A_124 = arith.constant 0 : i32
        %dma_wait3A_125 = arith.constant 0 : i32
        %dma_wait3A_126 = tpu.memref_slice %arg9[%dma_wait3A_124, %dma_wait3A_125] : memref<10240x128xf32, #tpu.memory_space<vmem_shared>> -> memref<10240x128xf32, #tpu.memory_space<vmem_shared>>
        tpu.wait_indirect_dma semaphore(%run_scoped3A_114 : memref<!tpu.dma_semaphore, #tpu.memory_space<semaphore_mem>>) src(%arg8 : memref<128x128xf32, #tpu.memory_space<vmem>>) dst(%dma_wait3A_126 : memref<10240x128xf32, #tpu.memory_space<vmem_shared>>)
        tpu.yield
      }) : () -> ()
    }
    %while3A_61 = arith.constant 1 : i32
    scf.for %while3A_69 = %while3A_59 to %while3A_55 step %while3A_61  : i32 {
      %mul3A_70 = arith.constant 2 : i32
      %mul3A_71 = arith.muli %mul3A_70, %while3A_69 : i32
      %add3A_72 = arith.constant 0 : i32
      %add3A_73 = arith.addi %mul3A_71, %add3A_72 : i32
      %add3A_74 = arith.constant 1 : i32
      %add3A_75 = arith.addi %add3A_73, %add3A_74 : i32
      %add3A_76 = arith.addi %select_n3A, %add3A_75 : i32
      "tpu.region"() ({
        %run_scoped3A_114 = tpu.sem_alloc : memref<!tpu.dma_semaphore, #tpu.memory_space<semaphore_mem>>
        %dma_start3A_115 = arith.constant 0 : i32
        %dma_start3A_116 = arith.constant 0 : i32
        %dma_start3A_117 = tpu.memref_slice %arg2[%add3A_76, %dma_start3A_115, %dma_start3A_116] : memref<2528x2x128xi32, #tpu.memory_space<hbm>> -> memref<1x2x128xi32, #tpu.memory_space<hbm>>
        %dma_start3A_118 = tpu.memref_squeeze %dma_start3A_117 : memref<1x2x128xi32, #tpu.memory_space<hbm>> -> memref<2x128xi32, #tpu.memory_space<hbm>>
        %dma_start3A_119 = arith.constant 0 : i32
        %dma_start3A_120 = arith.constant 0 : i32
        %dma_start3A_121 = tpu.memref_slice %arg2[%add3A_76, %dma_start3A_119, %dma_start3A_120] : memref<2528x2x128xi32, #tpu.memory_space<hbm>> -> memref<1x2x128xi32, #tpu.memory_space<hbm>>
        %dma_start3A_122 = tpu.memref_squeeze %dma_start3A_121 : memref<1x2x128xi32, #tpu.memory_space<hbm>> -> memref<2x128xi32, #tpu.memory_space<hbm>>
        tpu.enqueue_dma source(%dma_start3A_122 : memref<2x128xi32, #tpu.memory_space<hbm>>) target(%arg6 : memref<2x128xi32, #tpu.memory_space<vmem>>) target_semaphore(%run_scoped3A_114 : memref<!tpu.dma_semaphore, #tpu.memory_space<semaphore_mem>>)
        %dma_wait3A_123 = arith.constant 0 : i32
        %dma_wait3A_124 = arith.constant 0 : i32
        %dma_wait3A_125 = tpu.memref_slice %arg2[%add3A_76, %dma_wait3A_123, %dma_wait3A_124] : memref<2528x2x128xi32, #tpu.memory_space<hbm>> -> memref<1x2x128xi32, #tpu.memory_space<hbm>>
        %dma_wait3A_126 = tpu.memref_squeeze %dma_wait3A_125 : memref<1x2x128xi32, #tpu.memory_space<hbm>> -> memref<2x128xi32, #tpu.memory_space<hbm>>
        %dma_wait3A_127 = arith.constant 0 : i32
        %dma_wait3A_128 = arith.constant 0 : i32
        %dma_wait3A_129 = tpu.memref_slice %arg2[%add3A_76, %dma_wait3A_127, %dma_wait3A_128] : memref<2528x2x128xi32, #tpu.memory_space<hbm>> -> memref<1x2x128xi32, #tpu.memory_space<hbm>>
        %dma_wait3A_130 = tpu.memref_squeeze %dma_wait3A_129 : memref<1x2x128xi32, #tpu.memory_space<hbm>> -> memref<2x128xi32, #tpu.memory_space<hbm>>
        tpu.wait_dma2 semaphore(%run_scoped3A_114 : memref<!tpu.dma_semaphore, #tpu.memory_space<semaphore_mem>>) src(%dma_wait3A_130 : memref<2x128xi32, #tpu.memory_space<hbm>>) dst(%arg6 : memref<2x128xi32, #tpu.memory_space<vmem>>)
        tpu.yield
      }) : () -> ()
      %dma_wait3A_77 = arith.constant 0 : i32
      %dma_wait3A_78 = arith.constant 0 : i32
      %dma_wait3A_79 = tpu.memref_slice %arg5[%dma_wait3A_77, %dma_wait3A_78] : memref<2x128xi32, #tpu.memory_space<vmem>> -> memref<1x128xi32, #tpu.memory_space<vmem>>
      %dma_wait3A_80 = tpu.memref_squeeze %dma_wait3A_79 : memref<1x128xi32, #tpu.memory_space<vmem>> -> memref<128xi32, #tpu.memory_space<vmem>>
      %dma_wait3A_81 = arith.constant 0 : i32
      %dma_wait3A_82 = arith.constant 0 : i32
      %dma_wait3A_83 = tpu.memref_slice %arg3[%dma_wait3A_81, %dma_wait3A_82] : memref<10240x128xf32, #tpu.memory_space<hbm>> -> memref<10240x128xf32, #tpu.memory_space<hbm>>
      tpu.wait_indirect_dma semaphore(%arg10 : memref<!tpu.dma_semaphore, #tpu.memory_space<semaphore_mem>>) src(%dma_wait3A_83 : memref<10240x128xf32, #tpu.memory_space<hbm>>) dst(%arg7 : memref<128x128xf32, #tpu.memory_space<vmem>>)
      %dma_start3A_84 = arith.constant 0 : i32
      %dma_start3A_85 = arith.constant 0 : i32
      %dma_start3A_86 = tpu.memref_slice %arg6[%dma_start3A_84, %dma_start3A_85] : memref<2x128xi32, #tpu.memory_space<vmem>> -> memref<1x128xi32, #tpu.memory_space<vmem>>
      %dma_start3A_87 = tpu.memref_squeeze %dma_start3A_86 : memref<1x128xi32, #tpu.memory_space<vmem>> -> memref<128xi32, #tpu.memory_space<vmem>>
      %dma_start3A_88 = arith.constant 0 : i32
      %dma_start3A_89 = arith.constant 0 : i32
      %dma_start3A_90 = tpu.memref_slice %arg3[%dma_start3A_88, %dma_start3A_89] : memref<10240x128xf32, #tpu.memory_space<hbm>> -> memref<10240x128xf32, #tpu.memory_space<hbm>>
      tpu.enqueue_indirect_dma source(%dma_start3A_90 : memref<10240x128xf32, #tpu.memory_space<hbm>>) target(%arg8 : memref<128x128xf32, #tpu.memory_space<vmem>>) offsets(%dma_start3A_87 : memref<128xi32, #tpu.memory_space<vmem>>) semaphore(%arg11 : memref<!tpu.dma_semaphore, #tpu.memory_space<semaphore_mem>>)
      %run_scoped3A_91 = arith.constant 1 : i32
      "tpu.region"() ({
        %run_scoped3A_114 = tpu.sem_alloc : memref<!tpu.dma_semaphore, #tpu.memory_space<semaphore_mem>>
        %dma_start3A_115 = arith.constant 0 : i32
        %dma_start3A_116 = tpu.memref_slice %arg5[%run_scoped3A_91, %dma_start3A_115] : memref<2x128xi32, #tpu.memory_space<vmem>> -> memref<1x128xi32, #tpu.memory_space<vmem>>
        %dma_start3A_117 = tpu.memref_squeeze %dma_start3A_116 : memref<1x128xi32, #tpu.memory_space<vmem>> -> memref<128xi32, #tpu.memory_space<vmem>>
        %dma_start3A_118 = arith.constant 0 : i32
        %dma_start3A_119 = arith.constant 0 : i32
        %dma_start3A_120 = tpu.memref_slice %arg9[%dma_start3A_118, %dma_start3A_119] : memref<10240x128xf32, #tpu.memory_space<vmem_shared>> -> memref<10240x128xf32, #tpu.memory_space<vmem_shared>>
        tpu.enqueue_indirect_dma source(%arg7 : memref<128x128xf32, #tpu.memory_space<vmem>>) target(%dma_start3A_120 : memref<10240x128xf32, #tpu.memory_space<vmem_shared>>) offsets(%dma_start3A_117 : memref<128xi32, #tpu.memory_space<vmem>>) semaphore(%run_scoped3A_114 : memref<!tpu.dma_semaphore, #tpu.memory_space<semaphore_mem>>) {add = true}
        %dma_wait3A_121 = arith.constant 0 : i32
        %dma_wait3A_122 = tpu.memref_slice %arg5[%run_scoped3A_91, %dma_wait3A_121] : memref<2x128xi32, #tpu.memory_space<vmem>> -> memref<1x128xi32, #tpu.memory_space<vmem>>
        %dma_wait3A_123 = tpu.memref_squeeze %dma_wait3A_122 : memref<1x128xi32, #tpu.memory_space<vmem>> -> memref<128xi32, #tpu.memory_space<vmem>>
        %dma_wait3A_124 = arith.constant 0 : i32
        %dma_wait3A_125 = arith.constant 0 : i32
        %dma_wait3A_126 = tpu.memref_slice %arg9[%dma_wait3A_124, %dma_wait3A_125] : memref<10240x128xf32, #tpu.memory_space<vmem_shared>> -> memref<10240x128xf32, #tpu.memory_space<vmem_shared>>
        tpu.wait_indirect_dma semaphore(%run_scoped3A_114 : memref<!tpu.dma_semaphore, #tpu.memory_space<semaphore_mem>>) src(%arg7 : memref<128x128xf32, #tpu.memory_space<vmem>>) dst(%dma_wait3A_126 : memref<10240x128xf32, #tpu.memory_space<vmem_shared>>)
        tpu.yield
      }) : () -> ()
      %mul3A_92 = arith.constant 2 : i32
      %mul3A_93 = arith.muli %mul3A_92, %while3A_69 : i32
      %add3A_94 = arith.constant 1 : i32
      %add3A_95 = arith.addi %mul3A_93, %add3A_94 : i32
      %add3A_96 = arith.constant 1 : i32
      %add3A_97 = arith.addi %add3A_95, %add3A_96 : i32
      %add3A_98 = arith.addi %select_n3A, %add3A_97 : i32
      "tpu.region"() ({
        %run_scoped3A_114 = tpu.sem_alloc : memref<!tpu.dma_semaphore, #tpu.memory_space<semaphore_mem>>
        %dma_start3A_115 = arith.constant 0 : i32
        %dma_start3A_116 = arith.constant 0 : i32
        %dma_start3A_117 = tpu.memref_slice %arg2[%add3A_98, %dma_start3A_115, %dma_start3A_116] : memref<2528x2x128xi32, #tpu.memory_space<hbm>> -> memref<1x2x128xi32, #tpu.memory_space<hbm>>
        %dma_start3A_118 = tpu.memref_squeeze %dma_start3A_117 : memref<1x2x128xi32, #tpu.memory_space<hbm>> -> memref<2x128xi32, #tpu.memory_space<hbm>>
        %dma_start3A_119 = arith.constant 0 : i32
        %dma_start3A_120 = arith.constant 0 : i32
        %dma_start3A_121 = tpu.memref_slice %arg2[%add3A_98, %dma_start3A_119, %dma_start3A_120] : memref<2528x2x128xi32, #tpu.memory_space<hbm>> -> memref<1x2x128xi32, #tpu.memory_space<hbm>>
        %dma_start3A_122 = tpu.memref_squeeze %dma_start3A_121 : memref<1x2x128xi32, #tpu.memory_space<hbm>> -> memref<2x128xi32, #tpu.memory_space<hbm>>
        tpu.enqueue_dma source(%dma_start3A_122 : memref<2x128xi32, #tpu.memory_space<hbm>>) target(%arg5 : memref<2x128xi32, #tpu.memory_space<vmem>>) target_semaphore(%run_scoped3A_114 : memref<!tpu.dma_semaphore, #tpu.memory_space<semaphore_mem>>)
        %dma_wait3A_123 = arith.constant 0 : i32
        %dma_wait3A_124 = arith.constant 0 : i32
        %dma_wait3A_125 = tpu.memref_slice %arg2[%add3A_98, %dma_wait3A_123, %dma_wait3A_124] : memref<2528x2x128xi32, #tpu.memory_space<hbm>> -> memref<1x2x128xi32, #tpu.memory_space<hbm>>
        %dma_wait3A_126 = tpu.memref_squeeze %dma_wait3A_125 : memref<1x2x128xi32, #tpu.memory_space<hbm>> -> memref<2x128xi32, #tpu.memory_space<hbm>>
        %dma_wait3A_127 = arith.constant 0 : i32
        %dma_wait3A_128 = arith.constant 0 : i32
        %dma_wait3A_129 = tpu.memref_slice %arg2[%add3A_98, %dma_wait3A_127, %dma_wait3A_128] : memref<2528x2x128xi32, #tpu.memory_space<hbm>> -> memref<1x2x128xi32, #tpu.memory_space<hbm>>
        %dma_wait3A_130 = tpu.memref_squeeze %dma_wait3A_129 : memref<1x2x128xi32, #tpu.memory_space<hbm>> -> memref<2x128xi32, #tpu.memory_space<hbm>>
        tpu.wait_dma2 semaphore(%run_scoped3A_114 : memref<!tpu.dma_semaphore, #tpu.memory_space<semaphore_mem>>) src(%dma_wait3A_130 : memref<2x128xi32, #tpu.memory_space<hbm>>) dst(%arg5 : memref<2x128xi32, #tpu.memory_space<vmem>>)
        tpu.yield
      }) : () -> ()
      %dma_wait3A_99 = arith.constant 0 : i32
      %dma_wait3A_100 = arith.constant 0 : i32
      %dma_wait3A_101 = tpu.memref_slice %arg6[%dma_wait3A_99, %dma_wait3A_100] : memref<2x128xi32, #tpu.memory_space<vmem>> -> memref<1x128xi32, #tpu.memory_space<vmem>>
      %dma_wait3A_102 = tpu.memref_squeeze %dma_wait3A_101 : memref<1x128xi32, #tpu.memory_space<vmem>> -> memref<128xi32, #tpu.memory_space<vmem>>
      %dma_wait3A_103 = arith.constant 0 : i32
      %dma_wait3A_104 = arith.constant 0 : i32
      %dma_wait3A_105 = tpu.memref_slice %arg3[%dma_wait3A_103, %dma_wait3A_104] : memref<10240x128xf32, #tpu.memory_space<hbm>> -> memref<10240x128xf32, #tpu.memory_space<hbm>>
      tpu.wait_indirect_dma semaphore(%arg11 : memref<!tpu.dma_semaphore, #tpu.memory_space<semaphore_mem>>) src(%dma_wait3A_105 : memref<10240x128xf32, #tpu.memory_space<hbm>>) dst(%arg8 : memref<128x128xf32, #tpu.memory_space<vmem>>)
      %dma_start3A_106 = arith.constant 0 : i32
      %dma_start3A_107 = arith.constant 0 : i32
      %dma_start3A_108 = tpu.memref_slice %arg5[%dma_start3A_106, %dma_start3A_107] : memref<2x128xi32, #tpu.memory_space<vmem>> -> memref<1x128xi32, #tpu.memory_space<vmem>>
      %dma_start3A_109 = tpu.memref_squeeze %dma_start3A_108 : memref<1x128xi32, #tpu.memory_space<vmem>> -> memref<128xi32, #tpu.memory_space<vmem>>
      %dma_start3A_110 = arith.constant 0 : i32
      %dma_start3A_111 = arith.constant 0 : i32
      %dma_start3A_112 = tpu.memref_slice %arg3[%dma_start3A_110, %dma_start3A_111] : memref<10240x128xf32, #tpu.memory_space<hbm>> -> memref<10240x128xf32, #tpu.memory_space<hbm>>
      tpu.enqueue_indirect_dma source(%dma_start3A_112 : memref<10240x128xf32, #tpu.memory_space<hbm>>) target(%arg7 : memref<128x128xf32, #tpu.memory_space<vmem>>) offsets(%dma_start3A_109 : memref<128xi32, #tpu.memory_space<vmem>>) semaphore(%arg10 : memref<!tpu.dma_semaphore, #tpu.memory_space<semaphore_mem>>)
      %run_scoped3A_113 = arith.constant 1 : i32
      "tpu.region"() ({
        %run_scoped3A_114 = tpu.sem_alloc : memref<!tpu.dma_semaphore, #tpu.memory_space<semaphore_mem>>
        %dma_start3A_115 = arith.constant 0 : i32
        %dma_start3A_116 = tpu.memref_slice %arg6[%run_scoped3A_113, %dma_start3A_115] : memref<2x128xi32, #tpu.memory_space<vmem>> -> memref<1x128xi32, #tpu.memory_space<vmem>>
        %dma_start3A_117 = tpu.memref_squeeze %dma_start3A_116 : memref<1x128xi32, #tpu.memory_space<vmem>> -> memref<128xi32, #tpu.memory_space<vmem>>
        %dma_start3A_118 = arith.constant 0 : i32
        %dma_start3A_119 = arith.constant 0 : i32
        %dma_start3A_120 = tpu.memref_slice %arg9[%dma_start3A_118, %dma_start3A_119] : memref<10240x128xf32, #tpu.memory_space<vmem_shared>> -> memref<10240x128xf32, #tpu.memory_space<vmem_shared>>
        tpu.enqueue_indirect_dma source(%arg8 : memref<128x128xf32, #tpu.memory_space<vmem>>) target(%dma_start3A_120 : memref<10240x128xf32, #tpu.memory_space<vmem_shared>>) offsets(%dma_start3A_117 : memref<128xi32, #tpu.memory_space<vmem>>) semaphore(%run_scoped3A_114 : memref<!tpu.dma_semaphore, #tpu.memory_space<semaphore_mem>>) {add = true}
        %dma_wait3A_121 = arith.constant 0 : i32
        %dma_wait3A_122 = tpu.memref_slice %arg6[%run_scoped3A_113, %dma_wait3A_121] : memref<2x128xi32, #tpu.memory_space<vmem>> -> memref<1x128xi32, #tpu.memory_space<vmem>>
        %dma_wait3A_123 = tpu.memref_squeeze %dma_wait3A_122 : memref<1x128xi32, #tpu.memory_space<vmem>> -> memref<128xi32, #tpu.memory_space<vmem>>
        %dma_wait3A_124 = arith.constant 0 : i32
        %dma_wait3A_125 = arith.constant 0 : i32
        %dma_wait3A_126 = tpu.memref_slice %arg9[%dma_wait3A_124, %dma_wait3A_125] : memref<10240x128xf32, #tpu.memory_space<vmem_shared>> -> memref<10240x128xf32, #tpu.memory_space<vmem_shared>>
        tpu.wait_indirect_dma semaphore(%run_scoped3A_114 : memref<!tpu.dma_semaphore, #tpu.memory_space<semaphore_mem>>) src(%arg8 : memref<128x128xf32, #tpu.memory_space<vmem>>) dst(%dma_wait3A_126 : memref<10240x128xf32, #tpu.memory_space<vmem_shared>>)
        tpu.yield
      }) : () -> ()
    }
    %dma_wait3A = arith.constant 0 : i32
    %dma_wait3A_62 = arith.constant 0 : i32
    %dma_wait3A_63 = tpu.memref_slice %arg5[%dma_wait3A, %dma_wait3A_62] : memref<2x128xi32, #tpu.memory_space<vmem>> -> memref<1x128xi32, #tpu.memory_space<vmem>>
    %dma_wait3A_64 = tpu.memref_squeeze %dma_wait3A_63 : memref<1x128xi32, #tpu.memory_space<vmem>> -> memref<128xi32, #tpu.memory_space<vmem>>
    %dma_wait3A_65 = arith.constant 0 : i32
    %dma_wait3A_66 = arith.constant 0 : i32
    %dma_wait3A_67 = tpu.memref_slice %arg3[%dma_wait3A_65, %dma_wait3A_66] : memref<10240x128xf32, #tpu.memory_space<hbm>> -> memref<10240x128xf32, #tpu.memory_space<hbm>>
    tpu.wait_indirect_dma semaphore(%arg10 : memref<!tpu.dma_semaphore, #tpu.memory_space<semaphore_mem>>) src(%dma_wait3A_67 : memref<10240x128xf32, #tpu.memory_space<hbm>>) dst(%arg7 : memref<128x128xf32, #tpu.memory_space<vmem>>)
    %run_scoped3A = arith.constant 1 : i32
    "tpu.region"() ({
      %run_scoped3A_69 = tpu.sem_alloc : memref<!tpu.dma_semaphore, #tpu.memory_space<semaphore_mem>>
      %dma_start3A_70 = arith.constant 0 : i32
      %dma_start3A_71 = tpu.memref_slice %arg5[%run_scoped3A, %dma_start3A_70] : memref<2x128xi32, #tpu.memory_space<vmem>> -> memref<1x128xi32, #tpu.memory_space<vmem>>
      %dma_start3A_72 = tpu.memref_squeeze %dma_start3A_71 : memref<1x128xi32, #tpu.memory_space<vmem>> -> memref<128xi32, #tpu.memory_space<vmem>>
      %dma_start3A_73 = arith.constant 0 : i32
      %dma_start3A_74 = arith.constant 0 : i32
      %dma_start3A_75 = tpu.memref_slice %arg9[%dma_start3A_73, %dma_start3A_74] : memref<10240x128xf32, #tpu.memory_space<vmem_shared>> -> memref<10240x128xf32, #tpu.memory_space<vmem_shared>>
      tpu.enqueue_indirect_dma source(%arg7 : memref<128x128xf32, #tpu.memory_space<vmem>>) target(%dma_start3A_75 : memref<10240x128xf32, #tpu.memory_space<vmem_shared>>) offsets(%dma_start3A_72 : memref<128xi32, #tpu.memory_space<vmem>>) semaphore(%run_scoped3A_69 : memref<!tpu.dma_semaphore, #tpu.memory_space<semaphore_mem>>) {add = true}
      %dma_wait3A_76 = arith.constant 0 : i32
      %dma_wait3A_77 = tpu.memref_slice %arg5[%run_scoped3A, %dma_wait3A_76] : memref<2x128xi32, #tpu.memory_space<vmem>> -> memref<1x128xi32, #tpu.memory_space<vmem>>
      %dma_wait3A_78 = tpu.memref_squeeze %dma_wait3A_77 : memref<1x128xi32, #tpu.memory_space<vmem>> -> memref<128xi32, #tpu.memory_space<vmem>>
      %dma_wait3A_79 = arith.constant 0 : i32
      %dma_wait3A_80 = arith.constant 0 : i32
      %dma_wait3A_81 = tpu.memref_slice %arg9[%dma_wait3A_79, %dma_wait3A_80] : memref<10240x128xf32, #tpu.memory_space<vmem_shared>> -> memref<10240x128xf32, #tpu.memory_space<vmem_shared>>
      tpu.wait_indirect_dma semaphore(%run_scoped3A_69 : memref<!tpu.dma_semaphore, #tpu.memory_space<semaphore_mem>>) src(%arg7 : memref<128x128xf32, #tpu.memory_space<vmem>>) dst(%dma_wait3A_81 : memref<10240x128xf32, #tpu.memory_space<vmem_shared>>)
      tpu.yield
    }) : () -> ()
    %barrier3A_68 = arith.constant 0 : index
    tpu.barrier barrier_id(%barrier3A_68)
    "tpu.region"() ({
      %run_scoped3A_69 = tpu.sem_alloc : memref<!tpu.dma_semaphore, #tpu.memory_space<semaphore_mem>>
      %dma_start3A_70 = arith.constant 0 : i32
      %dma_start3A_71 = tpu.memref_slice %arg4[%arg0, %mul3A_16, %dma_start3A_70] : memref<2x10240x128xf32, #tpu.memory_space<hbm>> -> memref<1x640x128xf32, #tpu.memory_space<hbm>>
      %dma_start3A_72 = tpu.memref_squeeze %dma_start3A_71 : memref<1x640x128xf32, #tpu.memory_space<hbm>> -> memref<640x128xf32, #tpu.memory_space<hbm>>
      %dma_start3A_73 = arith.constant 0 : i32
      %dma_start3A_74 = tpu.memref_slice %arg9[%mul3A_16, %dma_start3A_73] : memref<10240x128xf32, #tpu.memory_space<vmem_shared>> -> memref<640x128xf32, #tpu.memory_space<vmem_shared>>
      tpu.enqueue_dma source(%dma_start3A_74 : memref<640x128xf32, #tpu.memory_space<vmem_shared>>) target(%dma_start3A_72 : memref<640x128xf32, #tpu.memory_space<hbm>>) target_semaphore(%run_scoped3A_69 : memref<!tpu.dma_semaphore, #tpu.memory_space<semaphore_mem>>)
      %dma_wait3A_75 = arith.constant 0 : i32
      %dma_wait3A_76 = tpu.memref_slice %arg4[%arg0, %mul3A_16, %dma_wait3A_75] : memref<2x10240x128xf32, #tpu.memory_space<hbm>> -> memref<1x640x128xf32, #tpu.memory_space<hbm>>
      %dma_wait3A_77 = tpu.memref_squeeze %dma_wait3A_76 : memref<1x640x128xf32, #tpu.memory_space<hbm>> -> memref<640x128xf32, #tpu.memory_space<hbm>>
      %dma_wait3A_78 = arith.constant 0 : i32
      %dma_wait3A_79 = tpu.memref_slice %arg9[%mul3A_16, %dma_wait3A_78] : memref<10240x128xf32, #tpu.memory_space<vmem_shared>> -> memref<640x128xf32, #tpu.memory_space<vmem_shared>>
      tpu.wait_dma2 semaphore(%run_scoped3A_69 : memref<!tpu.dma_semaphore, #tpu.memory_space<semaphore_mem>>) src(%dma_wait3A_79 : memref<640x128xf32, #tpu.memory_space<vmem_shared>>) dst(%dma_wait3A_77 : memref<640x128xf32, #tpu.memory_space<hbm>>)
      tpu.yield
    }) : () -> ()
    return
  }
}

#map = affine_map<(d0, d1) -> (0, 0, 0)>
#map1 = affine_map<(d0, d1) -> (0, 0)>
module attributes {stable_mosaic.version = 14 : i64} {
  func.func @body(%arg0: i32, %arg1: i32, %arg2: memref<2528x2x128xi32, #tpu.memory_space<hbm>>, %arg3: memref<10240x128xf32, #tpu.memory_space<hbm>>, %arg4: memref<2x10240x128xf32, #tpu.memory_space<hbm>>, %arg5: memref<2x128xi32, #tpu.memory_space<vmem>>, %arg6: memref<2x128xi32, #tpu.memory_space<vmem>>, %arg7: memref<128x128xf32, #tpu.memory_space<vmem>>, %arg8: memref<128x128xf32, #tpu.memory_space<vmem>>, %arg9: memref<10240x128xf32, #tpu.memory_space<vmem_shared>>, %arg10: memref<!tpu.dma_semaphore, #tpu.memory_space<semaphore_mem>>, %arg11: memref<!tpu.dma_semaphore, #tpu.memory_space<semaphore_mem>>) attributes {dimension_semantics = [#tpu.dimension_semantics<core_parallel>, #tpu.dimension_semantics<subcore_parallel>], iteration_bounds = array<i64: 2, 16>, scalar_prefetch = 0 : i64, scratch_operands = 7 : i64, tpu.core_type = #tpu.core_type<sc_vector_subcore>, window_params = [{transform_indices = #map}, {transform_indices = #map1}, {transform_indices = #map}]} {
    %eq3A = arith.constant 0 : i32
    %eq3A_0 = arith.cmpi eq, %arg0, %eq3A : i32
    %mul3A = arith.constant 127 : i32
    %mul3A_1 = arith.muli %arg1, %mul3A : i32
    %mul3A_2 = arith.constant 31 : i32
    %mul3A_3 = arith.muli %arg1, %mul3A_2 : i32
    %add3A = arith.constant 2032 : i32
    %add3A_4 = arith.addi %add3A, %mul3A_3 : i32
    %select_n3A = arith.select %eq3A_0, %mul3A_1, %add3A_4 : i32
    %eq3A_5 = arith.constant 0 : i32
    %eq3A_6 = arith.cmpi eq, %arg0, %eq3A_5 : i32
    %jit3A = arith.constant 127 : i32
    %jit3A_7 = arith.constant 31 : i32
    %select_n3A_8 = arith.select %eq3A_6, %jit3A, %jit3A_7 : i32
    %broadcast_in_dim3A = arith.constant 0.000000e+00 : f32
    %broadcast_in_dim3A_9 = vector.broadcast %broadcast_in_dim3A : f32 to vector<16xf32>
    %scan3A = arith.constant 0 : i32
    %scan3A_10 = arith.constant 0 : i32
    %scan3A_11 = arith.constant 128 : i32
    %scan3A_12 = arith.addi %scan3A_10, %scan3A_11 : i32
    %scan3A_13 = arith.constant 1 : i32
    scf.for %scan3A_69 = %scan3A_10 to %scan3A_12 step %scan3A_13  : i32 {
      %swap3A = arith.index_cast %scan3A_69 : i32 to index
      %swap3A_70 = arith.constant 0 : index
      %swap3A_71 = tpu.vector_load %arg7[%swap3A, %swap3A_70] {strides = array<i32>} : memref<128x128xf32, #tpu.memory_space<vmem>>, vector<1x16xf32>,
      %swap3A_72 = vector.shape_cast %swap3A_71 : vector<1x16xf32> to vector<16xf32>
      %swap3A_73 = vector.shape_cast %broadcast_in_dim3A_9 : vector<16xf32> to vector<1x16xf32>
      tpu.vector_store %arg7[%swap3A, %swap3A_70], %swap3A_73 {strides = array<i32>} : memref<128x128xf32, #tpu.memory_space<vmem>>, vector<1x16xf32>,
      %swap3A_74 = arith.index_cast %scan3A_69 : i32 to index
      %swap3A_75 = arith.constant 16 : index
      %swap3A_76 = tpu.vector_load %arg7[%swap3A_74, %swap3A_75] {strides = array<i32>} : memref<128x128xf32, #tpu.memory_space<vmem>>, vector<1x16xf32>,
      %swap3A_77 = vector.shape_cast %swap3A_76 : vector<1x16xf32> to vector<16xf32>
      %swap3A_78 = vector.shape_cast %broadcast_in_dim3A_9 : vector<16xf32> to vector<1x16xf32>
      tpu.vector_store %arg7[%swap3A_74, %swap3A_75], %swap3A_78 {strides = array<i32>} : memref<128x128xf32, #tpu.memory_space<vmem>>, vector<1x16xf32>,
      %swap3A_79 = arith.index_cast %scan3A_69 : i32 to index
      %swap3A_80 = arith.constant 32 : index
      %swap3A_81 = tpu.vector_load %arg7[%swap3A_79, %swap3A_80] {strides = array<i32>} : memref<128x128xf32, #tpu.memory_space<vmem>>, vector<1x16xf32>,
      %swap3A_82 = vector.shape_cast %swap3A_81 : vector<1x16xf32> to vector<16xf32>
      %swap3A_83 = vector.shape_cast %broadcast_in_dim3A_9 : vector<16xf32> to vector<1x16xf32>
      tpu.vector_store %arg7[%swap3A_79, %swap3A_80], %swap3A_83 {strides = array<i32>} : memref<128x128xf32, #tpu.memory_space<vmem>>, vector<1x16xf32>,
      %swap3A_84 = arith.index_cast %scan3A_69 : i32 to index
      %swap3A_85 = arith.constant 48 : index
      %swap3A_86 = tpu.vector_load %arg7[%swap3A_84, %swap3A_85] {strides = array<i32>} : memref<128x128xf32, #tpu.memory_space<vmem>>, vector<1x16xf32>,
      %swap3A_87 = vector.shape_cast %swap3A_86 : vector<1x16xf32> to vector<16xf32>
      %swap3A_88 = vector.shape_cast %broadcast_in_dim3A_9 : vector<16xf32> to vector<1x16xf32>
      tpu.vector_store %arg7[%swap3A_84, %swap3A_85], %swap3A_88 {strides = array<i32>} : memref<128x128xf32, #tpu.memory_space<vmem>>, vector<1x16xf32>,
      %swap3A_89 = arith.index_cast %scan3A_69 : i32 to index
      %swap3A_90 = arith.constant 64 : index
      %swap3A_91 = tpu.vector_load %arg7[%swap3A_89, %swap3A_90] {strides = array<i32>} : memref<128x128xf32, #tpu.memory_space<vmem>>, vector<1x16xf32>,
      %swap3A_92 = vector.shape_cast %swap3A_91 : vector<1x16xf32> to vector<16xf32>
      %swap3A_93 = vector.shape_cast %broadcast_in_dim3A_9 : vector<16xf32> to vector<1x16xf32>
      tpu.vector_store %arg7[%swap3A_89, %swap3A_90], %swap3A_93 {strides = array<i32>} : memref<128x128xf32, #tpu.memory_space<vmem>>, vector<1x16xf32>,
      %swap3A_94 = arith.index_cast %scan3A_69 : i32 to index
      %swap3A_95 = arith.constant 80 : index
      %swap3A_96 = tpu.vector_load %arg7[%swap3A_94, %swap3A_95] {strides = array<i32>} : memref<128x128xf32, #tpu.memory_space<vmem>>, vector<1x16xf32>,
      %swap3A_97 = vector.shape_cast %swap3A_96 : vector<1x16xf32> to vector<16xf32>
      %swap3A_98 = vector.shape_cast %broadcast_in_dim3A_9 : vector<16xf32> to vector<1x16xf32>
      tpu.vector_store %arg7[%swap3A_94, %swap3A_95], %swap3A_98 {strides = array<i32>} : memref<128x128xf32, #tpu.memory_space<vmem>>, vector<1x16xf32>,
      %swap3A_99 = arith.index_cast %scan3A_69 : i32 to index
      %swap3A_100 = arith.constant 96 : index
      %swap3A_101 = tpu.vector_load %arg7[%swap3A_99, %swap3A_100] {strides = array<i32>} : memref<128x128xf32, #tpu.memory_space<vmem>>, vector<1x16xf32>,
      %swap3A_102 = vector.shape_cast %swap3A_101 : vector<1x16xf32> to vector<16xf32>
      %swap3A_103 = vector.shape_cast %broadcast_in_dim3A_9 : vector<16xf32> to vector<1x16xf32>
      tpu.vector_store %arg7[%swap3A_99, %swap3A_100], %swap3A_103 {strides = array<i32>} : memref<128x128xf32, #tpu.memory_space<vmem>>, vector<1x16xf32>,
      %swap3A_104 = arith.index_cast %scan3A_69 : i32 to index
      %swap3A_105 = arith.constant 112 : index
      %swap3A_106 = tpu.vector_load %arg7[%swap3A_104, %swap3A_105] {strides = array<i32>} : memref<128x128xf32, #tpu.memory_space<vmem>>, vector<1x16xf32>,
      %swap3A_107 = vector.shape_cast %swap3A_106 : vector<1x16xf32> to vector<16xf32>
      %swap3A_108 = vector.shape_cast %broadcast_in_dim3A_9 : vector<16xf32> to vector<1x16xf32>
      tpu.vector_store %arg7[%swap3A_104, %swap3A_105], %swap3A_108 {strides = array<i32>} : memref<128x128xf32, #tpu.memory_space<vmem>>, vector<1x16xf32>,
    }
    %scan3A_14 = arith.constant 128 : i32
    %mul3A_15 = arith.constant 640 : i32
    %mul3A_16 = arith.muli %arg1, %mul3A_15 : i32
    %add3A_17 = arith.constant 0 : i32
    %add3A_18 = arith.addi %mul3A_16, %add3A_17 : i32
    "tpu.region"() ({
      %run_scoped3A_69 = tpu.sem_alloc : memref<!tpu.dma_semaphore, #tpu.memory_space<semaphore_mem>>
      %dma_start3A_70 = arith.constant 0 : i32
      %dma_start3A_71 = tpu.memref_slice %arg9[%add3A_18, %dma_start3A_70] : memref<10240x128xf32, #tpu.memory_space<vmem_shared>> -> memref<128x128xf32, #tpu.memory_space<vmem_shared>>
      %dma_start3A_72 = arith.constant 0 : i32
      %dma_start3A_73 = tpu.memref_slice %arg9[%add3A_18, %dma_start3A_72] : memref<10240x128xf32, #tpu.memory_space<vmem_shared>> -> memref<128x128xf32, #tpu.memory_space<vmem_shared>>
      tpu.enqueue_dma source(%arg7 : memref<128x128xf32, #tpu.memory_space<vmem>>) target(%dma_start3A_73 : memref<128x128xf32, #tpu.memory_space<vmem_shared>>) target_semaphore(%run_scoped3A_69 : memref<!tpu.dma_semaphore, #tpu.memory_space<semaphore_mem>>)
      %dma_wait3A_74 = arith.constant 0 : i32
      %dma_wait3A_75 = tpu.memref_slice %arg9[%add3A_18, %dma_wait3A_74] : memref<10240x128xf32, #tpu.memory_space<vmem_shared>> -> memref<128x128xf32, #tpu.memory_space<vmem_shared>>
      %dma_wait3A_76 = arith.constant 0 : i32
      %dma_wait3A_77 = tpu.memref_slice %arg9[%add3A_18, %dma_wait3A_76] : memref<10240x128xf32, #tpu.memory_space<vmem_shared>> -> memref<128x128xf32, #tpu.memory_space<vmem_shared>>
      tpu.wait_dma2 semaphore(%run_scoped3A_69 : memref<!tpu.dma_semaphore, #tpu.memory_space<semaphore_mem>>) src(%arg7 : memref<128x128xf32, #tpu.memory_space<vmem>>) dst(%dma_wait3A_77 : memref<128x128xf32, #tpu.memory_space<vmem_shared>>)
      tpu.yield
    }) : () -> ()
    %add3A_19 = arith.constant 128 : i32
    %add3A_20 = arith.addi %mul3A_16, %add3A_19 : i32
    "tpu.region"() ({
      %run_scoped3A_69 = tpu.sem_alloc : memref<!tpu.dma_semaphore, #tpu.memory_space<semaphore_mem>>
      %dma_start3A_70 = arith.constant 0 : i32
      %dma_start3A_71 = tpu.memref_slice %arg9[%add3A_20, %dma_start3A_70] : memref<10240x128xf32, #tpu.memory_space<vmem_shared>> -> memref<128x128xf32, #tpu.memory_space<vmem_shared>>
      %dma_start3A_72 = arith.constant 0 : i32
      %dma_start3A_73 = tpu.memref_slice %arg9[%add3A_20, %dma_start3A_72] : memref<10240x128xf32, #tpu.memory_space<vmem_shared>> -> memref<128x128xf32, #tpu.memory_space<vmem_shared>>
      tpu.enqueue_dma source(%arg7 : memref<128x128xf32, #tpu.memory_space<vmem>>) target(%dma_start3A_73 : memref<128x128xf32, #tpu.memory_space<vmem_shared>>) target_semaphore(%run_scoped3A_69 : memref<!tpu.dma_semaphore, #tpu.memory_space<semaphore_mem>>)
      %dma_wait3A_74 = arith.constant 0 : i32
      %dma_wait3A_75 = tpu.memref_slice %arg9[%add3A_20, %dma_wait3A_74] : memref<10240x128xf32, #tpu.memory_space<vmem_shared>> -> memref<128x128xf32, #tpu.memory_space<vmem_shared>>
      %dma_wait3A_76 = arith.constant 0 : i32
      %dma_wait3A_77 = tpu.memref_slice %arg9[%add3A_20, %dma_wait3A_76] : memref<10240x128xf32, #tpu.memory_space<vmem_shared>> -> memref<128x128xf32, #tpu.memory_space<vmem_shared>>
      tpu.wait_dma2 semaphore(%run_scoped3A_69 : memref<!tpu.dma_semaphore, #tpu.memory_space<semaphore_mem>>) src(%arg7 : memref<128x128xf32, #tpu.memory_space<vmem>>) dst(%dma_wait3A_77 : memref<128x128xf32, #tpu.memory_space<vmem_shared>>)
      tpu.yield
    }) : () -> ()
    %add3A_21 = arith.constant 256 : i32
    %add3A_22 = arith.addi %mul3A_16, %add3A_21 : i32
    "tpu.region"() ({
      %run_scoped3A_69 = tpu.sem_alloc : memref<!tpu.dma_semaphore, #tpu.memory_space<semaphore_mem>>
      %dma_start3A_70 = arith.constant 0 : i32
      %dma_start3A_71 = tpu.memref_slice %arg9[%add3A_22, %dma_start3A_70] : memref<10240x128xf32, #tpu.memory_space<vmem_shared>> -> memref<128x128xf32, #tpu.memory_space<vmem_shared>>
      %dma_start3A_72 = arith.constant 0 : i32
      %dma_start3A_73 = tpu.memref_slice %arg9[%add3A_22, %dma_start3A_72] : memref<10240x128xf32, #tpu.memory_space<vmem_shared>> -> memref<128x128xf32, #tpu.memory_space<vmem_shared>>
      tpu.enqueue_dma source(%arg7 : memref<128x128xf32, #tpu.memory_space<vmem>>) target(%dma_start3A_73 : memref<128x128xf32, #tpu.memory_space<vmem_shared>>) target_semaphore(%run_scoped3A_69 : memref<!tpu.dma_semaphore, #tpu.memory_space<semaphore_mem>>)
      %dma_wait3A_74 = arith.constant 0 : i32
      %dma_wait3A_75 = tpu.memref_slice %arg9[%add3A_22, %dma_wait3A_74] : memref<10240x128xf32, #tpu.memory_space<vmem_shared>> -> memref<128x128xf32, #tpu.memory_space<vmem_shared>>
      %dma_wait3A_76 = arith.constant 0 : i32
      %dma_wait3A_77 = tpu.memref_slice %arg9[%add3A_22, %dma_wait3A_76] : memref<10240x128xf32, #tpu.memory_space<vmem_shared>> -> memref<128x128xf32, #tpu.memory_space<vmem_shared>>
      tpu.wait_dma2 semaphore(%run_scoped3A_69 : memref<!tpu.dma_semaphore, #tpu.memory_space<semaphore_mem>>) src(%arg7 : memref<128x128xf32, #tpu.memory_space<vmem>>) dst(%dma_wait3A_77 : memref<128x128xf32, #tpu.memory_space<vmem_shared>>)
      tpu.yield
    }) : () -> ()
    %add3A_23 = arith.constant 384 : i32
    %add3A_24 = arith.addi %mul3A_16, %add3A_23 : i32
    "tpu.region"() ({
      %run_scoped3A_69 = tpu.sem_alloc : memref<!tpu.dma_semaphore, #tpu.memory_space<semaphore_mem>>
      %dma_start3A_70 = arith.constant 0 : i32
      %dma_start3A_71 = tpu.memref_slice %arg9[%add3A_24, %dma_start3A_70] : memref<10240x128xf32, #tpu.memory_space<vmem_shared>> -> memref<128x128xf32, #tpu.memory_space<vmem_shared>>
      %dma_start3A_72 = arith.constant 0 : i32
      %dma_start3A_73 = tpu.memref_slice %arg9[%add3A_24, %dma_start3A_72] : memref<10240x128xf32, #tpu.memory_space<vmem_shared>> -> memref<128x128xf32, #tpu.memory_space<vmem_shared>>
      tpu.enqueue_dma source(%arg7 : memref<128x128xf32, #tpu.memory_space<vmem>>) target(%dma_start3A_73 : memref<128x128xf32, #tpu.memory_space<vmem_shared>>) target_semaphore(%run_scoped3A_69 : memref<!tpu.dma_semaphore, #tpu.memory_space<semaphore_mem>>)
      %dma_wait3A_74 = arith.constant 0 : i32
      %dma_wait3A_75 = tpu.memref_slice %arg9[%add3A_24, %dma_wait3A_74] : memref<10240x128xf32, #tpu.memory_space<vmem_shared>> -> memref<128x128xf32, #tpu.memory_space<vmem_shared>>
      %dma_wait3A_76 = arith.constant 0 : i32
      %dma_wait3A_77 = tpu.memref_slice %arg9[%add3A_24, %dma_wait3A_76] : memref<10240x128xf32, #tpu.memory_space<vmem_shared>> -> memref<128x128xf32, #tpu.memory_space<vmem_shared>>
      tpu.wait_dma2 semaphore(%run_scoped3A_69 : memref<!tpu.dma_semaphore, #tpu.memory_space<semaphore_mem>>) src(%arg7 : memref<128x128xf32, #tpu.memory_space<vmem>>) dst(%dma_wait3A_77 : memref<128x128xf32, #tpu.memory_space<vmem_shared>>)
      tpu.yield
    }) : () -> ()
    %add3A_25 = arith.constant 512 : i32
    %add3A_26 = arith.addi %mul3A_16, %add3A_25 : i32
    "tpu.region"() ({
      %run_scoped3A_69 = tpu.sem_alloc : memref<!tpu.dma_semaphore, #tpu.memory_space<semaphore_mem>>
      %dma_start3A_70 = arith.constant 0 : i32
      %dma_start3A_71 = tpu.memref_slice %arg9[%add3A_26, %dma_start3A_70] : memref<10240x128xf32, #tpu.memory_space<vmem_shared>> -> memref<128x128xf32, #tpu.memory_space<vmem_shared>>
      %dma_start3A_72 = arith.constant 0 : i32
      %dma_start3A_73 = tpu.memref_slice %arg9[%add3A_26, %dma_start3A_72] : memref<10240x128xf32, #tpu.memory_space<vmem_shared>> -> memref<128x128xf32, #tpu.memory_space<vmem_shared>>
      tpu.enqueue_dma source(%arg7 : memref<128x128xf32, #tpu.memory_space<vmem>>) target(%dma_start3A_73 : memref<128x128xf32, #tpu.memory_space<vmem_shared>>) target_semaphore(%run_scoped3A_69 : memref<!tpu.dma_semaphore, #tpu.memory_space<semaphore_mem>>)
      %dma_wait3A_74 = arith.constant 0 : i32
      %dma_wait3A_75 = tpu.memref_slice %arg9[%add3A_26, %dma_wait3A_74] : memref<10240x128xf32, #tpu.memory_space<vmem_shared>> -> memref<128x128xf32, #tpu.memory_space<vmem_shared>>
      %dma_wait3A_76 = arith.constant 0 : i32
      %dma_wait3A_77 = tpu.memref_slice %arg9[%add3A_26, %dma_wait3A_76] : memref<10240x128xf32, #tpu.memory_space<vmem_shared>> -> memref<128x128xf32, #tpu.memory_space<vmem_shared>>
      tpu.wait_dma2 semaphore(%run_scoped3A_69 : memref<!tpu.dma_semaphore, #tpu.memory_space<semaphore_mem>>) src(%arg7 : memref<128x128xf32, #tpu.memory_space<vmem>>) dst(%dma_wait3A_77 : memref<128x128xf32, #tpu.memory_space<vmem_shared>>)
      tpu.yield
    }) : () -> ()
    %barrier3A = arith.constant 0 : index
    tpu.barrier barrier_id(%barrier3A)
    "tpu.region"() ({
      %run_scoped3A_69 = tpu.sem_alloc : memref<!tpu.dma_semaphore, #tpu.memory_space<semaphore_mem>>
      %dma_start3A_70 = arith.constant 0 : i32
      %dma_start3A_71 = arith.constant 0 : i32
      %dma_start3A_72 = tpu.memref_slice %arg2[%select_n3A, %dma_start3A_70, %dma_start3A_71] : memref<2528x2x128xi32, #tpu.memory_space<hbm>> -> memref<1x2x128xi32, #tpu.memory_space<hbm>>
      %dma_start3A_73 = tpu.memref_squeeze %dma_start3A_72 : memref<1x2x128xi32, #tpu.memory_space<hbm>> -> memref<2x128xi32, #tpu.memory_space<hbm>>
      %dma_start3A_74 = arith.constant 0 : i32
      %dma_start3A_75 = arith.constant 0 : i32
      %dma_start3A_76 = tpu.memref_slice %arg2[%select_n3A, %dma_start3A_74, %dma_start3A_75] : memref<2528x2x128xi32, #tpu.memory_space<hbm>> -> memref<1x2x128xi32, #tpu.memory_space<hbm>>
      %dma_start3A_77 = tpu.memref_squeeze %dma_start3A_76 : memref<1x2x128xi32, #tpu.memory_space<hbm>> -> memref<2x128xi32, #tpu.memory_space<hbm>>
      tpu.enqueue_dma source(%dma_start3A_77 : memref<2x128xi32, #tpu.memory_space<hbm>>) target(%arg5 : memref<2x128xi32, #tpu.memory_space<vmem>>) target_semaphore(%run_scoped3A_69 : memref<!tpu.dma_semaphore, #tpu.memory_space<semaphore_mem>>)
      %dma_wait3A_78 = arith.constant 0 : i32
      %dma_wait3A_79 = arith.constant 0 : i32
      %dma_wait3A_80 = tpu.memref_slice %arg2[%select_n3A, %dma_wait3A_78, %dma_wait3A_79] : memref<2528x2x128xi32, #tpu.memory_space<hbm>> -> memref<1x2x128xi32, #tpu.memory_space<hbm>>
      %dma_wait3A_81 = tpu.memref_squeeze %dma_wait3A_80 : memref<1x2x128xi32, #tpu.memory_space<hbm>> -> memref<2x128xi32, #tpu.memory_space<hbm>>
      %dma_wait3A_82 = arith.constant 0 : i32
      %dma_wait3A_83 = arith.constant 0 : i32
      %dma_wait3A_84 = tpu.memref_slice %arg2[%select_n3A, %dma_wait3A_82, %dma_wait3A_83] : memref<2528x2x128xi32, #tpu.memory_space<hbm>> -> memref<1x2x128xi32, #tpu.memory_space<hbm>>
      %dma_wait3A_85 = tpu.memref_squeeze %dma_wait3A_84 : memref<1x2x128xi32, #tpu.memory_space<hbm>> -> memref<2x128xi32, #tpu.memory_space<hbm>>
      tpu.wait_dma2 semaphore(%run_scoped3A_69 : memref<!tpu.dma_semaphore, #tpu.memory_space<semaphore_mem>>) src(%dma_wait3A_85 : memref<2x128xi32, #tpu.memory_space<hbm>>) dst(%arg5 : memref<2x128xi32, #tpu.memory_space<vmem>>)
      tpu.yield
    }) : () -> ()
    %dma_start3A = arith.constant 0 : i32
    %dma_start3A_27 = arith.constant 0 : i32
    %dma_start3A_28 = tpu.memref_slice %arg5[%dma_start3A, %dma_start3A_27] : memref<2x128xi32, #tpu.memory_space<vmem>> -> memref<1x128xi32, #tpu.memory_space<vmem>>
    %dma_start3A_29 = tpu.memref_squeeze %dma_start3A_28 : memref<1x128xi32, #tpu.memory_space<vmem>> -> memref<128xi32, #tpu.memory_space<vmem>>
    %dma_start3A_30 = arith.constant 0 : i32
    %dma_start3A_31 = arith.constant 0 : i32
    %dma_start3A_32 = tpu.memref_slice %arg3[%dma_start3A_30, %dma_start3A_31] : memref<10240x128xf32, #tpu.memory_space<hbm>> -> memref<10240x128xf32, #tpu.memory_space<hbm>>
    tpu.enqueue_indirect_dma source(%dma_start3A_32 : memref<10240x128xf32, #tpu.memory_space<hbm>>) target(%arg7 : memref<128x128xf32, #tpu.memory_space<vmem>>) offsets(%dma_start3A_29 : memref<128xi32, #tpu.memory_space<vmem>>) semaphore(%arg10 : memref<!tpu.dma_semaphore, #tpu.memory_space<semaphore_mem>>)
    %sub3A = arith.constant 1 : i32
    %sub3A_33 = arith.subi %select_n3A_8, %sub3A : i32
    %jit3A_34 = arith.constant 2 : i32
    %div3A = arith.divsi %sub3A_33, %jit3A_34 : i32
    %sign3A = arith.constant 0 : i32
    %sign3A_35 = arith.cmpi sgt, %sub3A_33, %sign3A : i32
    %sign3A_36 = arith.extui %sign3A_35 : i1 to i32
    %sign3A_37 = arith.constant 0 : i32
    %sign3A_38 = arith.cmpi slt, %sub3A_33, %sign3A_37 : i32
    %sign3A_39 = arith.extui %sign3A_38 : i1 to i32
    %sign3A_40 = arith.subi %sign3A_36, %sign3A_39 : i32
    %sign3A_41 = arith.constant 0 : i32
    %sign3A_42 = arith.cmpi sgt, %jit3A_34, %sign3A_41 : i32
    %sign3A_43 = arith.extui %sign3A_42 : i1 to i32
    %sign3A_44 = arith.constant 0 : i32
    %sign3A_45 = arith.cmpi slt, %jit3A_34, %sign3A_44 : i32
    %sign3A_46 = arith.extui %sign3A_45 : i1 to i32
    %sign3A_47 = arith.subi %sign3A_43, %sign3A_46 : i32
    %ne3A = arith.cmpi ne, %sign3A_40, %sign3A_47 : i32
    %rem3A = arith.remsi %sub3A_33, %jit3A_34 : i32
    %ne3A_48 = arith.constant 0 : i32
    %ne3A_49 = arith.cmpi ne, %rem3A, %ne3A_48 : i32
    %and3A = arith.andi %ne3A, %ne3A_49 : i1
    %sub3A_50 = arith.constant 1 : i32
    %sub3A_51 = arith.subi %div3A, %sub3A_50 : i32
    %select_n3A_52 = arith.select %and3A, %sub3A_51, %div3A : i32
    %while3A = arith.constant 0 : i32
    %while3A_53 = arith.constant 0 : i32
    %while3A_54 = arith.subi %select_n3A_52, %while3A_53 : i32
    %while3A_55 = arith.addi %while3A_53, %while3A_54 : i32
    %while3A_56 = arith.constant 1 : i32
    %while3A_57 = arith.divsi %while3A_54, %while3A_56 : i32
    %while3A_58 = arith.muli %while3A_57, %while3A_56 : i32
    %while3A_59 = arith.addi %while3A_53, %while3A_58 : i32
    %while3A_60 = arith.constant 1 : i32
    scf.for %while3A_69 = %while3A_53 to %while3A_59 step %while3A_60  : i32 {
      %mul3A_70 = arith.constant 2 : i32
      %mul3A_71 = arith.muli %mul3A_70, %while3A_69 : i32
      %add3A_72 = arith.constant 0 : i32
      %add3A_73 = arith.addi %mul3A_71, %add3A_72 : i32
      %add3A_74 = arith.constant 1 : i32
      %add3A_75 = arith.addi %add3A_73, %add3A_74 : i32
      %add3A_76 = arith.addi %select_n3A, %add3A_75 : i32
      "tpu.region"() ({
        %run_scoped3A_114 = tpu.sem_alloc : memref<!tpu.dma_semaphore, #tpu.memory_space<semaphore_mem>>
        %dma_start3A_115 = arith.constant 0 : i32
        %dma_start3A_116 = arith.constant 0 : i32
        %dma_start3A_117 = tpu.memref_slice %arg2[%add3A_76, %dma_start3A_115, %dma_start3A_116] : memref<2528x2x128xi32, #tpu.memory_space<hbm>> -> memref<1x2x128xi32, #tpu.memory_space<hbm>>
        %dma_start3A_118 = tpu.memref_squeeze %dma_start3A_117 : memref<1x2x128xi32, #tpu.memory_space<hbm>> -> memref<2x128xi32, #tpu.memory_space<hbm>>
        %dma_start3A_119 = arith.constant 0 : i32
        %dma_start3A_120 = arith.constant 0 : i32
        %dma_start3A_121 = tpu.memref_slice %arg2[%add3A_76, %dma_start3A_119, %dma_start3A_120] : memref<2528x2x128xi32, #tpu.memory_space<hbm>> -> memref<1x2x128xi32, #tpu.memory_space<hbm>>
        %dma_start3A_122 = tpu.memref_squeeze %dma_start3A_121 : memref<1x2x128xi32, #tpu.memory_space<hbm>> -> memref<2x128xi32, #tpu.memory_space<hbm>>
        tpu.enqueue_dma source(%dma_start3A_122 : memref<2x128xi32, #tpu.memory_space<hbm>>) target(%arg6 : memref<2x128xi32, #tpu.memory_space<vmem>>) target_semaphore(%run_scoped3A_114 : memref<!tpu.dma_semaphore, #tpu.memory_space<semaphore_mem>>)
        %dma_wait3A_123 = arith.constant 0 : i32
        %dma_wait3A_124 = arith.constant 0 : i32
        %dma_wait3A_125 = tpu.memref_slice %arg2[%add3A_76, %dma_wait3A_123, %dma_wait3A_124] : memref<2528x2x128xi32, #tpu.memory_space<hbm>> -> memref<1x2x128xi32, #tpu.memory_space<hbm>>
        %dma_wait3A_126 = tpu.memref_squeeze %dma_wait3A_125 : memref<1x2x128xi32, #tpu.memory_space<hbm>> -> memref<2x128xi32, #tpu.memory_space<hbm>>
        %dma_wait3A_127 = arith.constant 0 : i32
        %dma_wait3A_128 = arith.constant 0 : i32
        %dma_wait3A_129 = tpu.memref_slice %arg2[%add3A_76, %dma_wait3A_127, %dma_wait3A_128] : memref<2528x2x128xi32, #tpu.memory_space<hbm>> -> memref<1x2x128xi32, #tpu.memory_space<hbm>>
        %dma_wait3A_130 = tpu.memref_squeeze %dma_wait3A_129 : memref<1x2x128xi32, #tpu.memory_space<hbm>> -> memref<2x128xi32, #tpu.memory_space<hbm>>
        tpu.wait_dma2 semaphore(%run_scoped3A_114 : memref<!tpu.dma_semaphore, #tpu.memory_space<semaphore_mem>>) src(%dma_wait3A_130 : memref<2x128xi32, #tpu.memory_space<hbm>>) dst(%arg6 : memref<2x128xi32, #tpu.memory_space<vmem>>)
        tpu.yield
      }) : () -> ()
      %dma_wait3A_77 = arith.constant 0 : i32
      %dma_wait3A_78 = arith.constant 0 : i32
      %dma_wait3A_79 = tpu.memref_slice %arg5[%dma_wait3A_77, %dma_wait3A_78] : memref<2x128xi32, #tpu.memory_space<vmem>> -> memref<1x128xi32, #tpu.memory_space<vmem>>
      %dma_wait3A_80 = tpu.memref_squeeze %dma_wait3A_79 : memref<1x128xi32, #tpu.memory_space<vmem>> -> memref<128xi32, #tpu.memory_space<vmem>>
      %dma_wait3A_81 = arith.constant 0 : i32
      %dma_wait3A_82 = arith.constant 0 : i32
      %dma_wait3A_83 = tpu.memref_slice %arg3[%dma_wait3A_81, %dma_wait3A_82] : memref<10240x128xf32, #tpu.memory_space<hbm>> -> memref<10240x128xf32, #tpu.memory_space<hbm>>
      tpu.wait_indirect_dma semaphore(%arg10 : memref<!tpu.dma_semaphore, #tpu.memory_space<semaphore_mem>>) src(%dma_wait3A_83 : memref<10240x128xf32, #tpu.memory_space<hbm>>) dst(%arg7 : memref<128x128xf32, #tpu.memory_space<vmem>>)
      %dma_start3A_84 = arith.constant 0 : i32
      %dma_start3A_85 = arith.constant 0 : i32
      %dma_start3A_86 = tpu.memref_slice %arg6[%dma_start3A_84, %dma_start3A_85] : memref<2x128xi32, #tpu.memory_space<vmem>> -> memref<1x128xi32, #tpu.memory_space<vmem>>
      %dma_start3A_87 = tpu.memref_squeeze %dma_start3A_86 : memref<1x128xi32, #tpu.memory_space<vmem>> -> memref<128xi32, #tpu.memory_space<vmem>>
      %dma_start3A_88 = arith.constant 0 : i32
      %dma_start3A_89 = arith.constant 0 : i32
      %dma_start3A_90 = tpu.memref_slice %arg3[%dma_start3A_88, %dma_start3A_89] : memref<10240x128xf32, #tpu.memory_space<hbm>> -> memref<10240x128xf32, #tpu.memory_space<hbm>>
      tpu.enqueue_indirect_dma source(%dma_start3A_90 : memref<10240x128xf32, #tpu.memory_space<hbm>>) target(%arg8 : memref<128x128xf32, #tpu.memory_space<vmem>>) offsets(%dma_start3A_87 : memref<128xi32, #tpu.memory_space<vmem>>) semaphore(%arg11 : memref<!tpu.dma_semaphore, #tpu.memory_space<semaphore_mem>>)
      %run_scoped3A_91 = arith.constant 1 : i32
      "tpu.region"() ({
        %run_scoped3A_114 = tpu.sem_alloc : memref<!tpu.dma_semaphore, #tpu.memory_space<semaphore_mem>>
        %dma_start3A_115 = arith.constant 0 : i32
        %dma_start3A_116 = tpu.memref_slice %arg5[%run_scoped3A_91, %dma_start3A_115] : memref<2x128xi32, #tpu.memory_space<vmem>> -> memref<1x128xi32, #tpu.memory_space<vmem>>
        %dma_start3A_117 = tpu.memref_squeeze %dma_start3A_116 : memref<1x128xi32, #tpu.memory_space<vmem>> -> memref<128xi32, #tpu.memory_space<vmem>>
        %dma_start3A_118 = arith.constant 0 : i32
        %dma_start3A_119 = arith.constant 0 : i32
        %dma_start3A_120 = tpu.memref_slice %arg9[%dma_start3A_118, %dma_start3A_119] : memref<10240x128xf32, #tpu.memory_space<vmem_shared>> -> memref<10240x128xf32, #tpu.memory_space<vmem_shared>>
        tpu.enqueue_indirect_dma source(%arg7 : memref<128x128xf32, #tpu.memory_space<vmem>>) target(%dma_start3A_120 : memref<10240x128xf32, #tpu.memory_space<vmem_shared>>) offsets(%dma_start3A_117 : memref<128xi32, #tpu.memory_space<vmem>>) semaphore(%run_scoped3A_114 : memref<!tpu.dma_semaphore, #tpu.memory_space<semaphore_mem>>) {add = true}
        %dma_wait3A_121 = arith.constant 0 : i32
        %dma_wait3A_122 = tpu.memref_slice %arg5[%run_scoped3A_91, %dma_wait3A_121] : memref<2x128xi32, #tpu.memory_space<vmem>> -> memref<1x128xi32, #tpu.memory_space<vmem>>
        %dma_wait3A_123 = tpu.memref_squeeze %dma_wait3A_122 : memref<1x128xi32, #tpu.memory_space<vmem>> -> memref<128xi32, #tpu.memory_space<vmem>>
        %dma_wait3A_124 = arith.constant 0 : i32
        %dma_wait3A_125 = arith.constant 0 : i32
        %dma_wait3A_126 = tpu.memref_slice %arg9[%dma_wait3A_124, %dma_wait3A_125] : memref<10240x128xf32, #tpu.memory_space<vmem_shared>> -> memref<10240x128xf32, #tpu.memory_space<vmem_shared>>
        tpu.wait_indirect_dma semaphore(%run_scoped3A_114 : memref<!tpu.dma_semaphore, #tpu.memory_space<semaphore_mem>>) src(%arg7 : memref<128x128xf32, #tpu.memory_space<vmem>>) dst(%dma_wait3A_126 : memref<10240x128xf32, #tpu.memory_space<vmem_shared>>)
        tpu.yield
      }) : () -> ()
      %mul3A_92 = arith.constant 2 : i32
      %mul3A_93 = arith.muli %mul3A_92, %while3A_69 : i32
      %add3A_94 = arith.constant 1 : i32
      %add3A_95 = arith.addi %mul3A_93, %add3A_94 : i32
      %add3A_96 = arith.constant 1 : i32
      %add3A_97 = arith.addi %add3A_95, %add3A_96 : i32
      %add3A_98 = arith.addi %select_n3A, %add3A_97 : i32
      "tpu.region"() ({
        %run_scoped3A_114 = tpu.sem_alloc : memref<!tpu.dma_semaphore, #tpu.memory_space<semaphore_mem>>
        %dma_start3A_115 = arith.constant 0 : i32
        %dma_start3A_116 = arith.constant 0 : i32
        %dma_start3A_117 = tpu.memref_slice %arg2[%add3A_98, %dma_start3A_115, %dma_start3A_116] : memref<2528x2x128xi32, #tpu.memory_space<hbm>> -> memref<1x2x128xi32, #tpu.memory_space<hbm>>
        %dma_start3A_118 = tpu.memref_squeeze %dma_start3A_117 : memref<1x2x128xi32, #tpu.memory_space<hbm>> -> memref<2x128xi32, #tpu.memory_space<hbm>>
        %dma_start3A_119 = arith.constant 0 : i32
        %dma_start3A_120 = arith.constant 0 : i32
        %dma_start3A_121 = tpu.memref_slice %arg2[%add3A_98, %dma_start3A_119, %dma_start3A_120] : memref<2528x2x128xi32, #tpu.memory_space<hbm>> -> memref<1x2x128xi32, #tpu.memory_space<hbm>>
        %dma_start3A_122 = tpu.memref_squeeze %dma_start3A_121 : memref<1x2x128xi32, #tpu.memory_space<hbm>> -> memref<2x128xi32, #tpu.memory_space<hbm>>
        tpu.enqueue_dma source(%dma_start3A_122 : memref<2x128xi32, #tpu.memory_space<hbm>>) target(%arg5 : memref<2x128xi32, #tpu.memory_space<vmem>>) target_semaphore(%run_scoped3A_114 : memref<!tpu.dma_semaphore, #tpu.memory_space<semaphore_mem>>)
        %dma_wait3A_123 = arith.constant 0 : i32
        %dma_wait3A_124 = arith.constant 0 : i32
        %dma_wait3A_125 = tpu.memref_slice %arg2[%add3A_98, %dma_wait3A_123, %dma_wait3A_124] : memref<2528x2x128xi32, #tpu.memory_space<hbm>> -> memref<1x2x128xi32, #tpu.memory_space<hbm>>
        %dma_wait3A_126 = tpu.memref_squeeze %dma_wait3A_125 : memref<1x2x128xi32, #tpu.memory_space<hbm>> -> memref<2x128xi32, #tpu.memory_space<hbm>>
        %dma_wait3A_127 = arith.constant 0 : i32
        %dma_wait3A_128 = arith.constant 0 : i32
        %dma_wait3A_129 = tpu.memref_slice %arg2[%add3A_98, %dma_wait3A_127, %dma_wait3A_128] : memref<2528x2x128xi32, #tpu.memory_space<hbm>> -> memref<1x2x128xi32, #tpu.memory_space<hbm>>
        %dma_wait3A_130 = tpu.memref_squeeze %dma_wait3A_129 : memref<1x2x128xi32, #tpu.memory_space<hbm>> -> memref<2x128xi32, #tpu.memory_space<hbm>>
        tpu.wait_dma2 semaphore(%run_scoped3A_114 : memref<!tpu.dma_semaphore, #tpu.memory_space<semaphore_mem>>) src(%dma_wait3A_130 : memref<2x128xi32, #tpu.memory_space<hbm>>) dst(%arg5 : memref<2x128xi32, #tpu.memory_space<vmem>>)
        tpu.yield
      }) : () -> ()
      %dma_wait3A_99 = arith.constant 0 : i32
      %dma_wait3A_100 = arith.constant 0 : i32
      %dma_wait3A_101 = tpu.memref_slice %arg6[%dma_wait3A_99, %dma_wait3A_100] : memref<2x128xi32, #tpu.memory_space<vmem>> -> memref<1x128xi32, #tpu.memory_space<vmem>>
      %dma_wait3A_102 = tpu.memref_squeeze %dma_wait3A_101 : memref<1x128xi32, #tpu.memory_space<vmem>> -> memref<128xi32, #tpu.memory_space<vmem>>
      %dma_wait3A_103 = arith.constant 0 : i32
      %dma_wait3A_104 = arith.constant 0 : i32
      %dma_wait3A_105 = tpu.memref_slice %arg3[%dma_wait3A_103, %dma_wait3A_104] : memref<10240x128xf32, #tpu.memory_space<hbm>> -> memref<10240x128xf32, #tpu.memory_space<hbm>>
      tpu.wait_indirect_dma semaphore(%arg11 : memref<!tpu.dma_semaphore, #tpu.memory_space<semaphore_mem>>) src(%dma_wait3A_105 : memref<10240x128xf32, #tpu.memory_space<hbm>>) dst(%arg8 : memref<128x128xf32, #tpu.memory_space<vmem>>)
      %dma_start3A_106 = arith.constant 0 : i32
      %dma_start3A_107 = arith.constant 0 : i32
      %dma_start3A_108 = tpu.memref_slice %arg5[%dma_start3A_106, %dma_start3A_107] : memref<2x128xi32, #tpu.memory_space<vmem>> -> memref<1x128xi32, #tpu.memory_space<vmem>>
      %dma_start3A_109 = tpu.memref_squeeze %dma_start3A_108 : memref<1x128xi32, #tpu.memory_space<vmem>> -> memref<128xi32, #tpu.memory_space<vmem>>
      %dma_start3A_110 = arith.constant 0 : i32
      %dma_start3A_111 = arith.constant 0 : i32
      %dma_start3A_112 = tpu.memref_slice %arg3[%dma_start3A_110, %dma_start3A_111] : memref<10240x128xf32, #tpu.memory_space<hbm>> -> memref<10240x128xf32, #tpu.memory_space<hbm>>
      tpu.enqueue_indirect_dma source(%dma_start3A_112 : memref<10240x128xf32, #tpu.memory_space<hbm>>) target(%arg7 : memref<128x128xf32, #tpu.memory_space<vmem>>) offsets(%dma_start3A_109 : memref<128xi32, #tpu.memory_space<vmem>>) semaphore(%arg10 : memref<!tpu.dma_semaphore, #tpu.memory_space<semaphore_mem>>)
      %run_scoped3A_113 = arith.constant 1 : i32
      "tpu.region"() ({
        %run_scoped3A_114 = tpu.sem_alloc : memref<!tpu.dma_semaphore, #tpu.memory_space<semaphore_mem>>
        %dma_start3A_115 = arith.constant 0 : i32
        %dma_start3A_116 = tpu.memref_slice %arg6[%run_scoped3A_113, %dma_start3A_115] : memref<2x128xi32, #tpu.memory_space<vmem>> -> memref<1x128xi32, #tpu.memory_space<vmem>>
        %dma_start3A_117 = tpu.memref_squeeze %dma_start3A_116 : memref<1x128xi32, #tpu.memory_space<vmem>> -> memref<128xi32, #tpu.memory_space<vmem>>
        %dma_start3A_118 = arith.constant 0 : i32
        %dma_start3A_119 = arith.constant 0 : i32
        %dma_start3A_120 = tpu.memref_slice %arg9[%dma_start3A_118, %dma_start3A_119] : memref<10240x128xf32, #tpu.memory_space<vmem_shared>> -> memref<10240x128xf32, #tpu.memory_space<vmem_shared>>
        tpu.enqueue_indirect_dma source(%arg8 : memref<128x128xf32, #tpu.memory_space<vmem>>) target(%dma_start3A_120 : memref<10240x128xf32, #tpu.memory_space<vmem_shared>>) offsets(%dma_start3A_117 : memref<128xi32, #tpu.memory_space<vmem>>) semaphore(%run_scoped3A_114 : memref<!tpu.dma_semaphore, #tpu.memory_space<semaphore_mem>>) {add = true}
        %dma_wait3A_121 = arith.constant 0 : i32
        %dma_wait3A_122 = tpu.memref_slice %arg6[%run_scoped3A_113, %dma_wait3A_121] : memref<2x128xi32, #tpu.memory_space<vmem>> -> memref<1x128xi32, #tpu.memory_space<vmem>>
        %dma_wait3A_123 = tpu.memref_squeeze %dma_wait3A_122 : memref<1x128xi32, #tpu.memory_space<vmem>> -> memref<128xi32, #tpu.memory_space<vmem>>
        %dma_wait3A_124 = arith.constant 0 : i32
        %dma_wait3A_125 = arith.constant 0 : i32
        %dma_wait3A_126 = tpu.memref_slice %arg9[%dma_wait3A_124, %dma_wait3A_125] : memref<10240x128xf32, #tpu.memory_space<vmem_shared>> -> memref<10240x128xf32, #tpu.memory_space<vmem_shared>>
        tpu.wait_indirect_dma semaphore(%run_scoped3A_114 : memref<!tpu.dma_semaphore, #tpu.memory_space<semaphore_mem>>) src(%arg8 : memref<128x128xf32, #tpu.memory_space<vmem>>) dst(%dma_wait3A_126 : memref<10240x128xf32, #tpu.memory_space<vmem_shared>>)
        tpu.yield
      }) : () -> ()
    }
    %while3A_61 = arith.constant 1 : i32
    scf.for %while3A_69 = %while3A_59 to %while3A_55 step %while3A_61  : i32 {
      %mul3A_70 = arith.constant 2 : i32
      %mul3A_71 = arith.muli %mul3A_70, %while3A_69 : i32
      %add3A_72 = arith.constant 0 : i32
      %add3A_73 = arith.addi %mul3A_71, %add3A_72 : i32
      %add3A_74 = arith.constant 1 : i32
      %add3A_75 = arith.addi %add3A_73, %add3A_74 : i32
      %add3A_76 = arith.addi %select_n3A, %add3A_75 : i32
      "tpu.region"() ({
        %run_scoped3A_114 = tpu.sem_alloc : memref<!tpu.dma_semaphore, #tpu.memory_space<semaphore_mem>>
        %dma_start3A_115 = arith.constant 0 : i32
        %dma_start3A_116 = arith.constant 0 : i32
        %dma_start3A_117 = tpu.memref_slice %arg2[%add3A_76, %dma_start3A_115, %dma_start3A_116] : memref<2528x2x128xi32, #tpu.memory_space<hbm>> -> memref<1x2x128xi32, #tpu.memory_space<hbm>>
        %dma_start3A_118 = tpu.memref_squeeze %dma_start3A_117 : memref<1x2x128xi32, #tpu.memory_space<hbm>> -> memref<2x128xi32, #tpu.memory_space<hbm>>
        %dma_start3A_119 = arith.constant 0 : i32
        %dma_start3A_120 = arith.constant 0 : i32
        %dma_start3A_121 = tpu.memref_slice %arg2[%add3A_76, %dma_start3A_119, %dma_start3A_120] : memref<2528x2x128xi32, #tpu.memory_space<hbm>> -> memref<1x2x128xi32, #tpu.memory_space<hbm>>
        %dma_start3A_122 = tpu.memref_squeeze %dma_start3A_121 : memref<1x2x128xi32, #tpu.memory_space<hbm>> -> memref<2x128xi32, #tpu.memory_space<hbm>>
        tpu.enqueue_dma source(%dma_start3A_122 : memref<2x128xi32, #tpu.memory_space<hbm>>) target(%arg6 : memref<2x128xi32, #tpu.memory_space<vmem>>) target_semaphore(%run_scoped3A_114 : memref<!tpu.dma_semaphore, #tpu.memory_space<semaphore_mem>>)
        %dma_wait3A_123 = arith.constant 0 : i32
        %dma_wait3A_124 = arith.constant 0 : i32
        %dma_wait3A_125 = tpu.memref_slice %arg2[%add3A_76, %dma_wait3A_123, %dma_wait3A_124] : memref<2528x2x128xi32, #tpu.memory_space<hbm>> -> memref<1x2x128xi32, #tpu.memory_space<hbm>>
        %dma_wait3A_126 = tpu.memref_squeeze %dma_wait3A_125 : memref<1x2x128xi32, #tpu.memory_space<hbm>> -> memref<2x128xi32, #tpu.memory_space<hbm>>
        %dma_wait3A_127 = arith.constant 0 : i32
        %dma_wait3A_128 = arith.constant 0 : i32
        %dma_wait3A_129 = tpu.memref_slice %arg2[%add3A_76, %dma_wait3A_127, %dma_wait3A_128] : memref<2528x2x128xi32, #tpu.memory_space<hbm>> -> memref<1x2x128xi32, #tpu.memory_space<hbm>>
        %dma_wait3A_130 = tpu.memref_squeeze %dma_wait3A_129 : memref<1x2x128xi32, #tpu.memory_space<hbm>> -> memref<2x128xi32, #tpu.memory_space<hbm>>
        tpu.wait_dma2 semaphore(%run_scoped3A_114 : memref<!tpu.dma_semaphore, #tpu.memory_space<semaphore_mem>>) src(%dma_wait3A_130 : memref<2x128xi32, #tpu.memory_space<hbm>>) dst(%arg6 : memref<2x128xi32, #tpu.memory_space<vmem>>)
        tpu.yield
      }) : () -> ()
      %dma_wait3A_77 = arith.constant 0 : i32
      %dma_wait3A_78 = arith.constant 0 : i32
      %dma_wait3A_79 = tpu.memref_slice %arg5[%dma_wait3A_77, %dma_wait3A_78] : memref<2x128xi32, #tpu.memory_space<vmem>> -> memref<1x128xi32, #tpu.memory_space<vmem>>
      %dma_wait3A_80 = tpu.memref_squeeze %dma_wait3A_79 : memref<1x128xi32, #tpu.memory_space<vmem>> -> memref<128xi32, #tpu.memory_space<vmem>>
      %dma_wait3A_81 = arith.constant 0 : i32
      %dma_wait3A_82 = arith.constant 0 : i32
      %dma_wait3A_83 = tpu.memref_slice %arg3[%dma_wait3A_81, %dma_wait3A_82] : memref<10240x128xf32, #tpu.memory_space<hbm>> -> memref<10240x128xf32, #tpu.memory_space<hbm>>
      tpu.wait_indirect_dma semaphore(%arg10 : memref<!tpu.dma_semaphore, #tpu.memory_space<semaphore_mem>>) src(%dma_wait3A_83 : memref<10240x128xf32, #tpu.memory_space<hbm>>) dst(%arg7 : memref<128x128xf32, #tpu.memory_space<vmem>>)
      %dma_start3A_84 = arith.constant 0 : i32
      %dma_start3A_85 = arith.constant 0 : i32
      %dma_start3A_86 = tpu.memref_slice %arg6[%dma_start3A_84, %dma_start3A_85] : memref<2x128xi32, #tpu.memory_space<vmem>> -> memref<1x128xi32, #tpu.memory_space<vmem>>
      %dma_start3A_87 = tpu.memref_squeeze %dma_start3A_86 : memref<1x128xi32, #tpu.memory_space<vmem>> -> memref<128xi32, #tpu.memory_space<vmem>>
      %dma_start3A_88 = arith.constant 0 : i32
      %dma_start3A_89 = arith.constant 0 : i32
      %dma_start3A_90 = tpu.memref_slice %arg3[%dma_start3A_88, %dma_start3A_89] : memref<10240x128xf32, #tpu.memory_space<hbm>> -> memref<10240x128xf32, #tpu.memory_space<hbm>>
      tpu.enqueue_indirect_dma source(%dma_start3A_90 : memref<10240x128xf32, #tpu.memory_space<hbm>>) target(%arg8 : memref<128x128xf32, #tpu.memory_space<vmem>>) offsets(%dma_start3A_87 : memref<128xi32, #tpu.memory_space<vmem>>) semaphore(%arg11 : memref<!tpu.dma_semaphore, #tpu.memory_space<semaphore_mem>>)
      %run_scoped3A_91 = arith.constant 1 : i32
      "tpu.region"() ({
        %run_scoped3A_114 = tpu.sem_alloc : memref<!tpu.dma_semaphore, #tpu.memory_space<semaphore_mem>>
        %dma_start3A_115 = arith.constant 0 : i32
        %dma_start3A_116 = tpu.memref_slice %arg5[%run_scoped3A_91, %dma_start3A_115] : memref<2x128xi32, #tpu.memory_space<vmem>> -> memref<1x128xi32, #tpu.memory_space<vmem>>
        %dma_start3A_117 = tpu.memref_squeeze %dma_start3A_116 : memref<1x128xi32, #tpu.memory_space<vmem>> -> memref<128xi32, #tpu.memory_space<vmem>>
        %dma_start3A_118 = arith.constant 0 : i32
        %dma_start3A_119 = arith.constant 0 : i32
        %dma_start3A_120 = tpu.memref_slice %arg9[%dma_start3A_118, %dma_start3A_119] : memref<10240x128xf32, #tpu.memory_space<vmem_shared>> -> memref<10240x128xf32, #tpu.memory_space<vmem_shared>>
        tpu.enqueue_indirect_dma source(%arg7 : memref<128x128xf32, #tpu.memory_space<vmem>>) target(%dma_start3A_120 : memref<10240x128xf32, #tpu.memory_space<vmem_shared>>) offsets(%dma_start3A_117 : memref<128xi32, #tpu.memory_space<vmem>>) semaphore(%run_scoped3A_114 : memref<!tpu.dma_semaphore, #tpu.memory_space<semaphore_mem>>) {add = true}
        %dma_wait3A_121 = arith.constant 0 : i32
        %dma_wait3A_122 = tpu.memref_slice %arg5[%run_scoped3A_91, %dma_wait3A_121] : memref<2x128xi32, #tpu.memory_space<vmem>> -> memref<1x128xi32, #tpu.memory_space<vmem>>
        %dma_wait3A_123 = tpu.memref_squeeze %dma_wait3A_122 : memref<1x128xi32, #tpu.memory_space<vmem>> -> memref<128xi32, #tpu.memory_space<vmem>>
        %dma_wait3A_124 = arith.constant 0 : i32
        %dma_wait3A_125 = arith.constant 0 : i32
        %dma_wait3A_126 = tpu.memref_slice %arg9[%dma_wait3A_124, %dma_wait3A_125] : memref<10240x128xf32, #tpu.memory_space<vmem_shared>> -> memref<10240x128xf32, #tpu.memory_space<vmem_shared>>
        tpu.wait_indirect_dma semaphore(%run_scoped3A_114 : memref<!tpu.dma_semaphore, #tpu.memory_space<semaphore_mem>>) src(%arg7 : memref<128x128xf32, #tpu.memory_space<vmem>>) dst(%dma_wait3A_126 : memref<10240x128xf32, #tpu.memory_space<vmem_shared>>)
        tpu.yield
      }) : () -> ()
      %mul3A_92 = arith.constant 2 : i32
      %mul3A_93 = arith.muli %mul3A_92, %while3A_69 : i32
      %add3A_94 = arith.constant 1 : i32
      %add3A_95 = arith.addi %mul3A_93, %add3A_94 : i32
      %add3A_96 = arith.constant 1 : i32
      %add3A_97 = arith.addi %add3A_95, %add3A_96 : i32
      %add3A_98 = arith.addi %select_n3A, %add3A_97 : i32
      "tpu.region"() ({
        %run_scoped3A_114 = tpu.sem_alloc : memref<!tpu.dma_semaphore, #tpu.memory_space<semaphore_mem>>
        %dma_start3A_115 = arith.constant 0 : i32
        %dma_start3A_116 = arith.constant 0 : i32
        %dma_start3A_117 = tpu.memref_slice %arg2[%add3A_98, %dma_start3A_115, %dma_start3A_116] : memref<2528x2x128xi32, #tpu.memory_space<hbm>> -> memref<1x2x128xi32, #tpu.memory_space<hbm>>
        %dma_start3A_118 = tpu.memref_squeeze %dma_start3A_117 : memref<1x2x128xi32, #tpu.memory_space<hbm>> -> memref<2x128xi32, #tpu.memory_space<hbm>>
        %dma_start3A_119 = arith.constant 0 : i32
        %dma_start3A_120 = arith.constant 0 : i32
        %dma_start3A_121 = tpu.memref_slice %arg2[%add3A_98, %dma_start3A_119, %dma_start3A_120] : memref<2528x2x128xi32, #tpu.memory_space<hbm>> -> memref<1x2x128xi32, #tpu.memory_space<hbm>>
        %dma_start3A_122 = tpu.memref_squeeze %dma_start3A_121 : memref<1x2x128xi32, #tpu.memory_space<hbm>> -> memref<2x128xi32, #tpu.memory_space<hbm>>
        tpu.enqueue_dma source(%dma_start3A_122 : memref<2x128xi32, #tpu.memory_space<hbm>>) target(%arg5 : memref<2x128xi32, #tpu.memory_space<vmem>>) target_semaphore(%run_scoped3A_114 : memref<!tpu.dma_semaphore, #tpu.memory_space<semaphore_mem>>)
        %dma_wait3A_123 = arith.constant 0 : i32
        %dma_wait3A_124 = arith.constant 0 : i32
        %dma_wait3A_125 = tpu.memref_slice %arg2[%add3A_98, %dma_wait3A_123, %dma_wait3A_124] : memref<2528x2x128xi32, #tpu.memory_space<hbm>> -> memref<1x2x128xi32, #tpu.memory_space<hbm>>
        %dma_wait3A_126 = tpu.memref_squeeze %dma_wait3A_125 : memref<1x2x128xi32, #tpu.memory_space<hbm>> -> memref<2x128xi32, #tpu.memory_space<hbm>>
        %dma_wait3A_127 = arith.constant 0 : i32
        %dma_wait3A_128 = arith.constant 0 : i32
        %dma_wait3A_129 = tpu.memref_slice %arg2[%add3A_98, %dma_wait3A_127, %dma_wait3A_128] : memref<2528x2x128xi32, #tpu.memory_space<hbm>> -> memref<1x2x128xi32, #tpu.memory_space<hbm>>
        %dma_wait3A_130 = tpu.memref_squeeze %dma_wait3A_129 : memref<1x2x128xi32, #tpu.memory_space<hbm>> -> memref<2x128xi32, #tpu.memory_space<hbm>>
        tpu.wait_dma2 semaphore(%run_scoped3A_114 : memref<!tpu.dma_semaphore, #tpu.memory_space<semaphore_mem>>) src(%dma_wait3A_130 : memref<2x128xi32, #tpu.memory_space<hbm>>) dst(%arg5 : memref<2x128xi32, #tpu.memory_space<vmem>>)
        tpu.yield
      }) : () -> ()
      %dma_wait3A_99 = arith.constant 0 : i32
      %dma_wait3A_100 = arith.constant 0 : i32
      %dma_wait3A_101 = tpu.memref_slice %arg6[%dma_wait3A_99, %dma_wait3A_100] : memref<2x128xi32, #tpu.memory_space<vmem>> -> memref<1x128xi32, #tpu.memory_space<vmem>>
      %dma_wait3A_102 = tpu.memref_squeeze %dma_wait3A_101 : memref<1x128xi32, #tpu.memory_space<vmem>> -> memref<128xi32, #tpu.memory_space<vmem>>
      %dma_wait3A_103 = arith.constant 0 : i32
      %dma_wait3A_104 = arith.constant 0 : i32
      %dma_wait3A_105 = tpu.memref_slice %arg3[%dma_wait3A_103, %dma_wait3A_104] : memref<10240x128xf32, #tpu.memory_space<hbm>> -> memref<10240x128xf32, #tpu.memory_space<hbm>>
      tpu.wait_indirect_dma semaphore(%arg11 : memref<!tpu.dma_semaphore, #tpu.memory_space<semaphore_mem>>) src(%dma_wait3A_105 : memref<10240x128xf32, #tpu.memory_space<hbm>>) dst(%arg8 : memref<128x128xf32, #tpu.memory_space<vmem>>)
      %dma_start3A_106 = arith.constant 0 : i32
      %dma_start3A_107 = arith.constant 0 : i32
      %dma_start3A_108 = tpu.memref_slice %arg5[%dma_start3A_106, %dma_start3A_107] : memref<2x128xi32, #tpu.memory_space<vmem>> -> memref<1x128xi32, #tpu.memory_space<vmem>>
      %dma_start3A_109 = tpu.memref_squeeze %dma_start3A_108 : memref<1x128xi32, #tpu.memory_space<vmem>> -> memref<128xi32, #tpu.memory_space<vmem>>
      %dma_start3A_110 = arith.constant 0 : i32
      %dma_start3A_111 = arith.constant 0 : i32
      %dma_start3A_112 = tpu.memref_slice %arg3[%dma_start3A_110, %dma_start3A_111] : memref<10240x128xf32, #tpu.memory_space<hbm>> -> memref<10240x128xf32, #tpu.memory_space<hbm>>
      tpu.enqueue_indirect_dma source(%dma_start3A_112 : memref<10240x128xf32, #tpu.memory_space<hbm>>) target(%arg7 : memref<128x128xf32, #tpu.memory_space<vmem>>) offsets(%dma_start3A_109 : memref<128xi32, #tpu.memory_space<vmem>>) semaphore(%arg10 : memref<!tpu.dma_semaphore, #tpu.memory_space<semaphore_mem>>)
      %run_scoped3A_113 = arith.constant 1 : i32
      "tpu.region"() ({
        %run_scoped3A_114 = tpu.sem_alloc : memref<!tpu.dma_semaphore, #tpu.memory_space<semaphore_mem>>
        %dma_start3A_115 = arith.constant 0 : i32
        %dma_start3A_116 = tpu.memref_slice %arg6[%run_scoped3A_113, %dma_start3A_115] : memref<2x128xi32, #tpu.memory_space<vmem>> -> memref<1x128xi32, #tpu.memory_space<vmem>>
        %dma_start3A_117 = tpu.memref_squeeze %dma_start3A_116 : memref<1x128xi32, #tpu.memory_space<vmem>> -> memref<128xi32, #tpu.memory_space<vmem>>
        %dma_start3A_118 = arith.constant 0 : i32
        %dma_start3A_119 = arith.constant 0 : i32
        %dma_start3A_120 = tpu.memref_slice %arg9[%dma_start3A_118, %dma_start3A_119] : memref<10240x128xf32, #tpu.memory_space<vmem_shared>> -> memref<10240x128xf32, #tpu.memory_space<vmem_shared>>
        tpu.enqueue_indirect_dma source(%arg8 : memref<128x128xf32, #tpu.memory_space<vmem>>) target(%dma_start3A_120 : memref<10240x128xf32, #tpu.memory_space<vmem_shared>>) offsets(%dma_start3A_117 : memref<128xi32, #tpu.memory_space<vmem>>) semaphore(%run_scoped3A_114 : memref<!tpu.dma_semaphore, #tpu.memory_space<semaphore_mem>>) {add = true}
        %dma_wait3A_121 = arith.constant 0 : i32
        %dma_wait3A_122 = tpu.memref_slice %arg6[%run_scoped3A_113, %dma_wait3A_121] : memref<2x128xi32, #tpu.memory_space<vmem>> -> memref<1x128xi32, #tpu.memory_space<vmem>>
        %dma_wait3A_123 = tpu.memref_squeeze %dma_wait3A_122 : memref<1x128xi32, #tpu.memory_space<vmem>> -> memref<128xi32, #tpu.memory_space<vmem>>
        %dma_wait3A_124 = arith.constant 0 : i32
        %dma_wait3A_125 = arith.constant 0 : i32
        %dma_wait3A_126 = tpu.memref_slice %arg9[%dma_wait3A_124, %dma_wait3A_125] : memref<10240x128xf32, #tpu.memory_space<vmem_shared>> -> memref<10240x128xf32, #tpu.memory_space<vmem_shared>>
        tpu.wait_indirect_dma semaphore(%run_scoped3A_114 : memref<!tpu.dma_semaphore, #tpu.memory_space<semaphore_mem>>) src(%arg8 : memref<128x128xf32, #tpu.memory_space<vmem>>) dst(%dma_wait3A_126 : memref<10240x128xf32, #tpu.memory_space<vmem_shared>>)
        tpu.yield
      }) : () -> ()
    }
    %dma_wait3A = arith.constant 0 : i32
    %dma_wait3A_62 = arith.constant 0 : i32
    %dma_wait3A_63 = tpu.memref_slice %arg5[%dma_wait3A, %dma_wait3A_62] : memref<2x128xi32, #tpu.memory_space<vmem>> -> memref<1x128xi32, #tpu.memory_space<vmem>>
    %dma_wait3A_64 = tpu.memref_squeeze %dma_wait3A_63 : memref<1x128xi32, #tpu.memory_space<vmem>> -> memref<128xi32, #tpu.memory_space<vmem>>
    %dma_wait3A_65 = arith.constant 0 : i32
    %dma_wait3A_66 = arith.constant 0 : i32
    %dma_wait3A_67 = tpu.memref_slice %arg3[%dma_wait3A_65, %dma_wait3A_66] : memref<10240x128xf32, #tpu.memory_space<hbm>> -> memref<10240x128xf32, #tpu.memory_space<hbm>>
    tpu.wait_indirect_dma semaphore(%arg10 : memref<!tpu.dma_semaphore, #tpu.memory_space<semaphore_mem>>) src(%dma_wait3A_67 : memref<10240x128xf32, #tpu.memory_space<hbm>>) dst(%arg7 : memref<128x128xf32, #tpu.memory_space<vmem>>)
    %run_scoped3A = arith.constant 1 : i32
    "tpu.region"() ({
      %run_scoped3A_69 = tpu.sem_alloc : memref<!tpu.dma_semaphore, #tpu.memory_space<semaphore_mem>>
      %dma_start3A_70 = arith.constant 0 : i32
      %dma_start3A_71 = tpu.memref_slice %arg5[%run_scoped3A, %dma_start3A_70] : memref<2x128xi32, #tpu.memory_space<vmem>> -> memref<1x128xi32, #tpu.memory_space<vmem>>
      %dma_start3A_72 = tpu.memref_squeeze %dma_start3A_71 : memref<1x128xi32, #tpu.memory_space<vmem>> -> memref<128xi32, #tpu.memory_space<vmem>>
      %dma_start3A_73 = arith.constant 0 : i32
      %dma_start3A_74 = arith.constant 0 : i32
      %dma_start3A_75 = tpu.memref_slice %arg9[%dma_start3A_73, %dma_start3A_74] : memref<10240x128xf32, #tpu.memory_space<vmem_shared>> -> memref<10240x128xf32, #tpu.memory_space<vmem_shared>>
      tpu.enqueue_indirect_dma source(%arg7 : memref<128x128xf32, #tpu.memory_space<vmem>>) target(%dma_start3A_75 : memref<10240x128xf32, #tpu.memory_space<vmem_shared>>) offsets(%dma_start3A_72 : memref<128xi32, #tpu.memory_space<vmem>>) semaphore(%run_scoped3A_69 : memref<!tpu.dma_semaphore, #tpu.memory_space<semaphore_mem>>) {add = true}
      %dma_wait3A_76 = arith.constant 0 : i32
      %dma_wait3A_77 = tpu.memref_slice %arg5[%run_scoped3A, %dma_wait3A_76] : memref<2x128xi32, #tpu.memory_space<vmem>> -> memref<1x128xi32, #tpu.memory_space<vmem>>
      %dma_wait3A_78 = tpu.memref_squeeze %dma_wait3A_77 : memref<1x128xi32, #tpu.memory_space<vmem>> -> memref<128xi32, #tpu.memory_space<vmem>>
      %dma_wait3A_79 = arith.constant 0 : i32
      %dma_wait3A_80 = arith.constant 0 : i32
      %dma_wait3A_81 = tpu.memref_slice %arg9[%dma_wait3A_79, %dma_wait3A_80] : memref<10240x128xf32, #tpu.memory_space<vmem_shared>> -> memref<10240x128xf32, #tpu.memory_space<vmem_shared>>
      tpu.wait_indirect_dma semaphore(%run_scoped3A_69 : memref<!tpu.dma_semaphore, #tpu.memory_space<semaphore_mem>>) src(%arg7 : memref<128x128xf32, #tpu.memory_space<vmem>>) dst(%dma_wait3A_81 : memref<10240x128xf32, #tpu.memory_space<vmem_shared>>)
      tpu.yield
    }) : () -> ()
    %barrier3A_68 = arith.constant 0 : index
    tpu.barrier barrier_id(%barrier3A_68)
    "tpu.region"() ({
      %run_scoped3A_69 = tpu.sem_alloc : memref<!tpu.dma_semaphore, #tpu.memory_space<semaphore_mem>>
      %dma_start3A_70 = arith.constant 0 : i32
      %dma_start3A_71 = tpu.memref_slice %arg4[%arg0, %mul3A_16, %dma_start3A_70] : memref<2x10240x128xf32, #tpu.memory_space<hbm>> -> memref<1x640x128xf32, #tpu.memory_space<hbm>>
      %dma_start3A_72 = tpu.memref_squeeze %dma_start3A_71 : memref<1x640x128xf32, #tpu.memory_space<hbm>> -> memref<640x128xf32, #tpu.memory_space<hbm>>
      %dma_start3A_73 = arith.constant 0 : i32
      %dma_start3A_74 = tpu.memref_slice %arg9[%mul3A_16, %dma_start3A_73] : memref<10240x128xf32, #tpu.memory_space<vmem_shared>> -> memref<640x128xf32, #tpu.memory_space<vmem_shared>>
      tpu.enqueue_dma source(%dma_start3A_74 : memref<640x128xf32, #tpu.memory_space<vmem_shared>>) target(%dma_start3A_72 : memref<640x128xf32, #tpu.memory_space<hbm>>) target_semaphore(%run_scoped3A_69 : memref<!tpu.dma_semaphore, #tpu.memory_space<semaphore_mem>>)
      %dma_wait3A_75 = arith.constant 0 : i32
      %dma_wait3A_76 = tpu.memref_slice %arg4[%arg0, %mul3A_16, %dma_wait3A_75] : memref<2x10240x128xf32, #tpu.memory_space<hbm>> -> memref<1x640x128xf32, #tpu.memory_space<hbm>>
      %dma_wait3A_77 = tpu.memref_squeeze %dma_wait3A_76 : memref<1x640x128xf32, #tpu.memory_space<hbm>> -> memref<640x128xf32, #tpu.memory_space<hbm>>
      %dma_wait3A_78 = arith.constant 0 : i32
      %dma_wait3A_79 = tpu.memref_slice %arg9[%mul3A_16, %dma_wait3A_78] : memref<10240x128xf32, #tpu.memory_space<vmem_shared>> -> memref<640x128xf32, #tpu.memory_space<vmem_shared>>
      tpu.wait_dma2 semaphore(%run_scoped3A_69 : memref<!tpu.dma_semaphore, #tpu.memory_space<semaphore_mem>>) src(%dma_wait3A_79 : memref<640x128xf32, #tpu.memory_space<vmem_shared>>) dst(%dma_wait3A_77 : memref<640x128xf32, #tpu.memory_space<hbm>>)
      tpu.yield
    }) : () -> ()
    return
  }
}

module attributes {stable_mosaic.version = 14 : i64} {
  func.func @_mm_body(%arg0: i32, %arg1: memref<640x128xf32, #tpu.memory_space<vmem>>, %arg2: memref<128x128xf32, #tpu.memory_space<vmem>>, %arg3: memref<640x128xf32, #tpu.memory_space<vmem>>) attributes {dimension_semantics = [#tpu.dimension_semantics<arbitrary>], iteration_bounds = array<i64: 16>, scalar_prefetch = 0 : i64, scratch_operands = 0 : i64, tpu.core_type = #tpu.core_type<tc>, window_params = [{transform_indices = @transform_0, window_bounds = array<i64: 640, 128>}, {pipeline_mode = #tpu.pipeline_mode<synchronous>, transform_indices = @transform_1, window_bounds = array<i64: 128, 128>}, {transform_indices = @transform_2, window_bounds = array<i64: 640, 128>}]} {
    %get3A = arith.constant 0 : index
    %get3A_0 = arith.constant 0 : index
    %get3A_1 = vector.load %arg1[%get3A, %get3A_0] : memref<640x128xf32, #tpu.memory_space<vmem>>, vector<640x128xf32>
    %get3A_2 = arith.constant 0 : index
    %get3A_3 = arith.constant 0 : index
    %get3A_4 = vector.load %arg2[%get3A_2, %get3A_3] : memref<128x128xf32, #tpu.memory_space<vmem>>, vector<128x128xf32>
    %dot_general3A = arith.constant dense<0.000000e+00> : vector<640x128xf32>
    %dot_general3A_5 = tpu.matmul %get3A_1, %get3A_4, %dot_general3A {dimension_numbers = #tpu.dot_dimension_numbers<[1], [0], [0], [1], [0, 0, 1, 1], [], []>, precision = #tpu.contract_precision<fp32>, transpose_lhs_hint = false} : vector<640x128xf32>, vector<128x128xf32>, vector<640x128xf32> -> vector<640x128xf32>
    %swap3A = arith.constant 0 : index
    %swap3A_6 = arith.constant 0 : index
    %swap3A_7 = vector.load %arg3[%swap3A, %swap3A_6] : memref<640x128xf32, #tpu.memory_space<vmem>>, vector<640x128xf32>
    tpu.vector_store %arg3[%swap3A, %swap3A_6], %dot_general3A_5 {strides = array<i32>} : memref<640x128xf32, #tpu.memory_space<vmem>>, vector<640x128xf32>,
    return
  }
  func.func @transform_0(%arg0: i32) -> (i32, i32) {
    %c0_i32 = arith.constant 0 : i32
    %c0_i32_0 = arith.constant 0 : i32
    return %arg0, %c0_i32 : i32, i32
  }
  func.func @transform_1(%arg0: i32) -> (i32, i32) {
    %c0_i32 = arith.constant 0 : i32
    %c0_i32_0 = arith.constant 0 : i32
    %c0_i32_1 = arith.constant 0 : i32
    return %c0_i32, %c0_i32_0 : i32, i32
  }
  func.func @transform_2(%arg0: i32) -> (i32, i32) {
    %c0_i32 = arith.constant 0 : i32
    %c0_i32_0 = arith.constant 0 : i32
    return %arg0, %c0_i32 : i32, i32
  }
}

module attributes {stable_mosaic.version = 14 : i64} {
  func.func @_norm_mm_fused_body(%arg0: i32, %arg1: i32, %arg2: memref<2x640x128xf32, #tpu.memory_space<vmem>>, %arg3: memref<128x128xf32, #tpu.memory_space<vmem>>, %arg4: memref<640x128xf32, #tpu.memory_space<vmem>>, %arg5: memref<1x128xf32, #tpu.memory_space<vmem>>, %arg6: memref<1x1xf32, #tpu.memory_space<vmem>>) attributes {dimension_semantics = [#tpu.dimension_semantics<arbitrary>, #tpu.dimension_semantics<arbitrary>], iteration_bounds = array<i64: 2, 16>, scalar_prefetch = 0 : i64, scratch_operands = 2 : i64, tpu.core_type = #tpu.core_type<tc>, window_params = [{transform_indices = @transform_0, window_bounds = array<i64: 2, 640, 128>}, {pipeline_mode = #tpu.pipeline_mode<synchronous>, transform_indices = @transform_1, window_bounds = array<i64: 128, 128>}, {transform_indices = @transform_2, window_bounds = array<i64: 640, 128>}]} {
    %get3A = arith.constant 0 : index
    %get3A_0 = arith.constant 0 : index
    %get3A_1 = arith.constant 0 : index
    %get3A_2 = vector.load %arg2[%get3A, %get3A_0, %get3A_1] : memref<2x640x128xf32, #tpu.memory_space<vmem>>, vector<1x640x128xf32>
    %get3A_3 = vector.shape_cast %get3A_2 : vector<1x640x128xf32> to vector<640x128xf32>
    %get3A_4 = arith.constant 1 : index
    %get3A_5 = arith.constant 0 : index
    %get3A_6 = arith.constant 0 : index
    %get3A_7 = vector.load %arg2[%get3A_4, %get3A_5, %get3A_6] : memref<2x640x128xf32, #tpu.memory_space<vmem>>, vector<1x640x128xf32>
    %get3A_8 = vector.shape_cast %get3A_7 : vector<1x640x128xf32> to vector<640x128xf32>
    %add3A = arith.addf %get3A_3, %get3A_8 : vector<640x128xf32>
    %max3A = arith.constant 0.000000e+00 : f32
    %max3A_9 = vector.broadcast %max3A : f32 to vector<640x128xf32>
    %max3A_10 = arith.maximumf %add3A, %max3A_9 : vector<640x128xf32>
    %eq3A = arith.constant 0 : i32
    %eq3A_11 = arith.cmpi eq, %arg0, %eq3A : i32
    %eq3A_12 = arith.constant 0 : i32
    %eq3A_13 = arith.cmpi eq, %arg1, %eq3A_12 : i32
    %and3A = arith.andi %eq3A_11, %eq3A_13 : i1
    %convert_element_type3A = arith.extui %and3A : i1 to i32
    %cond3A = arith.constant 0 : i32
    %cond3A_14 = arith.cmpi ne, %convert_element_type3A, %cond3A : i32
    scf.if %cond3A_14 {
      %broadcast_in_dim3A = arith.constant 0.000000e+00 : f32
      %broadcast_in_dim3A_25 = vector.broadcast %broadcast_in_dim3A : f32 to vector<1x128xf32>
      %swap3A = arith.constant 0 : index
      %swap3A_26 = arith.constant 0 : index
      %swap3A_27 = vector.load %arg5[%swap3A, %swap3A_26] : memref<1x128xf32, #tpu.memory_space<vmem>>, vector<1x128xf32>
      tpu.vector_store %arg5[%swap3A, %swap3A_26], %broadcast_in_dim3A_25 {strides = array<i32>} : memref<1x128xf32, #tpu.memory_space<vmem>>, vector<1x128xf32>,
      %broadcast_in_dim3A_28 = arith.constant 0.000000e+00 : f32
      %broadcast_in_dim3A_29 = vector.broadcast %broadcast_in_dim3A_28 : f32 to vector<1x1xf32>
      %swap3A_30 = arith.constant 0 : index
      %swap3A_31 = arith.constant 0 : index
      %swap3A_32 = vector.load %arg6[%swap3A_30, %swap3A_31] : memref<1x1xf32, #tpu.memory_space<vmem>>, vector<1x1xf32>
      tpu.vector_store %arg6[%swap3A_30, %swap3A_31], %broadcast_in_dim3A_29 {strides = array<i32>} : memref<1x1xf32, #tpu.memory_space<vmem>>, vector<1x1xf32>,
    } else {
    }
    %eq3A_15 = arith.constant 0 : i32
    %eq3A_16 = arith.cmpi eq, %arg0, %eq3A_15 : i32
    %convert_element_type3A_17 = arith.extui %eq3A_16 : i1 to i32
    %cond3A_18 = arith.constant 0 : i32
    %cond3A_19 = arith.cmpi ne, %convert_element_type3A_17, %cond3A_18 : i32
    scf.if %cond3A_19 {
      %get3A_25 = arith.constant 0 : index
      %get3A_26 = arith.constant 0 : index
      %get3A_27 = vector.load %arg5[%get3A_25, %get3A_26] : memref<1x128xf32, #tpu.memory_space<vmem>>, vector<1x128xf32>
      %reduce_sum3A = arith.constant dense<0.000000e+00> : vector<128xf32>
      %reduce_sum3A_28 = vector.multi_reduction <add>, %max3A_10, %reduce_sum3A [0] : vector<640x128xf32> to vector<128xf32>
      %broadcast_in_dim3A = vector.shape_cast %reduce_sum3A_28 : vector<128xf32> to vector<1x128xf32>
      %add3A_29 = arith.addf %get3A_27, %broadcast_in_dim3A : vector<1x128xf32>
      %swap3A = arith.constant 0 : index
      %swap3A_30 = arith.constant 0 : index
      %swap3A_31 = vector.load %arg5[%swap3A, %swap3A_30] : memref<1x128xf32, #tpu.memory_space<vmem>>, vector<1x128xf32>
      tpu.vector_store %arg5[%swap3A, %swap3A_30], %add3A_29 {strides = array<i32>} : memref<1x128xf32, #tpu.memory_space<vmem>>, vector<1x128xf32>,
      %get3A_32 = arith.constant 0 : index
      %get3A_33 = arith.constant 0 : index
      %get3A_34 = vector.load %arg6[%get3A_32, %get3A_33] : memref<1x1xf32, #tpu.memory_space<vmem>>, vector<1x1xf32>
      %mul3A = arith.mulf %max3A_10, %max3A_10 : vector<640x128xf32>
      %reduce_sum3A_35 = vector.shape_cast %mul3A : vector<640x128xf32> to vector<1x640x128xf32>
      %reduce_sum3A_36 = arith.constant dense<0.000000e+00> : vector<1xf32>
      %reduce_sum3A_37 = vector.multi_reduction <add>, %reduce_sum3A_35, %reduce_sum3A_36 [1, 2] : vector<1x640x128xf32> to vector<1xf32>
      %reduce_sum3A_38 = vector.shape_cast %reduce_sum3A_37 : vector<1xf32> to vector<1x1x1xf32>
      %reduce_sum3A_39 = vector.extract %reduce_sum3A_38[0, 0, 0] : f32 from vector<1x1x1xf32>
      %reshape3A = vector.broadcast %reduce_sum3A_39 : f32 to vector<1x1xf32>
      %add3A_40 = arith.addf %get3A_34, %reshape3A : vector<1x1xf32>
      %swap3A_41 = arith.constant 0 : index
      %swap3A_42 = arith.constant 0 : index
      %swap3A_43 = vector.load %arg6[%swap3A_41, %swap3A_42] : memref<1x1xf32, #tpu.memory_space<vmem>>, vector<1x1xf32>
      tpu.vector_store %arg6[%swap3A_41, %swap3A_42], %add3A_40 {strides = array<i32>} : memref<1x1xf32, #tpu.memory_space<vmem>>, vector<1x1xf32>,
    } else {
    }
    %eq3A_20 = arith.constant 1 : i32
    %eq3A_21 = arith.cmpi eq, %arg0, %eq3A_20 : i32
    %convert_element_type3A_22 = arith.extui %eq3A_21 : i1 to i32
    %cond3A_23 = arith.constant 0 : i32
    %cond3A_24 = arith.cmpi ne, %convert_element_type3A_22, %cond3A_23 : i32
    scf.if %cond3A_24 {
      %get3A_25 = arith.constant 0 : index
      %get3A_26 = arith.constant 0 : index
      %get3A_27 = vector.load %arg5[%get3A_25, %get3A_26] : memref<1x128xf32, #tpu.memory_space<vmem>>, vector<1x128xf32>
      %mul3A = arith.constant 9.99999974E-5 : f32
      %mul3A_28 = vector.broadcast %mul3A : f32 to vector<1x128xf32>
      %mul3A_29 = arith.mulf %get3A_27, %mul3A_28 : vector<1x128xf32>
      %get3A_30 = arith.constant 0 : index
      %get3A_31 = arith.constant 0 : index
      %get3A_32 = vector.load %arg6[%get3A_30, %get3A_31] : memref<1x1xf32, #tpu.memory_space<vmem>>, vector<1x1xf32>
      %get3A_33 = vector.extract %get3A_32[0, 0] : f32 from vector<1x1xf32>
      %mul3A_34 = arith.constant 7.812500e-07 : f32
      %mul3A_35 = arith.mulf %get3A_33, %mul3A_34 : f32
      %mul3A_36 = arith.mulf %mul3A_29, %mul3A_29 : vector<1x128xf32>
      %reduce_sum3A = vector.shape_cast %mul3A_36 : vector<1x128xf32> to vector<1x1x128xf32>
      %reduce_sum3A_37 = arith.constant dense<0.000000e+00> : vector<1xf32>
      %reduce_sum3A_38 = vector.multi_reduction <add>, %reduce_sum3A, %reduce_sum3A_37 [1, 2] : vector<1x1x128xf32> to vector<1xf32>
      %reduce_sum3A_39 = vector.shape_cast %reduce_sum3A_38 : vector<1xf32> to vector<1x1x1xf32>
      %reduce_sum3A_40 = vector.extract %reduce_sum3A_39[0, 0, 0] : f32 from vector<1x1x1xf32>
      %div3A = arith.constant 1.280000e+02 : f32
      %div3A_41 = arith.divf %reduce_sum3A_40, %div3A : f32
      %sub3A = arith.subf %mul3A_35, %div3A_41 : f32
      %rsqrt3A = math.rsqrt %sub3A : f32
      %mul3A_42 = arith.constant 1.000000e+00 : f32
      %mul3A_43 = arith.mulf %mul3A_42, %rsqrt3A : f32
      %get3A_44 = arith.constant 0 : index
      %get3A_45 = arith.constant 0 : index
      %get3A_46 = vector.load %arg3[%get3A_44, %get3A_45] : memref<128x128xf32, #tpu.memory_space<vmem>>, vector<128x128xf32>
      %dot_general3A = arith.constant dense<0.000000e+00> : vector<640x128xf32>
      %dot_general3A_47 = tpu.matmul %max3A_10, %get3A_46, %dot_general3A {dimension_numbers = #tpu.dot_dimension_numbers<[1], [0], [0], [1], [0, 0, 1, 1], [], []>, precision = #tpu.contract_precision<fp32>, transpose_lhs_hint = false} : vector<640x128xf32>, vector<128x128xf32>, vector<640x128xf32> -> vector<640x128xf32>
      %get3A_48 = arith.constant 0 : index
      %get3A_49 = arith.constant 0 : index
      %get3A_50 = vector.load %arg3[%get3A_48, %get3A_49] : memref<128x128xf32, #tpu.memory_space<vmem>>, vector<128x128xf32>
      %dot_general3A_51 = arith.constant dense<0.000000e+00> : vector<1x128xf32>
      %dot_general3A_52 = tpu.matmul %mul3A_29, %get3A_50, %dot_general3A_51 {dimension_numbers = #tpu.dot_dimension_numbers<[1], [0], [0], [1], [0, 0, 1, 1], [], []>, precision = #tpu.contract_precision<fp32>, transpose_lhs_hint = false} : vector<1x128xf32>, vector<128x128xf32>, vector<1x128xf32> -> vector<1x128xf32>
      %mul3A_53 = vector.broadcast %mul3A_43 : f32 to vector<640x128xf32>
      %mul3A_54 = arith.mulf %dot_general3A_47, %mul3A_53 : vector<640x128xf32>
      %mul3A_55 = vector.broadcast %mul3A_43 : f32 to vector<1x128xf32>
      %mul3A_56 = arith.mulf %dot_general3A_52, %mul3A_55 : vector<1x128xf32>
      %sub3A_57 = vector.broadcast %mul3A_56 : vector<1x128xf32> to vector<640x128xf32>
      %sub3A_58 = arith.subf %mul3A_54, %sub3A_57 : vector<640x128xf32>
      %swap3A = arith.constant 0 : index
      %swap3A_59 = arith.constant 0 : index
      %swap3A_60 = vector.load %arg4[%swap3A, %swap3A_59] : memref<640x128xf32, #tpu.memory_space<vmem>>, vector<640x128xf32>
      tpu.vector_store %arg4[%swap3A, %swap3A_59], %sub3A_58 {strides = array<i32>} : memref<640x128xf32, #tpu.memory_space<vmem>>, vector<640x128xf32>,
    } else {
    }
    return
  }
  func.func @transform_0(%arg0: i32, %arg1: i32) -> (i32, i32, i32) {
    %c0_i32 = arith.constant 0 : i32
    %c0_i32_0 = arith.constant 0 : i32
    %c0_i32_1 = arith.constant 0 : i32
    return %c0_i32, %arg1, %c0_i32_0 : i32, i32, i32
  }
  func.func @transform_1(%arg0: i32, %arg1: i32) -> (i32, i32) {
    %c0_i32 = arith.constant 0 : i32
    %c0_i32_0 = arith.constant 0 : i32
    %c0_i32_1 = arith.constant 0 : i32
    return %c0_i32, %c0_i32_0 : i32, i32
  }
  func.func @transform_2(%arg0: i32, %arg1: i32) -> (i32, i32) {
    %c0_i32 = arith.constant 0 : i32
    %c0_i32_0 = arith.constant 0 : i32
    return %arg1, %c0_i32 : i32, i32
  }
}

module attributes {stable_mosaic.version = 14 : i64} {
  func.func @_merge_relu_mm_body(%arg0: i32, %arg1: memref<2x640x128xf32, #tpu.memory_space<vmem>>, %arg2: memref<128x128xf32, #tpu.memory_space<vmem>>, %arg3: memref<640x128xf32, #tpu.memory_space<vmem>>) attributes {dimension_semantics = [#tpu.dimension_semantics<arbitrary>], iteration_bounds = array<i64: 16>, scalar_prefetch = 0 : i64, scratch_operands = 0 : i64, tpu.core_type = #tpu.core_type<tc>, window_params = [{transform_indices = @transform_0, window_bounds = array<i64: 2, 640, 128>}, {pipeline_mode = #tpu.pipeline_mode<synchronous>, transform_indices = @transform_1, window_bounds = array<i64: 128, 128>}, {transform_indices = @transform_2, window_bounds = array<i64: 640, 128>}]} {
    %get3A = arith.constant 0 : index
    %get3A_0 = arith.constant 0 : index
    %get3A_1 = arith.constant 0 : index
    %get3A_2 = vector.load %arg1[%get3A, %get3A_0, %get3A_1] : memref<2x640x128xf32, #tpu.memory_space<vmem>>, vector<1x640x128xf32>
    %get3A_3 = vector.shape_cast %get3A_2 : vector<1x640x128xf32> to vector<640x128xf32>
    %get3A_4 = arith.constant 1 : index
    %get3A_5 = arith.constant 0 : index
    %get3A_6 = arith.constant 0 : index
    %get3A_7 = vector.load %arg1[%get3A_4, %get3A_5, %get3A_6] : memref<2x640x128xf32, #tpu.memory_space<vmem>>, vector<1x640x128xf32>
    %get3A_8 = vector.shape_cast %get3A_7 : vector<1x640x128xf32> to vector<640x128xf32>
    %add3A = arith.addf %get3A_3, %get3A_8 : vector<640x128xf32>
    %max3A = arith.constant 0.000000e+00 : f32
    %max3A_9 = vector.broadcast %max3A : f32 to vector<640x128xf32>
    %max3A_10 = arith.maximumf %add3A, %max3A_9 : vector<640x128xf32>
    %get3A_11 = arith.constant 0 : index
    %get3A_12 = arith.constant 0 : index
    %get3A_13 = vector.load %arg2[%get3A_11, %get3A_12] : memref<128x128xf32, #tpu.memory_space<vmem>>, vector<128x128xf32>
    %dot_general3A = arith.constant dense<0.000000e+00> : vector<640x128xf32>
    %dot_general3A_14 = tpu.matmul %max3A_10, %get3A_13, %dot_general3A {dimension_numbers = #tpu.dot_dimension_numbers<[1], [0], [0], [1], [0, 0, 1, 1], [], []>, precision = #tpu.contract_precision<fp32>, transpose_lhs_hint = false} : vector<640x128xf32>, vector<128x128xf32>, vector<640x128xf32> -> vector<640x128xf32>
    %swap3A = arith.constant 0 : index
    %swap3A_15 = arith.constant 0 : index
    %swap3A_16 = vector.load %arg3[%swap3A, %swap3A_15] : memref<640x128xf32, #tpu.memory_space<vmem>>, vector<640x128xf32>
    tpu.vector_store %arg3[%swap3A, %swap3A_15], %dot_general3A_14 {strides = array<i32>} : memref<640x128xf32, #tpu.memory_space<vmem>>, vector<640x128xf32>,
    return
  }
  func.func @transform_0(%arg0: i32) -> (i32, i32, i32) {
    %c0_i32 = arith.constant 0 : i32
    %c0_i32_0 = arith.constant 0 : i32
    %c0_i32_1 = arith.constant 0 : i32
    return %c0_i32, %arg0, %c0_i32_0 : i32, i32, i32
  }
  func.func @transform_1(%arg0: i32) -> (i32, i32) {
    %c0_i32 = arith.constant 0 : i32
    %c0_i32_0 = arith.constant 0 : i32
    %c0_i32_1 = arith.constant 0 : i32
    return %c0_i32, %c0_i32_0 : i32, i32
  }
  func.func @transform_2(%arg0: i32) -> (i32, i32) {
    %c0_i32 = arith.constant 0 : i32
    %c0_i32_0 = arith.constant 0 : i32
    return %arg0, %c0_i32 : i32, i32
  }
}

module attributes {stable_mosaic.version = 14 : i64} {
  func.func @_merge_logsoftmax_body(%arg0: i32, %arg1: memref<2x640x128xf32, #tpu.memory_space<vmem>>, %arg2: memref<640x128xf32, #tpu.memory_space<vmem>>) attributes {dimension_semantics = [#tpu.dimension_semantics<arbitrary>], iteration_bounds = array<i64: 16>, scalar_prefetch = 0 : i64, scratch_operands = 0 : i64, tpu.core_type = #tpu.core_type<tc>, window_params = [{transform_indices = @transform_0, window_bounds = array<i64: 2, 640, 128>}, {transform_indices = @transform_1, window_bounds = array<i64: 640, 128>}]} {
    %get3A = arith.constant 0 : index
    %get3A_0 = arith.constant 0 : index
    %get3A_1 = arith.constant 0 : index
    %get3A_2 = vector.load %arg1[%get3A, %get3A_0, %get3A_1] : memref<2x640x128xf32, #tpu.memory_space<vmem>>, vector<1x640x128xf32>
    %get3A_3 = vector.shape_cast %get3A_2 : vector<1x640x128xf32> to vector<640x128xf32>
    %get3A_4 = arith.constant 1 : index
    %get3A_5 = arith.constant 0 : index
    %get3A_6 = arith.constant 0 : index
    %get3A_7 = vector.load %arg1[%get3A_4, %get3A_5, %get3A_6] : memref<2x640x128xf32, #tpu.memory_space<vmem>>, vector<1x640x128xf32>
    %get3A_8 = vector.shape_cast %get3A_7 : vector<1x640x128xf32> to vector<640x128xf32>
    %add3A = arith.addf %get3A_3, %get3A_8 : vector<640x128xf32>
    %iota3A = tpu.iota {dimensions = array<i32: 1>} : vector<640x128xi32>
    %lt3A = arith.constant 40 : i32
    %lt3A_9 = vector.broadcast %lt3A : i32 to vector<640x128xi32>
    %lt3A_10 = arith.cmpi slt, %iota3A, %lt3A_9 : vector<640x128xi32>
    %broadcast_in_dim3A = arith.constant 0xFF800000 : f32
    %broadcast_in_dim3A_11 = vector.broadcast %broadcast_in_dim3A : f32 to vector<640x128xf32>
    %select_n3A = arith.select %lt3A_10, %add3A, %broadcast_in_dim3A_11 : vector<640x128xi1>, vector<640x128xf32>
    %reduce_max3A = arith.constant dense<0xFF800000> : vector<640xf32>
    %reduce_max3A_12 = vector.multi_reduction <maximumf>, %select_n3A, %reduce_max3A [1] : vector<640x128xf32> to vector<640xf32>
    %broadcast_in_dim3A_13 = vector.shape_cast %reduce_max3A_12 : vector<640xf32> to vector<640x1xf32>
    %sub3A = vector.broadcast %broadcast_in_dim3A_13 : vector<640x1xf32> to vector<640x128xf32>
    %sub3A_14 = arith.subf %add3A, %sub3A : vector<640x128xf32>
    %exp3A = math.exp %sub3A_14 : vector<640x128xf32>
    %jit3A = arith.constant 0.000000e+00 : f32
    %broadcast_in_dim3A_15 = vector.broadcast %jit3A : f32 to vector<640x128xf32>
    %select_n3A_16 = arith.select %lt3A_10, %exp3A, %broadcast_in_dim3A_15 : vector<640x128xi1>, vector<640x128xf32>
    %reduce_sum3A = arith.constant dense<0.000000e+00> : vector<640xf32>
    %reduce_sum3A_17 = vector.multi_reduction <add>, %select_n3A_16, %reduce_sum3A [1] : vector<640x128xf32> to vector<640xf32>
    %broadcast_in_dim3A_18 = vector.shape_cast %reduce_sum3A_17 : vector<640xf32> to vector<640x1xf32>
    %log3A = math.log %broadcast_in_dim3A_18 : vector<640x1xf32>
    %sub3A_19 = vector.broadcast %broadcast_in_dim3A_13 : vector<640x1xf32> to vector<640x128xf32>
    %sub3A_20 = arith.subf %add3A, %sub3A_19 : vector<640x128xf32>
    %sub3A_21 = vector.broadcast %log3A : vector<640x1xf32> to vector<640x128xf32>
    %sub3A_22 = arith.subf %sub3A_20, %sub3A_21 : vector<640x128xf32>
    %swap3A = arith.constant 0 : index
    %swap3A_23 = arith.constant 0 : index
    %swap3A_24 = vector.load %arg2[%swap3A, %swap3A_23] : memref<640x128xf32, #tpu.memory_space<vmem>>, vector<640x128xf32>
    tpu.vector_store %arg2[%swap3A, %swap3A_23], %sub3A_22 {strides = array<i32>} : memref<640x128xf32, #tpu.memory_space<vmem>>, vector<640x128xf32>,
    return
  }
  func.func @transform_0(%arg0: i32) -> (i32, i32, i32) {
    %c0_i32 = arith.constant 0 : i32
    %c0_i32_0 = arith.constant 0 : i32
    %c0_i32_1 = arith.constant 0 : i32
    return %c0_i32, %arg0, %c0_i32_0 : i32, i32, i32
  }
  func.func @transform_1(%arg0: i32) -> (i32, i32) {
    %c0_i32 = arith.constant 0 : i32
    %c0_i32_0 = arith.constant 0 : i32
    return %arg0, %c0_i32 : i32, i32
  }
}

</mosaic_0001>

<sc_bundles>
// kernel: kernel.12.cloned.1.call-start
scs
__scs_entry_jumppad:
0x0: {  	(pc) =	sbr.rel $0x88, $3  }
0x1: {  	(tag) =	ssettag $0x0;
	lr =	simm.s32 $0x1  }
0x2: {  	[smem:$0x3F9C] =	sst lr;
	_ =	strace $0xD0000000  }
0x3: {  	_ = 	snop  }
0x4: {  	_ = 	snop  }
0x5: {  	_ = 	snop  }
0x6: {  	_ = 	snop  }
0x7: {  	_ = 	snop  }
__scs_overlays_trampoline_lowered:
0x8: {  	[smem:$0x3FAB] =	sst s0  }
0x9: {  	[smem:$0x3FAC] =	sst s1  }
0xa: {  	[smem:$0x3FAD] =	sst s2  }
0xb: {  	[smem:$0x3FAE] =	sst s3  }
0xc: {  	[smem:$0x3FAF] =	sst s4  }
0xd: {  	[smem:$0x3FB0] =	sst s5  }
0xe: {  	[smem:$0x3FB1] =	sst s6  }
0xf: {  	[smem:$0x3FB2] =	sst s7  }
0x10: {  	[smem:$0x3FB3] =	sst s8  }
0x11: {  	[smem:$0x3FB4] =	sst s9;
	s0 =	simm.s32 @!p0 $0x0  }
0x12: {  	s1 =	sld [smem:$0x3F9A];
	s0 =	simm.s32 @p0 $0x1  }
0x13: {  	[smem:$0x3FB5] =	sst s0;
	s0 =	simm.s32 @!p1 $0x0  }
0x14: {  	s2 =	sld [smem:$0x3F99];
	s0 =	simm.s32 @p1 $0x1  }
0x15: {  	[smem:$0x3FB6] =	sst s0;
	s0 =	simm.s32 @!p2 $0x0  }
0x16: {  	s3 =	sld [smem:$0x3FDB];
	s0 =	simm.s32 @p2 $0x1  }
0x17: {  	s4 =	simm.s32 $0x1BF5;
	[smem:$0x3FB8] =	sst s0  }
0x18: {  	s0 =	sld [smem:$0x3F9B];
	_ =	swait.ge [sflag:s4], $0x0  }
0x19: {  	s7 =	sld [smem:$0x3F9C]  }
0x1a: {  	s8 =	sadd.s32 $0xFFFFE003, lr  }
0x1b: {  	s9 =	sadd.s32 $0xFFFFFEF7, lr;
	s5 =	simm.s32 $0xFFFFFFFF;
	p2 =	slt.u32 s8, $0xFFFFF086  }
0x1c: {  	p1 =	slt.u32 s9, $0xF7A;
	s5 =	simm.s32 @!p2 $0x0  }
0x1d: {  	s5 =	simm.s32 @p1 $0x1;
	p0 =	seq.s32 s7, s2  }
0x1e: {  	s7 =	smul.u32 @!p0 $0xF7A, s2;
	p2 =	seq.s32 @!p0 s5, $0x0  }
0x1f: {  	s9 =	smul.u32 $0xF7A, s1;
	s8 =	simm.s32 @!p0 $0x1BF5;
	p2 =	por !p2, p0  }
0x20: {  	[sflag:s8] =	ssyncset.s32 @!p0 $0xFFFFF086;
	s6 =	sadd.s32 @!p0 s3, s7;
	s7 =	simm.s32 @!p0 $0x108  }
0x21: {  	s3 =	sadd.s32 s3, s9;
	s6 =	sadd.s32 @!p0 $0x88, s6;
	s7 =	simm.s32 @p2 $0x1082  }
0x22: {  	[simem:s7], [sflag:s8] =	dma.local @!p0 [hbm:s6], $0xF7A  }
0x23: {  	s9 =	sor.u32 $0xD0000000, s2;
	s6 =	simm.s32 $0x108;
	_ =	swait.ge @!p0 [sflag:s8], $0x0  }
0x24: {  	s3 =	sadd.s32 $0x88, s3;
	s6 =	simm.s32 @!p1 $0x1082;
	[sflag:s4] =	ssyncset.s32 $0xFFFFF086  }
0x25: {  	[simem:s6], [sflag:s4] =	dma.local [hbm:s3], $0xF7A  }
0x26: {  	[smem:$0x3F9C] =	sst s1;
	(tag) =	ssettag s2;
	_ =	strace s9  }
0x27: {  	s1 =	sld [smem:$0x3FAC]  }
0x28: {  	s2 =	sld [smem:$0x3FAD]  }
0x29: {  	s4 =	sld [smem:$0x3FAF]  }
0x2a: {  	p0 =	seq.s32 s5, $0x0;
	s5 =	sld [smem:$0x3FB0]  }
0x2b: {  	s6 =	sld [smem:$0x3FB1]  }
0x2c: {  	s7 =	sld [smem:$0x3FB2]  }
0x2d: {  	s3 =	simm.s32 $0x108;
	s8 =	sld [smem:$0x3FB3]  }
0x2e: {  	s3 =	simm.s32 @!p0 $0x1082;
	s9 =	sld [smem:$0x3FB4]  }
0x2f: {  	lr =	sadd.s32 s0, s3;
	s0 =	sld [smem:$0x3FAB]  }
0x30: {  	s3 =	sld [smem:$0x3FAE]  }
0x31: {  	[smem:$0x3FB7] =	sst s10  }
0x32: {  	s10 =	sld [smem:$0x3FB5];
	_ =	sdelay $0x3  }
0x33: {  	p0 =	seq.s32 s10, $0x1;
	s10 =	sld [smem:$0x3FB7];
	_ =	sdelay $0x3  }
0x34: {  	[smem:$0x3FB7] =	sst s10  }
0x35: {  	s10 =	sld [smem:$0x3FB6];
	_ =	sdelay $0x3  }
0x36: {  	p1 =	seq.s32 s10, $0x1;
	s10 =	sld [smem:$0x3FB7];
	_ =	sdelay $0x3  }
0x37: {  	[smem:$0x3FB7] =	sst s10  }
0x38: {  	s10 =	sld [smem:$0x3FB8]  }
0x39: {  	_ = 	snop;
	(pc) =	sbr.ind lr, $3  }
0x3a: {  	_ = 	snop  }
0x3b: {  	_ = 	snop  }
0x3c: {  	p2 =	seq.s32 s10, $0x1;
	s10 =	sld [smem:$0x3FB7]  }
0x3d: {  	_ =	shalt  }
0x3e: {  	_ =	shalt  }
0x3f: {  	_ =	shalt  }
0x40: {  	_ =	shalt  }
0x41: {  	_ =	shalt  }
0x42: {  	_ =	shalt  }
0x43: {  	_ =	shalt  }
0x44: {  	_ =	shalt  }
0x45: {  	_ =	shalt  }
0x46: {  	_ =	shalt  }
0x47: {  	_ =	shalt  }
0x48: {  	_ =	shalt  }
0x49: {  	_ =	shalt  }
0x4a: {  	_ =	shalt  }
0x4b: {  	_ =	shalt  }
0x4c: {  	_ =	shalt  }
0x4d: {  	_ =	shalt  }
0x4e: {  	_ =	shalt  }
0x4f: {  	_ =	shalt  }
0x50: {  	_ =	shalt  }
0x51: {  	_ =	shalt  }
0x52: {  	_ =	shalt  }
0x53: {  	_ =	shalt  }
0x54: {  	_ =	shalt  }
0x55: {  	_ =	shalt  }
0x56: {  	_ =	shalt  }
0x57: {  	_ =	shalt  }
0x58: {  	_ =	shalt  }
0x59: {  	_ =	shalt  }
0x5a: {  	_ =	shalt  }
0x5b: {  	_ =	shalt  }
0x5c: {  	_ =	shalt  }
0x5d: {  	_ =	shalt  }
0x5e: {  	_ =	shalt  }
0x5f: {  	_ =	shalt  }
0x60: {  	_ =	shalt  }
0x61: {  	_ =	shalt  }
0x62: {  	_ =	shalt  }
0x63: {  	_ =	shalt  }
0x64: {  	_ =	shalt  }
0x65: {  	_ =	shalt  }
0x66: {  	_ =	shalt  }
0x67: {  	_ =	shalt  }
0x68: {  	_ =	shalt  }
0x69: {  	_ =	shalt  }
0x6a: {  	_ =	shalt  }
0x6b: {  	_ =	shalt  }
0x6c: {  	_ =	shalt  }
0x6d: {  	_ =	shalt  }
0x6e: {  	_ =	shalt  }
0x6f: {  	_ =	shalt  }
0x70: {  	_ =	shalt  }
0x71: {  	_ =	shalt  }
0x72: {  	_ =	shalt  }
0x73: {  	_ =	shalt  }
0x74: {  	_ =	shalt  }
0x75: {  	_ =	shalt  }
0x76: {  	_ =	shalt  }
0x77: {  	_ =	shalt  }
0x78: {  	_ =	shalt  }
0x79: {  	_ =	shalt  }
0x7a: {  	_ =	shalt  }
0x7b: {  	_ =	shalt  }
0x7c: {  	_ =	shalt  }
0x7d: {  	_ =	shalt  }
0x7e: {  	_ =	shalt  }
0x7f: {  	_ =	shalt  }
0x80: {  	_ =	shalt  }
0x81: {  	_ =	shalt  }
0x82: {  	_ =	shalt  }
0x83: {  	_ =	shalt  }
0x84: {  	_ =	shalt  }
0x85: {  	_ =	shalt  }
0x86: {  	_ =	shalt  }
0x87: {  	_ =	shalt  }
.Lfunc_end0:
.L_simem_size_0:
called_computation.1_lowered:
.L_overlay_start_0:
0x88: {  	s2 =	sld [smem:$0x3FD9]  }
0x89: {  	s3 =	sld [smem:$0x3FFE];
	_ =	sdelay $0x1  }
0x8a: {  	s1 =	srdreg.scid  }
0x8b: {  	s0 =	sand.u32 $0x1, s1  }
0x8c: {  	s16 =	sshll.u32 s0, $0xA;
	s2 =	sadd.s32 s3, s2  }
0x8d: {  	s2 =	sadd.s32 s2, s16  }
0x8e: {  	[smem:$0x3FC3] =	sst s2  }
0x8f: {  	_ = 	snop  }
0x90: {  	(tm) =	ssettm $0x1  }
0x91: {  	s17 =	sld [smem:$0x3FFB];
	_ =	sdelay $0x3  }
0x92: {  	_ =	strace s17  }
0x93: {  	s2 =	sld [smem:$0x3FFC];
	_ =	sdelay $0x3  }
0x94: {  	_ =	strace s2  }
0x95: {  	s2 =	sld [smem:$0x3FFD];
	_ =	sdelay $0x3  }
0x96: {  	_ =	strace s2  }
0x97: {  	_ =	strace $0x8FFFFFFF  }
0x98: {  	s18 =	sld [smem:$0x3FDB];
	_ =	sdelay $0x1  }
0x99: {  	s19 =	simm.s32 $_scs_section_size  }
0x9a: {  	s4 =	simm.s32 $_size__tile_overlayer_lowered;
	s5 =	simm.s32 $_tile_overlayer_lowered  }
0x9b: {  	s22 =	simm.s32 $0x1BFF;
	s21 =	sshll.u32 s5, $0x1;
	s2 =	sadd.s32 s19, s18  }
0x9c: {  	s6 =	simm.s32 $0x0;
	s20 =	sshll.u32 s4, $0x1;
	s4 =	sadd.s32 s21, s2  }
0x9d: {  	[timem:s6], [sflag:s22] =	dma.local [hbm:s4], s20  }
0x9e: {  	_ =	swait.ge [sflag:s22], s20  }
0x9f: {  	s3 =	ssub.s32 $0x0, s20;
	[sflag:s22] =	ssyncset.done $0x0  }
0xa0: {  	[sflag:s22] =	ssyncadd.s32 s3;
	_ =	sdelay $0x1  }
0xa1: {  	s23 =	simm.s32 $0x1B8B  }
0xa2: {  	_ =	swait.ge [sflag:s23], $0x1  }
0xa3: {  	[sflag:s23] =	ssyncset.done $0x0  }
0xa4: {  	s25 =	simm.s32 $0x1B8E;
	s24 =	sld [smem:$0x3FFE];
	[sflag:s23] =	ssyncadd.s32 $0xFFFFFFFF  }
0xa5: {  	s26 =	simm.s32 $execute0_lowered;
	[smem:$0x3FD2] =	sst s25  }
0xa6: {  	s4 =	sshll.u32 s26, $0x1;
	_ =	strace $0x80000049;
	[dreg:$0x1] =	wrdreg $0xFFFFFFFF  }
0xa7: {  	s28 =	simm.s32 $_size_execute0_lowered;
	s2 =	sadd.s32 s2, s4;
	[dreg:$0x0] =	wrdreg $0x0  }
0xa8: {  	s4 =	sshll.u32 s28, $0x1;
	[dreg:$0x2] =	wrdreg s2  }
0xa9: {  	[dreg:$0x3] =	wrdreg s4  }
0xaa: {  	[dreg:$0x4] =	wrdreg $0xC0  }
0xab: {  	_ =	task [dreg:s6], $0x5FFFF  }
0xac: {  	[dreg:$0x1] =	wrdreg $0xFFFFFFFF  }
0xad: {  	[dreg:$0x0] =	wrdreg $0x60  }
0xae: {  	[dreg:$0x2] =	wrdreg s24  }
0xaf: {  	[dreg:$0x3] =	wrdreg $0x82000  }
0xb0: {  	[dreg:$0x4] =	wrdreg $0x9  }
0xb1: {  	_ =	task.clear_ibuf [dreg:s6], $0x5FFFF;
	_ =	strace $0x90000049  }
0xb2: {  	s29 =	simm.s32 $0x9;
	_ =	strace $0x8000004B  }
0xb3: {  	_ =	swait.ge [sflag:s29], $0x1  }
0xb4: {  	[sflag:s29] =	ssyncadd.s32 $0xFFFFFFFF  }
0xb5: {  	_ =	strace $0x9000004B  }
0xb6: {  	_ =	sfence  }
0xb7: {  	s30 =	sld [smem:$0x0];
	_ =	sdelay $0x2  }
0xb8: {  	s31 =	sshll.u32 s1, $0xD;
	s1 =	sshrl.u32 s1, $0x2  }
0xb9: {  	s3 =	sand.u32 $0x4000, s31;
	s1 =	sadd.s32 s1, s30  }
0xba: {  	s0 =	sor.u32 s3, s0;
	s1 =	sshll.u32 s1, $0x11  }
0xbb: {  	s0 =	sor.u32 s1, s0  }
0xbc: {  	s0 =	sadd.s32 $0x8F2B, s0  }
0xbd: {  	[sflag:s0] =	ssyncadd.remote.s32 $0x1  }
0xbe: {  	_ =	sfence.sel $0xFFFF  }
0xbf: {  	[dreg:$0x0] =	wrdreg $0xFFFFFFFF;
	(pc) =	sbr.abs _section_cstart, $3  }
0xc0: {  	[dreg:$0x1] =	wrdreg $0xFFFFFFFF  }
0xc1: {  	_ =	task.clear_ibuf [dreg:s6], $0x2FFFF;
	_ =	strace $0x9FFFFFFF  }
0xc2: {  	(tm) =	ssettm $0x7FFFFFFF  }
0xc3: {  	_ =	shalt  }
tec
execute0_lowered:
.L_overlay_start_1:
0x0: {  	(tag) =	ssettag $0x1  }
0x1: {  	s6 =	rddreg [dreg:$0x0]  }
0x2: {  	s2 =	rddreg [dreg:$0x1];
	s0 =	stileid.u32  }
0x3: {  	s3 =	srdreg.scid;
	s1 =	rddreg [dreg:$0x2]  }
0x4: {  	s15 =	simm.s32 $0x200;
	s16 =	simm.s32 $0x3;
	s17 =	simm.s32 $0x80  }
0x5: {  	s18 =	simm.s32 $0x100;
	s19 =	simm.s32 $0x1;
	s4 =	smul.u32 $0x1F, s0  }
0x6: {  	s20 =	simm.s32 $0x4200;
	s21 =	simm.s32 $0x2;
	s7 =	smul.u32 $0x7F, s0  }
0x7: {  	s22 =	simm.s32 $0x180;
	s23 =	simm.s32 $0x0;
	s28 =	smul.u32 $0x14000, s0  }
0x8: {  	s5 =	sand.u32 $0x1, s3;
	s3 =	simm.s32 $0x0;
	s9 =	smul.u32 $0x50000, s0  }
0x9: {  	p0 =	seq.s32 s5, $0x0;
	s8 =	smul.u32 $0x140000, s5;
	[smem:$0x7FF] =	sst s3  }
0xa: {  	s29 =	ssub.s32 $0x2, s5;
	s4 =	sadd.s32 $0x7F0, s4;
	_ =	strace $0x8000004A  }
0xb: {  	s30 =	sshrl.u32 s9, $0x2;
	s31 =	sshrl.u32 s29, $0x1;
	s9 =	simm.s32 $0x3F  }
0xc: {  	s4 =	smov.u32 @p0 s7;
	s7 =	sadd.s32 s28, s8;
	s5 =	sadd.s32 s30, s2  }
0xd: {  	s13 =	ssub.s32 s29, s31;
	s9 =	simm.s32 @!p0 $0xF;
	s4 =	sshll.u32 s4, $0x5  }
0xe: {  	s7 =	sshrl.u32 s7, $0x3;
	s8 =	sadd.s32 $0xC000, s5;
	s10 =	sadd.s32 $0x10000, s5  }
0xf: {  	s13 =	smax.u32 s13, $0x1;
	s14 =	sadd.s32 s4, s6;
	s4 =	sadd.s32 $0x15400, s6  }
0x10: {  	s12 =	sadd.s32 s7, s6;
	s6 =	sadd.s32 $0x4000, s5;
	s7 =	sadd.s32 $0x8000, s5  }
0x11: {  	v0 =	vimm.f32 $0.0e+00;
	s11 =	sadd.s32 $0x1800, s14;
	s12 =	sadd.s32 $0x3D400, s12;
	s14 =	sadd.s32 $0x1840, s14  }
.LBB2_1:
0x12: {  	s24 =	simm.s32 $0x0;
	s25 =	simm.s32 $0x200  }
.LBB2_2:
0x13: {  	p0 =	sne.s32 s25, $0xFE00;
	[tilespmem:s24+$0x270] =	vst v0  }
0x14: {  	[tilespmem:s24+$0x200] =	vst v0  }
0x15: {  	[tilespmem:s24+$0x210] =	vst v0  }
.Ltmp0:
0x16: {  	[tilespmem:s24+$0x220] =	vst v0;
	(pc) =	sbr.rel @p0 .LBB2_2-.Ltmp0, $4  }
0x17: {  	[tilespmem:s24+$0x230] =	vst v0  }
0x18: {  	[tilespmem:s24+$0x240] =	vst v0  }
0x19: {  	[tilespmem:s24+$0x250] =	vst v0  }
0x1a: {  	[tilespmem:s24+$0x260] =	vst v0;
	s24 =	sshra.s32 s25, $0x2;
	s25 =	sadd.s32 $0x200, s25  }
0x1b: {  	[tilespmem:s24+$0x270] =	vst v0  }
0x1c: {  	[tilespmem:s24+$0x200] =	vst v0  }
0x1d: {  	[tilespmem:s24+$0x210] =	vst v0  }
0x1e: {  	[tilespmem:s24+$0x220] =	vst v0  }
0x1f: {  	[tilespmem:s24+$0x230] =	vst v0  }
0x20: {  	[tilespmem:s24+$0x240] =	vst v0  }
0x21: {  	[tilespmem:s24+$0x250] =	vst v0  }
0x22: {  	[tilespmem:s24+$0x260] =	vst v0  }
0x23: {  	[spmem:s5] =	stream.linear.scatter [tilespmem:s15], [sflag:$0x3], $0x4000, $0x38;
	[tilespmem:$0x1C200] =	vst v63  }
0x24: {  	_ =	swait.ge [sflag:s16], $0x4000  }
0x25: {  	[sflag:s16] =	ssyncset.done $0x0  }
0x26: {  	[sflag:s16] =	ssyncadd.s32 $0xFFFFC000  }
0x27: {  	[spmem:s6] =	stream.linear.scatter [tilespmem:s15], [sflag:$0x3], $0x4000, $0x38;
	[tilespmem:$0x1C200] =	vst v63  }
0x28: {  	_ =	swait.ge [sflag:s16], $0x4000  }
0x29: {  	[sflag:s16] =	ssyncset.done $0x0  }
0x2a: {  	[sflag:s16] =	ssyncadd.s32 $0xFFFFC000  }
0x2b: {  	[spmem:s7] =	stream.linear.scatter [tilespmem:s15], [sflag:$0x3], $0x4000, $0x38;
	[tilespmem:$0x1C200] =	vst v63  }
0x2c: {  	_ =	swait.ge [sflag:s16], $0x4000  }
0x2d: {  	[sflag:s16] =	ssyncset.done $0x0  }
0x2e: {  	[sflag:s16] =	ssyncadd.s32 $0xFFFFC000  }
0x2f: {  	[spmem:s8] =	stream.linear.scatter [tilespmem:s15], [sflag:$0x3], $0x4000, $0x38;
	[tilespmem:$0x1C200] =	vst v63  }
0x30: {  	_ =	swait.ge [sflag:s16], $0x4000  }
0x31: {  	[sflag:s16] =	ssyncset.done $0x0  }
0x32: {  	[sflag:s16] =	ssyncadd.s32 $0xFFFFC000  }
0x33: {  	[spmem:s10] =	stream.linear.scatter [tilespmem:s15], [sflag:$0x3], $0x4000, $0x38;
	[tilespmem:$0x1C200] =	vst v63  }
0x34: {  	_ =	swait.ge [sflag:s16], $0x4000  }
0x35: {  	[sflag:s16] =	ssyncset.done $0x0  }
0x36: {  	[sflag:s16] =	ssyncadd.s32 $0xFFFFC000  }
0x37: {  	[bflag:$0x0] =	sbarrier.arrive $0xFFFF  }
0x38: {  	[tilespmem:s3], [sflag:$0x3] =	stream.linear.gather [hbm4b:s11+s3], $0x100, $0x38;
	[tilespmem:$0x1C200] =	vst v63  }
0x39: {  	_ =	swait.ge [sflag:s16], $0x100  }
0x3a: {  	[sflag:s16] =	ssyncset.done $0x0  }
0x3b: {  	[sflag:s16] =	ssyncadd.s32 $0xFFFFFF00  }
0x3c: {  	[tilespmem:s15], [sflag:$0x1] =	stream.indirect.gather [hbm4b:s4+s17], $0x80, s3, s17, $0xb8;
	[tilespmem:$0x1C200] =	vst v63  }
0x3d: {  	s31 =	sadd.s32 $0xFFFFFFE0, s14  }
0x3e: {  	[tilespmem:s18], [sflag:$0x3] =	stream.linear.gather [hbm4b:s31+s3], $0x100, $0x38;
	[tilespmem:$0x1C200] =	vst v63  }
0x3f: {  	_ =	swait.ge [sflag:s16], $0x100  }
0x40: {  	[sflag:s16] =	ssyncset.done $0x0  }
0x41: {  	[sflag:s16] =	ssyncadd.s32 $0xFFFFFF00  }
0x42: {  	_ =	swait.ge [sflag:s19], $0x4000  }
0x43: {  	[sflag:s19] =	ssyncset.done $0x0  }
0x44: {  	[sflag:s19] =	ssyncadd.s32 $0xFFFFC000  }
0x45: {  	[tilespmem:s20], [sflag:$0x2] =	stream.indirect.gather [hbm4b:s4+s17], $0x80, s18, s17, $0xb8;
	[tilespmem:$0x1C200] =	vst v63  }
0x46: {  	_ = 	snop  }
0x47: {  	[spmem:s2] =	stream.indirect.scatter.add.f32 [tilespmem:s15], [sflag:$0x3], $0x80, s17, s17, $0xb8;
	[tilespmem:$0x1C200] =	vst v63  }
0x48: {  	_ =	swait.ge [sflag:s16], $0x4000  }
0x49: {  	[sflag:s16] =	ssyncset.done $0x0  }
0x4a: {  	[sflag:s16] =	ssyncadd.s32 $0xFFFFC000  }
0x4b: {  	[tilespmem:s3], [sflag:$0x3] =	stream.linear.gather [hbm4b:s14+s3], $0x100, $0x38;
	[tilespmem:$0x1C200] =	vst v63  }
0x4c: {  	_ =	swait.ge [sflag:s16], $0x100  }
0x4d: {  	[sflag:s16] =	ssyncset.done $0x0  }
0x4e: {  	[sflag:s16] =	ssyncadd.s32 $0xFFFFFF00  }
0x4f: {  	_ =	swait.ge [sflag:s21], $0x4000  }
0x50: {  	[sflag:s21] =	ssyncset.done $0x0  }
0x51: {  	p0 =	sne.s32 s9, $0x1;
	[sflag:s21] =	ssyncadd.s32 $0xFFFFC000  }
0x52: {  	[tilespmem:s15], [sflag:$0x1] =	stream.indirect.gather [hbm4b:s4+s17], $0x80, s3, s17, $0xb8;
	[tilespmem:$0x1C200] =	vst v63  }
.Ltmp1:
0x53: {  	_ = 	snop;
	(pc) =	sbr.rel @!p0 .LBB2_5-.Ltmp1, $4  }
0x54: {  	_ = 	snop  }
0x55: {  	[spmem:s2] =	stream.indirect.scatter.add.f32 [tilespmem:s20], [sflag:$0x3], $0x80, s22, s17, $0xb8;
	[tilespmem:$0x1C200] =	vst v63  }
0x56: {  	_ =	swait.ge [sflag:s16], $0x4000  }
0x57: {  	s24 =	sadd.s32 $0xFFFFFFFF, s9;
	s25 =	smov.u32 s14;
	[sflag:s16] =	ssyncset.done $0x0  }
.LBB2_4:
0x58: {  	p0 =	sne.s32 s24, $0x1;
	[sflag:s16] =	ssyncadd.s32 $0xFFFFC000;
	s25 =	sadd.s32 $0x40, s25  }
0x59: {  	s24 =	sadd.s32 $0xFFFFFFFF, s24;
	s26 =	sadd.s32 $0xFFFFFFE0, s25  }
0x5a: {  	[tilespmem:s18], [sflag:$0x3] =	stream.linear.gather [hbm4b:s26+s3], $0x100, $0x38;
	[tilespmem:$0x1C200] =	vst v63  }
0x5b: {  	_ =	swait.ge [sflag:s16], $0x100  }
0x5c: {  	[sflag:s16] =	ssyncset.done $0x0  }
0x5d: {  	[sflag:s16] =	ssyncadd.s32 $0xFFFFFF00  }
0x5e: {  	_ =	swait.ge [sflag:s19], $0x4000  }
0x5f: {  	[sflag:s19] =	ssyncset.done $0x0  }
0x60: {  	[sflag:s19] =	ssyncadd.s32 $0xFFFFC000  }
0x61: {  	[tilespmem:s20], [sflag:$0x2] =	stream.indirect.gather [hbm4b:s4+s17], $0x80, s18, s17, $0xb8;
	[tilespmem:$0x1C200] =	vst v63  }
0x62: {  	_ = 	snop  }
0x63: {  	[spmem:s2] =	stream.indirect.scatter.add.f32 [tilespmem:s15], [sflag:$0x3], $0x80, s17, s17, $0xb8;
	[tilespmem:$0x1C200] =	vst v63  }
0x64: {  	_ =	swait.ge [sflag:s16], $0x4000  }
0x65: {  	[sflag:s16] =	ssyncset.done $0x0  }
0x66: {  	[sflag:s16] =	ssyncadd.s32 $0xFFFFC000  }
0x67: {  	[tilespmem:s3], [sflag:$0x3] =	stream.linear.gather [hbm4b:s25+s3], $0x100, $0x38;
	[tilespmem:$0x1C200] =	vst v63  }
0x68: {  	_ =	swait.ge [sflag:s16], $0x100  }
0x69: {  	[sflag:s16] =	ssyncset.done $0x0  }
0x6a: {  	[sflag:s16] =	ssyncadd.s32 $0xFFFFFF00  }
0x6b: {  	_ =	swait.ge [sflag:s21], $0x4000  }
0x6c: {  	[sflag:s21] =	ssyncset.done $0x0  }
0x6d: {  	[sflag:s21] =	ssyncadd.s32 $0xFFFFC000  }
0x6e: {  	[tilespmem:s15], [sflag:$0x1] =	stream.indirect.gather [hbm4b:s4+s17], $0x80, s3, s17, $0xb8;
	[tilespmem:$0x1C200] =	vst v63  }
.Ltmp2:
0x6f: {  	_ = 	snop;
	(pc) =	sbr.rel @p0 .LBB2_4-.Ltmp2, $4  }
0x70: {  	_ = 	snop  }
0x71: {  	[spmem:s2] =	stream.indirect.scatter.add.f32 [tilespmem:s20], [sflag:$0x3], $0x80, s22, s17, $0xb8;
	[tilespmem:$0x1C200] =	vst v63  }
0x72: {  	_ =	swait.ge [sflag:s16], $0x4000  }
0x73: {  	[sflag:s16] =	ssyncset.done $0x0  }
.LBB2_5:
0x74: {  	[sflag:s16] =	ssyncadd.s32 $0xFFFFC000  }
0x75: {  	_ =	swait.ge [sflag:s19], $0x4000  }
0x76: {  	[sflag:s19] =	ssyncset.done $0x0  }
0x77: {  	[sflag:s19] =	ssyncadd.s32 $0xFFFFC000  }
0x78: {  	[spmem:s2] =	stream.indirect.scatter.add.f32 [tilespmem:s15], [sflag:$0x3], $0x80, s17, s17, $0xb8;
	[tilespmem:$0x1C200] =	vst v63  }
0x79: {  	_ =	swait.ge [sflag:s16], $0x4000  }
0x7a: {  	s24 =	sshll.u32 s0, $0x6;
	s23 =	sadd.s32 $0x1, s23;
	[sflag:s16] =	ssyncset.done $0x0  }
0x7b: {  	s25 =	sshrl.u32 s5, $0x3;
	p0 =	sne.s32 s23, s13;
	[sflag:s16] =	ssyncadd.s32 $0xFFFFC000  }
.Ltmp3:
0x7c: {  	s24 =	sor.u32 $0x1C03, s24;
	[bflag:$0x0] =	sbarrier.arrive $0xFFFF;
	(pc) =	sbr.rel @p0 .LBB2_1-.Ltmp3, $4  }
0x7d: {  	[hbm:s12], [sflag:s24] =	dma.local [spmem:s25], $0x2800  }
0x7e: {  	_ =	swait.ge [sflag:s16], $0x2800  }
0x7f: {  	[sflag:s16] =	ssyncset.done $0x0  }
0x80: {  	[sflag:s16] =	ssyncadd.s32 $0xFFFFD800  }
0x81: {  	_ =	sfence.sel $0x180000  }
0x82: {  	[bflag:$0x0] =	sbarrier.arrive $0xFFFF  }
0x83: {  	p0 =	sne.s32 s0, $0x0;
	_ =	strace $0x9000004A  }
0x84: {  	s0 =	sadd.s32 @!p0 $0x100000, s1;
	[bflag:$0x2] =	sbarrier.arrive $0xFFFF  }
0x85: {  	[sflag:s0] =	ssyncadd.tile.s32 @!p0 $0x1;
	_ =	shalt  }
.Lfunc_end2:
_tile_overlayer_lowered:
.L_overlay_start_2:
0x86: {  	(tag) =	ssettag $0x2  }
0x87: {  	s0 =	rddreg [dreg:$0x0];
	s2 =	stileid.u32  }
0x88: {  	s1 =	rddreg [dreg:$0x1];
	p0 =	sne.s32 s2, $0x0  }
0x89: {  	s3 =	rddreg [dreg:$0x2];
	[bflag:$0x3] =	sbarrier.arrive $0xFFFF;
	s2 =	simm.s32 @!p0 $0x1C03  }
0x8a: {  	[timem:s3], [sflag:s2] =	dma.local @!p0 [hbm:s0], s1  }
0x8b: {  	s0 =	simm.s32 @!p0 $0x3  }
0x8c: {  	_ =	swait.ge @!p0 [sflag:s0], s1  }
0x8d: {  	s1 =	ssub.s32 @!p0 $0x0, s1;
	[sflag:s0] =	ssyncset.done @!p0 $0x0  }
0x8e: {  	[sflag:s0] =	ssyncadd.s32 @!p0 s1  }
0x8f: {  	[bflag:$0x3] =	sbarrier.arrive $0xFFFF  }
0x90: {  	_ =	shalt  }

// kernel: kernel.15.cloned.1.call-start
scs
__scs_entry_jumppad:
0x0: {  	(pc) =	sbr.rel $0x88, $3  }
0x1: {  	(tag) =	ssettag $0x0;
	lr =	simm.s32 $0x1  }
0x2: {  	[smem:$0x3F9C] =	sst lr;
	_ =	strace $0xD0000000  }
0x3: {  	_ = 	snop  }
0x4: {  	_ = 	snop  }
0x5: {  	_ = 	snop  }
0x6: {  	_ = 	snop  }
0x7: {  	_ = 	snop  }
__scs_overlays_trampoline_lowered:
0x8: {  	[smem:$0x3FAB] =	sst s0  }
0x9: {  	[smem:$0x3FAC] =	sst s1  }
0xa: {  	[smem:$0x3FAD] =	sst s2  }
0xb: {  	[smem:$0x3FAE] =	sst s3  }
0xc: {  	[smem:$0x3FAF] =	sst s4  }
0xd: {  	[smem:$0x3FB0] =	sst s5  }
0xe: {  	[smem:$0x3FB1] =	sst s6  }
0xf: {  	[smem:$0x3FB2] =	sst s7  }
0x10: {  	[smem:$0x3FB3] =	sst s8  }
0x11: {  	[smem:$0x3FB4] =	sst s9;
	s0 =	simm.s32 @!p0 $0x0  }
0x12: {  	s1 =	sld [smem:$0x3F9A];
	s0 =	simm.s32 @p0 $0x1  }
0x13: {  	[smem:$0x3FB5] =	sst s0;
	s0 =	simm.s32 @!p1 $0x0  }
0x14: {  	s2 =	sld [smem:$0x3F99];
	s0 =	simm.s32 @p1 $0x1  }
0x15: {  	[smem:$0x3FB6] =	sst s0;
	s0 =	simm.s32 @!p2 $0x0  }
0x16: {  	s3 =	sld [smem:$0x3FDB];
	s0 =	simm.s32 @p2 $0x1  }
0x17: {  	s4 =	simm.s32 $0x1BF5;
	[smem:$0x3FB8] =	sst s0  }
0x18: {  	s0 =	sld [smem:$0x3F9B];
	_ =	swait.ge [sflag:s4], $0x0  }
0x19: {  	s7 =	sld [smem:$0x3F9C]  }
0x1a: {  	s8 =	sadd.s32 $0xFFFFE003, lr  }
0x1b: {  	s9 =	sadd.s32 $0xFFFFFEF7, lr;
	s5 =	simm.s32 $0xFFFFFFFF;
	p2 =	slt.u32 s8, $0xFFFFF086  }
0x1c: {  	p1 =	slt.u32 s9, $0xF7A;
	s5 =	simm.s32 @!p2 $0x0  }
0x1d: {  	s5 =	simm.s32 @p1 $0x1;
	p0 =	seq.s32 s7, s2  }
0x1e: {  	s7 =	smul.u32 @!p0 $0xF7A, s2;
	p2 =	seq.s32 @!p0 s5, $0x0  }
0x1f: {  	s9 =	smul.u32 $0xF7A, s1;
	s8 =	simm.s32 @!p0 $0x1BF5;
	p2 =	por !p2, p0  }
0x20: {  	[sflag:s8] =	ssyncset.s32 @!p0 $0xFFFFF086;
	s6 =	sadd.s32 @!p0 s3, s7;
	s7 =	simm.s32 @!p0 $0x108  }
0x21: {  	s3 =	sadd.s32 s3, s9;
	s6 =	sadd.s32 @!p0 $0x88, s6;
	s7 =	simm.s32 @p2 $0x1082  }
0x22: {  	[simem:s7], [sflag:s8] =	dma.local @!p0 [hbm:s6], $0xF7A  }
0x23: {  	s9 =	sor.u32 $0xD0000000, s2;
	s6 =	simm.s32 $0x108;
	_ =	swait.ge @!p0 [sflag:s8], $0x0  }
0x24: {  	s3 =	sadd.s32 $0x88, s3;
	s6 =	simm.s32 @!p1 $0x1082;
	[sflag:s4] =	ssyncset.s32 $0xFFFFF086  }
0x25: {  	[simem:s6], [sflag:s4] =	dma.local [hbm:s3], $0xF7A  }
0x26: {  	[smem:$0x3F9C] =	sst s1;
	(tag) =	ssettag s2;
	_ =	strace s9  }
0x27: {  	s1 =	sld [smem:$0x3FAC]  }
0x28: {  	s2 =	sld [smem:$0x3FAD]  }
0x29: {  	s4 =	sld [smem:$0x3FAF]  }
0x2a: {  	p0 =	seq.s32 s5, $0x0;
	s5 =	sld [smem:$0x3FB0]  }
0x2b: {  	s6 =	sld [smem:$0x3FB1]  }
0x2c: {  	s7 =	sld [smem:$0x3FB2]  }
0x2d: {  	s3 =	simm.s32 $0x108;
	s8 =	sld [smem:$0x3FB3]  }
0x2e: {  	s3 =	simm.s32 @!p0 $0x1082;
	s9 =	sld [smem:$0x3FB4]  }
0x2f: {  	lr =	sadd.s32 s0, s3;
	s0 =	sld [smem:$0x3FAB]  }
0x30: {  	s3 =	sld [smem:$0x3FAE]  }
0x31: {  	[smem:$0x3FB7] =	sst s10  }
0x32: {  	s10 =	sld [smem:$0x3FB5];
	_ =	sdelay $0x3  }
0x33: {  	p0 =	seq.s32 s10, $0x1;
	s10 =	sld [smem:$0x3FB7];
	_ =	sdelay $0x3  }
0x34: {  	[smem:$0x3FB7] =	sst s10  }
0x35: {  	s10 =	sld [smem:$0x3FB6];
	_ =	sdelay $0x3  }
0x36: {  	p1 =	seq.s32 s10, $0x1;
	s10 =	sld [smem:$0x3FB7];
	_ =	sdelay $0x3  }
0x37: {  	[smem:$0x3FB7] =	sst s10  }
0x38: {  	s10 =	sld [smem:$0x3FB8]  }
0x39: {  	_ = 	snop;
	(pc) =	sbr.ind lr, $3  }
0x3a: {  	_ = 	snop  }
0x3b: {  	_ = 	snop  }
0x3c: {  	p2 =	seq.s32 s10, $0x1;
	s10 =	sld [smem:$0x3FB7]  }
0x3d: {  	_ =	shalt  }
0x3e: {  	_ =	shalt  }
0x3f: {  	_ =	shalt  }
0x40: {  	_ =	shalt  }
0x41: {  	_ =	shalt  }
0x42: {  	_ =	shalt  }
0x43: {  	_ =	shalt  }
0x44: {  	_ =	shalt  }
0x45: {  	_ =	shalt  }
0x46: {  	_ =	shalt  }
0x47: {  	_ =	shalt  }
0x48: {  	_ =	shalt  }
0x49: {  	_ =	shalt  }
0x4a: {  	_ =	shalt  }
0x4b: {  	_ =	shalt  }
0x4c: {  	_ =	shalt  }
0x4d: {  	_ =	shalt  }
0x4e: {  	_ =	shalt  }
0x4f: {  	_ =	shalt  }
0x50: {  	_ =	shalt  }
0x51: {  	_ =	shalt  }
0x52: {  	_ =	shalt  }
0x53: {  	_ =	shalt  }
0x54: {  	_ =	shalt  }
0x55: {  	_ =	shalt  }
0x56: {  	_ =	shalt  }
0x57: {  	_ =	shalt  }
0x58: {  	_ =	shalt  }
0x59: {  	_ =	shalt  }
0x5a: {  	_ =	shalt  }
0x5b: {  	_ =	shalt  }
0x5c: {  	_ =	shalt  }
0x5d: {  	_ =	shalt  }
0x5e: {  	_ =	shalt  }
0x5f: {  	_ =	shalt  }
0x60: {  	_ =	shalt  }
0x61: {  	_ =	shalt  }
0x62: {  	_ =	shalt  }
0x63: {  	_ =	shalt  }
0x64: {  	_ =	shalt  }
0x65: {  	_ =	shalt  }
0x66: {  	_ =	shalt  }
0x67: {  	_ =	shalt  }
0x68: {  	_ =	shalt  }
0x69: {  	_ =	shalt  }
0x6a: {  	_ =	shalt  }
0x6b: {  	_ =	shalt  }
0x6c: {  	_ =	shalt  }
0x6d: {  	_ =	shalt  }
0x6e: {  	_ =	shalt  }
0x6f: {  	_ =	shalt  }
0x70: {  	_ =	shalt  }
0x71: {  	_ =	shalt  }
0x72: {  	_ =	shalt  }
0x73: {  	_ =	shalt  }
0x74: {  	_ =	shalt  }
0x75: {  	_ =	shalt  }
0x76: {  	_ =	shalt  }
0x77: {  	_ =	shalt  }
0x78: {  	_ =	shalt  }
0x79: {  	_ =	shalt  }
0x7a: {  	_ =	shalt  }
0x7b: {  	_ =	shalt  }
0x7c: {  	_ =	shalt  }
0x7d: {  	_ =	shalt  }
0x7e: {  	_ =	shalt  }
0x7f: {  	_ =	shalt  }
0x80: {  	_ =	shalt  }
0x81: {  	_ =	shalt  }
0x82: {  	_ =	shalt  }
0x83: {  	_ =	shalt  }
0x84: {  	_ =	shalt  }
0x85: {  	_ =	shalt  }
0x86: {  	_ =	shalt  }
0x87: {  	_ =	shalt  }
.Lfunc_end0:
.L_simem_size_0:
called_computation.2_lowered:
.L_overlay_start_0:
0x88: {  	s2 =	sld [smem:$0x3FD9]  }
0x89: {  	s3 =	sld [smem:$0x3FFE];
	_ =	sdelay $0x1  }
0x8a: {  	s1 =	srdreg.scid  }
0x8b: {  	s0 =	sand.u32 $0x1, s1  }
0x8c: {  	s16 =	sshll.u32 s0, $0xA;
	s2 =	sadd.s32 s3, s2  }
0x8d: {  	s2 =	sadd.s32 s2, s16  }
0x8e: {  	[smem:$0x3FC3] =	sst s2  }
0x8f: {  	_ = 	snop  }
0x90: {  	(tm) =	ssettm $0x1  }
0x91: {  	s17 =	sld [smem:$0x3FFB];
	_ =	sdelay $0x3  }
0x92: {  	_ =	strace s17  }
0x93: {  	s2 =	sld [smem:$0x3FFC];
	_ =	sdelay $0x3  }
0x94: {  	_ =	strace s2  }
0x95: {  	s2 =	sld [smem:$0x3FFD];
	_ =	sdelay $0x3  }
0x96: {  	_ =	strace s2  }
0x97: {  	_ =	strace $0x8FFFFFFF  }
0x98: {  	s18 =	sld [smem:$0x3FDB];
	_ =	sdelay $0x1  }
0x99: {  	s19 =	simm.s32 $_scs_section_size  }
0x9a: {  	s4 =	simm.s32 $_size__tile_overlayer_lowered;
	s5 =	simm.s32 $_tile_overlayer_lowered  }
0x9b: {  	s22 =	simm.s32 $0x1BFF;
	s21 =	sshll.u32 s5, $0x1;
	s2 =	sadd.s32 s19, s18  }
0x9c: {  	s6 =	simm.s32 $0x0;
	s20 =	sshll.u32 s4, $0x1;
	s4 =	sadd.s32 s21, s2  }
0x9d: {  	[timem:s6], [sflag:s22] =	dma.local [hbm:s4], s20  }
0x9e: {  	_ =	swait.ge [sflag:s22], s20  }
0x9f: {  	s3 =	ssub.s32 $0x0, s20;
	[sflag:s22] =	ssyncset.done $0x0  }
0xa0: {  	[sflag:s22] =	ssyncadd.s32 s3;
	_ =	sdelay $0x1  }
0xa1: {  	s23 =	simm.s32 $0x1B8B  }
0xa2: {  	_ =	swait.ge [sflag:s23], $0x1  }
0xa3: {  	[sflag:s23] =	ssyncset.done $0x0  }
0xa4: {  	s25 =	simm.s32 $0x1B8E;
	s24 =	sld [smem:$0x3FFE];
	[sflag:s23] =	ssyncadd.s32 $0xFFFFFFFF  }
0xa5: {  	s26 =	simm.s32 $execute0_lowered;
	[smem:$0x3FD2] =	sst s25  }
0xa6: {  	s4 =	sshll.u32 s26, $0x1;
	_ =	strace $0x8000004C;
	[dreg:$0x1] =	wrdreg $0xFFFFFFFF  }
0xa7: {  	s28 =	simm.s32 $_size_execute0_lowered;
	s2 =	sadd.s32 s2, s4;
	[dreg:$0x0] =	wrdreg $0x0  }
0xa8: {  	s4 =	sshll.u32 s28, $0x1;
	[dreg:$0x2] =	wrdreg s2  }
0xa9: {  	[dreg:$0x3] =	wrdreg s4  }
0xaa: {  	[dreg:$0x4] =	wrdreg $0xC0  }
0xab: {  	_ =	task [dreg:s6], $0x5FFFF  }
0xac: {  	[dreg:$0x1] =	wrdreg $0xFFFFFFFF  }
0xad: {  	[dreg:$0x0] =	wrdreg $0x60  }
0xae: {  	[dreg:$0x2] =	wrdreg s24  }
0xaf: {  	[dreg:$0x3] =	wrdreg $0x82000  }
0xb0: {  	[dreg:$0x4] =	wrdreg $0x9  }
0xb1: {  	_ =	task.clear_ibuf [dreg:s6], $0x5FFFF;
	_ =	strace $0x9000004C  }
0xb2: {  	s29 =	simm.s32 $0x9;
	_ =	strace $0x8000004E  }
0xb3: {  	_ =	swait.ge [sflag:s29], $0x1  }
0xb4: {  	[sflag:s29] =	ssyncadd.s32 $0xFFFFFFFF  }
0xb5: {  	_ =	strace $0x9000004E  }
0xb6: {  	_ =	sfence  }
0xb7: {  	s30 =	sld [smem:$0x0];
	_ =	sdelay $0x2  }
0xb8: {  	s31 =	sshll.u32 s1, $0xD;
	s1 =	sshrl.u32 s1, $0x2  }
0xb9: {  	s3 =	sand.u32 $0x4000, s31;
	s1 =	sadd.s32 s1, s30  }
0xba: {  	s0 =	sor.u32 s3, s0;
	s1 =	sshll.u32 s1, $0x11  }
0xbb: {  	s0 =	sor.u32 s1, s0  }
0xbc: {  	s0 =	sadd.s32 $0x8F2B, s0  }
0xbd: {  	[sflag:s0] =	ssyncadd.remote.s32 $0x1  }
0xbe: {  	_ =	sfence.sel $0xFFFF  }
0xbf: {  	[dreg:$0x0] =	wrdreg $0xFFFFFFFF;
	(pc) =	sbr.abs _section_cstart, $3  }
0xc0: {  	[dreg:$0x1] =	wrdreg $0xFFFFFFFF  }
0xc1: {  	_ =	task.clear_ibuf [dreg:s6], $0x2FFFF;
	_ =	strace $0x9FFFFFFF  }
0xc2: {  	(tm) =	ssettm $0x7FFFFFFF  }
0xc3: {  	_ =	shalt  }
tec
execute0_lowered:
.L_overlay_start_1:
0x0: {  	(tag) =	ssettag $0x1  }
0x1: {  	s6 =	rddreg [dreg:$0x0]  }
0x2: {  	s2 =	rddreg [dreg:$0x1];
	s0 =	stileid.u32  }
0x3: {  	s3 =	srdreg.scid;
	s1 =	rddreg [dreg:$0x2]  }
0x4: {  	s15 =	simm.s32 $0x200;
	s16 =	simm.s32 $0x3;
	s17 =	simm.s32 $0x80  }
0x5: {  	s18 =	simm.s32 $0x100;
	s19 =	simm.s32 $0x1;
	s4 =	smul.u32 $0x1F, s0  }
0x6: {  	s20 =	simm.s32 $0x4200;
	s21 =	simm.s32 $0x2;
	s7 =	smul.u32 $0x7F, s0  }
0x7: {  	s22 =	simm.s32 $0x180;
	s23 =	simm.s32 $0x0;
	s28 =	smul.u32 $0x14000, s0  }
0x8: {  	s5 =	sand.u32 $0x1, s3;
	s3 =	simm.s32 $0x0;
	s9 =	smul.u32 $0x50000, s0  }
0x9: {  	p0 =	seq.s32 s5, $0x0;
	s8 =	smul.u32 $0x140000, s5;
	[smem:$0x7FF] =	sst s3  }
0xa: {  	s29 =	ssub.s32 $0x2, s5;
	s4 =	sadd.s32 $0x7F0, s4;
	_ =	strace $0x8000004D  }
0xb: {  	s30 =	sshrl.u32 s9, $0x2;
	s31 =	sshrl.u32 s29, $0x1;
	s9 =	simm.s32 $0x3F  }
0xc: {  	s4 =	smov.u32 @p0 s7;
	s7 =	sadd.s32 s28, s8;
	s5 =	sadd.s32 s30, s2  }
0xd: {  	s13 =	ssub.s32 s29, s31;
	s9 =	simm.s32 @!p0 $0xF;
	s4 =	sshll.u32 s4, $0x5  }
0xe: {  	s7 =	sshrl.u32 s7, $0x3;
	s8 =	sadd.s32 $0xC000, s5;
	s10 =	sadd.s32 $0x10000, s5  }
0xf: {  	s13 =	smax.u32 s13, $0x1;
	s14 =	sadd.s32 s4, s6;
	s4 =	sadd.s32 $0x15400, s6  }
0x10: {  	s12 =	sadd.s32 s7, s6;
	s6 =	sadd.s32 $0x4000, s5;
	s7 =	sadd.s32 $0x8000, s5  }
0x11: {  	v0 =	vimm.f32 $0.0e+00;
	s11 =	sadd.s32 $0x1800, s14;
	s12 =	sadd.s32 $0x3D400, s12;
	s14 =	sadd.s32 $0x1840, s14  }
.LBB2_1:
0x12: {  	s24 =	simm.s32 $0x0;
	s25 =	simm.s32 $0x200  }
.LBB2_2:
0x13: {  	p0 =	sne.s32 s25, $0xFE00;
	[tilespmem:s24+$0x270] =	vst v0  }
0x14: {  	[tilespmem:s24+$0x200] =	vst v0  }
0x15: {  	[tilespmem:s24+$0x210] =	vst v0  }
.Ltmp0:
0x16: {  	[tilespmem:s24+$0x220] =	vst v0;
	(pc) =	sbr.rel @p0 .LBB2_2-.Ltmp0, $4  }
0x17: {  	[tilespmem:s24+$0x230] =	vst v0  }
0x18: {  	[tilespmem:s24+$0x240] =	vst v0  }
0x19: {  	[tilespmem:s24+$0x250] =	vst v0  }
0x1a: {  	[tilespmem:s24+$0x260] =	vst v0;
	s24 =	sshra.s32 s25, $0x2;
	s25 =	sadd.s32 $0x200, s25  }
0x1b: {  	[tilespmem:s24+$0x270] =	vst v0  }
0x1c: {  	[tilespmem:s24+$0x200] =	vst v0  }
0x1d: {  	[tilespmem:s24+$0x210] =	vst v0  }
0x1e: {  	[tilespmem:s24+$0x220] =	vst v0  }
0x1f: {  	[tilespmem:s24+$0x230] =	vst v0  }
0x20: {  	[tilespmem:s24+$0x240] =	vst v0  }
0x21: {  	[tilespmem:s24+$0x250] =	vst v0  }
0x22: {  	[tilespmem:s24+$0x260] =	vst v0  }
0x23: {  	[spmem:s5] =	stream.linear.scatter [tilespmem:s15], [sflag:$0x3], $0x4000, $0x38;
	[tilespmem:$0x1C200] =	vst v63  }
0x24: {  	_ =	swait.ge [sflag:s16], $0x4000  }
0x25: {  	[sflag:s16] =	ssyncset.done $0x0  }
0x26: {  	[sflag:s16] =	ssyncadd.s32 $0xFFFFC000  }
0x27: {  	[spmem:s6] =	stream.linear.scatter [tilespmem:s15], [sflag:$0x3], $0x4000, $0x38;
	[tilespmem:$0x1C200] =	vst v63  }
0x28: {  	_ =	swait.ge [sflag:s16], $0x4000  }
0x29: {  	[sflag:s16] =	ssyncset.done $0x0  }
0x2a: {  	[sflag:s16] =	ssyncadd.s32 $0xFFFFC000  }
0x2b: {  	[spmem:s7] =	stream.linear.scatter [tilespmem:s15], [sflag:$0x3], $0x4000, $0x38;
	[tilespmem:$0x1C200] =	vst v63  }
0x2c: {  	_ =	swait.ge [sflag:s16], $0x4000  }
0x2d: {  	[sflag:s16] =	ssyncset.done $0x0  }
0x2e: {  	[sflag:s16] =	ssyncadd.s32 $0xFFFFC000  }
0x2f: {  	[spmem:s8] =	stream.linear.scatter [tilespmem:s15], [sflag:$0x3], $0x4000, $0x38;
	[tilespmem:$0x1C200] =	vst v63  }
0x30: {  	_ =	swait.ge [sflag:s16], $0x4000  }
0x31: {  	[sflag:s16] =	ssyncset.done $0x0  }
0x32: {  	[sflag:s16] =	ssyncadd.s32 $0xFFFFC000  }
0x33: {  	[spmem:s10] =	stream.linear.scatter [tilespmem:s15], [sflag:$0x3], $0x4000, $0x38;
	[tilespmem:$0x1C200] =	vst v63  }
0x34: {  	_ =	swait.ge [sflag:s16], $0x4000  }
0x35: {  	[sflag:s16] =	ssyncset.done $0x0  }
0x36: {  	[sflag:s16] =	ssyncadd.s32 $0xFFFFC000  }
0x37: {  	[bflag:$0x0] =	sbarrier.arrive $0xFFFF  }
0x38: {  	[tilespmem:s3], [sflag:$0x3] =	stream.linear.gather [hbm4b:s11+s3], $0x100, $0x38;
	[tilespmem:$0x1C200] =	vst v63  }
0x39: {  	_ =	swait.ge [sflag:s16], $0x100  }
0x3a: {  	[sflag:s16] =	ssyncset.done $0x0  }
0x3b: {  	[sflag:s16] =	ssyncadd.s32 $0xFFFFFF00  }
0x3c: {  	[tilespmem:s15], [sflag:$0x1] =	stream.indirect.gather [hbm4b:s4+s17], $0x80, s3, s17, $0xb8;
	[tilespmem:$0x1C200] =	vst v63  }
0x3d: {  	s31 =	sadd.s32 $0xFFFFFFE0, s14  }
0x3e: {  	[tilespmem:s18], [sflag:$0x3] =	stream.linear.gather [hbm4b:s31+s3], $0x100, $0x38;
	[tilespmem:$0x1C200] =	vst v63  }
0x3f: {  	_ =	swait.ge [sflag:s16], $0x100  }
0x40: {  	[sflag:s16] =	ssyncset.done $0x0  }
0x41: {  	[sflag:s16] =	ssyncadd.s32 $0xFFFFFF00  }
0x42: {  	_ =	swait.ge [sflag:s19], $0x4000  }
0x43: {  	[sflag:s19] =	ssyncset.done $0x0  }
0x44: {  	[sflag:s19] =	ssyncadd.s32 $0xFFFFC000  }
0x45: {  	[tilespmem:s20], [sflag:$0x2] =	stream.indirect.gather [hbm4b:s4+s17], $0x80, s18, s17, $0xb8;
	[tilespmem:$0x1C200] =	vst v63  }
0x46: {  	_ = 	snop  }
0x47: {  	[spmem:s2] =	stream.indirect.scatter.add.f32 [tilespmem:s15], [sflag:$0x3], $0x80, s17, s17, $0xb8;
	[tilespmem:$0x1C200] =	vst v63  }
0x48: {  	_ =	swait.ge [sflag:s16], $0x4000  }
0x49: {  	[sflag:s16] =	ssyncset.done $0x0  }
0x4a: {  	[sflag:s16] =	ssyncadd.s32 $0xFFFFC000  }
0x4b: {  	[tilespmem:s3], [sflag:$0x3] =	stream.linear.gather [hbm4b:s14+s3], $0x100, $0x38;
	[tilespmem:$0x1C200] =	vst v63  }
0x4c: {  	_ =	swait.ge [sflag:s16], $0x100  }
0x4d: {  	[sflag:s16] =	ssyncset.done $0x0  }
0x4e: {  	[sflag:s16] =	ssyncadd.s32 $0xFFFFFF00  }
0x4f: {  	_ =	swait.ge [sflag:s21], $0x4000  }
0x50: {  	[sflag:s21] =	ssyncset.done $0x0  }
0x51: {  	p0 =	sne.s32 s9, $0x1;
	[sflag:s21] =	ssyncadd.s32 $0xFFFFC000  }
0x52: {  	[tilespmem:s15], [sflag:$0x1] =	stream.indirect.gather [hbm4b:s4+s17], $0x80, s3, s17, $0xb8;
	[tilespmem:$0x1C200] =	vst v63  }
.Ltmp1:
0x53: {  	_ = 	snop;
	(pc) =	sbr.rel @!p0 .LBB2_5-.Ltmp1, $4  }
0x54: {  	_ = 	snop  }
0x55: {  	[spmem:s2] =	stream.indirect.scatter.add.f32 [tilespmem:s20], [sflag:$0x3], $0x80, s22, s17, $0xb8;
	[tilespmem:$0x1C200] =	vst v63  }
0x56: {  	_ =	swait.ge [sflag:s16], $0x4000  }
0x57: {  	s24 =	sadd.s32 $0xFFFFFFFF, s9;
	s25 =	smov.u32 s14;
	[sflag:s16] =	ssyncset.done $0x0  }
.LBB2_4:
0x58: {  	p0 =	sne.s32 s24, $0x1;
	[sflag:s16] =	ssyncadd.s32 $0xFFFFC000;
	s25 =	sadd.s32 $0x40, s25  }
0x59: {  	s24 =	sadd.s32 $0xFFFFFFFF, s24;
	s26 =	sadd.s32 $0xFFFFFFE0, s25  }
0x5a: {  	[tilespmem:s18], [sflag:$0x3] =	stream.linear.gather [hbm4b:s26+s3], $0x100, $0x38;
	[tilespmem:$0x1C200] =	vst v63  }
0x5b: {  	_ =	swait.ge [sflag:s16], $0x100  }
0x5c: {  	[sflag:s16] =	ssyncset.done $0x0  }
0x5d: {  	[sflag:s16] =	ssyncadd.s32 $0xFFFFFF00  }
0x5e: {  	_ =	swait.ge [sflag:s19], $0x4000  }
0x5f: {  	[sflag:s19] =	ssyncset.done $0x0  }
0x60: {  	[sflag:s19] =	ssyncadd.s32 $0xFFFFC000  }
0x61: {  	[tilespmem:s20], [sflag:$0x2] =	stream.indirect.gather [hbm4b:s4+s17], $0x80, s18, s17, $0xb8;
	[tilespmem:$0x1C200] =	vst v63  }
0x62: {  	_ = 	snop  }
0x63: {  	[spmem:s2] =	stream.indirect.scatter.add.f32 [tilespmem:s15], [sflag:$0x3], $0x80, s17, s17, $0xb8;
	[tilespmem:$0x1C200] =	vst v63  }
0x64: {  	_ =	swait.ge [sflag:s16], $0x4000  }
0x65: {  	[sflag:s16] =	ssyncset.done $0x0  }
0x66: {  	[sflag:s16] =	ssyncadd.s32 $0xFFFFC000  }
0x67: {  	[tilespmem:s3], [sflag:$0x3] =	stream.linear.gather [hbm4b:s25+s3], $0x100, $0x38;
	[tilespmem:$0x1C200] =	vst v63  }
0x68: {  	_ =	swait.ge [sflag:s16], $0x100  }
0x69: {  	[sflag:s16] =	ssyncset.done $0x0  }
0x6a: {  	[sflag:s16] =	ssyncadd.s32 $0xFFFFFF00  }
0x6b: {  	_ =	swait.ge [sflag:s21], $0x4000  }
0x6c: {  	[sflag:s21] =	ssyncset.done $0x0  }
0x6d: {  	[sflag:s21] =	ssyncadd.s32 $0xFFFFC000  }
0x6e: {  	[tilespmem:s15], [sflag:$0x1] =	stream.indirect.gather [hbm4b:s4+s17], $0x80, s3, s17, $0xb8;
	[tilespmem:$0x1C200] =	vst v63  }
.Ltmp2:
0x6f: {  	_ = 	snop;
	(pc) =	sbr.rel @p0 .LBB2_4-.Ltmp2, $4  }
0x70: {  	_ = 	snop  }
0x71: {  	[spmem:s2] =	stream.indirect.scatter.add.f32 [tilespmem:s20], [sflag:$0x3], $0x80, s22, s17, $0xb8;
	[tilespmem:$0x1C200] =	vst v63  }
0x72: {  	_ =	swait.ge [sflag:s16], $0x4000  }
0x73: {  	[sflag:s16] =	ssyncset.done $0x0  }
.LBB2_5:
0x74: {  	[sflag:s16] =	ssyncadd.s32 $0xFFFFC000  }
0x75: {  	_ =	swait.ge [sflag:s19], $0x4000  }
0x76: {  	[sflag:s19] =	ssyncset.done $0x0  }
0x77: {  	[sflag:s19] =	ssyncadd.s32 $0xFFFFC000  }
0x78: {  	[spmem:s2] =	stream.indirect.scatter.add.f32 [tilespmem:s15], [sflag:$0x3], $0x80, s17, s17, $0xb8;
	[tilespmem:$0x1C200] =	vst v63  }
0x79: {  	_ =	swait.ge [sflag:s16], $0x4000  }
0x7a: {  	s24 =	sshll.u32 s0, $0x6;
	s23 =	sadd.s32 $0x1, s23;
	[sflag:s16] =	ssyncset.done $0x0  }
0x7b: {  	s25 =	sshrl.u32 s5, $0x3;
	p0 =	sne.s32 s23, s13;
	[sflag:s16] =	ssyncadd.s32 $0xFFFFC000  }
.Ltmp3:
0x7c: {  	s24 =	sor.u32 $0x1C03, s24;
	[bflag:$0x0] =	sbarrier.arrive $0xFFFF;
	(pc) =	sbr.rel @p0 .LBB2_1-.Ltmp3, $4  }
0x7d: {  	[hbm:s12], [sflag:s24] =	dma.local [spmem:s25], $0x2800  }
0x7e: {  	_ =	swait.ge [sflag:s16], $0x2800  }
0x7f: {  	[sflag:s16] =	ssyncset.done $0x0  }
0x80: {  	[sflag:s16] =	ssyncadd.s32 $0xFFFFD800  }
0x81: {  	_ =	sfence.sel $0x180000  }
0x82: {  	[bflag:$0x0] =	sbarrier.arrive $0xFFFF  }
0x83: {  	p0 =	sne.s32 s0, $0x0;
	_ =	strace $0x9000004D  }
0x84: {  	s0 =	sadd.s32 @!p0 $0x100000, s1;
	[bflag:$0x2] =	sbarrier.arrive $0xFFFF  }
0x85: {  	[sflag:s0] =	ssyncadd.tile.s32 @!p0 $0x1;
	_ =	shalt  }
.Lfunc_end2:
_tile_overlayer_lowered:
.L_overlay_start_2:
0x86: {  	(tag) =	ssettag $0x2  }
0x87: {  	s0 =	rddreg [dreg:$0x0];
	s2 =	stileid.u32  }
0x88: {  	s1 =	rddreg [dreg:$0x1];
	p0 =	sne.s32 s2, $0x0  }
0x89: {  	s3 =	rddreg [dreg:$0x2];
	[bflag:$0x3] =	sbarrier.arrive $0xFFFF;
	s2 =	simm.s32 @!p0 $0x1C03  }
0x8a: {  	[timem:s3], [sflag:s2] =	dma.local @!p0 [hbm:s0], s1  }
0x8b: {  	s0 =	simm.s32 @!p0 $0x3  }
0x8c: {  	_ =	swait.ge @!p0 [sflag:s0], s1  }
0x8d: {  	s1 =	ssub.s32 @!p0 $0x0, s1;
	[sflag:s0] =	ssyncset.done @!p0 $0x0  }
0x8e: {  	[sflag:s0] =	ssyncadd.s32 @!p0 s1  }
0x8f: {  	[bflag:$0x3] =	sbarrier.arrive $0xFFFF  }
0x90: {  	_ =	shalt  }

// kernel: kernel.9.cloned.1.call-start
scs
__scs_entry_jumppad:
0x0: {  	(pc) =	sbr.rel $0x88, $3  }
0x1: {  	(tag) =	ssettag $0x0;
	lr =	simm.s32 $0x1  }
0x2: {  	[smem:$0x3F9C] =	sst lr;
	_ =	strace $0xD0000000  }
0x3: {  	_ = 	snop  }
0x4: {  	_ = 	snop  }
0x5: {  	_ = 	snop  }
0x6: {  	_ = 	snop  }
0x7: {  	_ = 	snop  }
__scs_overlays_trampoline_lowered:
0x8: {  	[smem:$0x3FAB] =	sst s0  }
0x9: {  	[smem:$0x3FAC] =	sst s1  }
0xa: {  	[smem:$0x3FAD] =	sst s2  }
0xb: {  	[smem:$0x3FAE] =	sst s3  }
0xc: {  	[smem:$0x3FAF] =	sst s4  }
0xd: {  	[smem:$0x3FB0] =	sst s5  }
0xe: {  	[smem:$0x3FB1] =	sst s6  }
0xf: {  	[smem:$0x3FB2] =	sst s7  }
0x10: {  	[smem:$0x3FB3] =	sst s8  }
0x11: {  	[smem:$0x3FB4] =	sst s9;
	s0 =	simm.s32 @!p0 $0x0  }
0x12: {  	s1 =	sld [smem:$0x3F9A];
	s0 =	simm.s32 @p0 $0x1  }
0x13: {  	[smem:$0x3FB5] =	sst s0;
	s0 =	simm.s32 @!p1 $0x0  }
0x14: {  	s2 =	sld [smem:$0x3F99];
	s0 =	simm.s32 @p1 $0x1  }
0x15: {  	[smem:$0x3FB6] =	sst s0;
	s0 =	simm.s32 @!p2 $0x0  }
0x16: {  	s3 =	sld [smem:$0x3FDB];
	s0 =	simm.s32 @p2 $0x1  }
0x17: {  	s4 =	simm.s32 $0x1BF5;
	[smem:$0x3FB8] =	sst s0  }
0x18: {  	s0 =	sld [smem:$0x3F9B];
	_ =	swait.ge [sflag:s4], $0x0  }
0x19: {  	s7 =	sld [smem:$0x3F9C]  }
0x1a: {  	s8 =	sadd.s32 $0xFFFFE003, lr  }
0x1b: {  	s9 =	sadd.s32 $0xFFFFFEF7, lr;
	s5 =	simm.s32 $0xFFFFFFFF;
	p2 =	slt.u32 s8, $0xFFFFF086  }
0x1c: {  	p1 =	slt.u32 s9, $0xF7A;
	s5 =	simm.s32 @!p2 $0x0  }
0x1d: {  	s5 =	simm.s32 @p1 $0x1;
	p0 =	seq.s32 s7, s2  }
0x1e: {  	s7 =	smul.u32 @!p0 $0xF7A, s2;
	p2 =	seq.s32 @!p0 s5, $0x0  }
0x1f: {  	s9 =	smul.u32 $0xF7A, s1;
	s8 =	simm.s32 @!p0 $0x1BF5;
	p2 =	por !p2, p0  }
0x20: {  	[sflag:s8] =	ssyncset.s32 @!p0 $0xFFFFF086;
	s6 =	sadd.s32 @!p0 s3, s7;
	s7 =	simm.s32 @!p0 $0x108  }
0x21: {  	s3 =	sadd.s32 s3, s9;
	s6 =	sadd.s32 @!p0 $0x88, s6;
	s7 =	simm.s32 @p2 $0x1082  }
0x22: {  	[simem:s7], [sflag:s8] =	dma.local @!p0 [hbm:s6], $0xF7A  }
0x23: {  	s9 =	sor.u32 $0xD0000000, s2;
	s6 =	simm.s32 $0x108;
	_ =	swait.ge @!p0 [sflag:s8], $0x0  }
0x24: {  	s3 =	sadd.s32 $0x88, s3;
	s6 =	simm.s32 @!p1 $0x1082;
	[sflag:s4] =	ssyncset.s32 $0xFFFFF086  }
0x25: {  	[simem:s6], [sflag:s4] =	dma.local [hbm:s3], $0xF7A  }
0x26: {  	[smem:$0x3F9C] =	sst s1;
	(tag) =	ssettag s2;
	_ =	strace s9  }
0x27: {  	s1 =	sld [smem:$0x3FAC]  }
0x28: {  	s2 =	sld [smem:$0x3FAD]  }
0x29: {  	s4 =	sld [smem:$0x3FAF]  }
0x2a: {  	p0 =	seq.s32 s5, $0x0;
	s5 =	sld [smem:$0x3FB0]  }
0x2b: {  	s6 =	sld [smem:$0x3FB1]  }
0x2c: {  	s7 =	sld [smem:$0x3FB2]  }
0x2d: {  	s3 =	simm.s32 $0x108;
	s8 =	sld [smem:$0x3FB3]  }
0x2e: {  	s3 =	simm.s32 @!p0 $0x1082;
	s9 =	sld [smem:$0x3FB4]  }
0x2f: {  	lr =	sadd.s32 s0, s3;
	s0 =	sld [smem:$0x3FAB]  }
0x30: {  	s3 =	sld [smem:$0x3FAE]  }
0x31: {  	[smem:$0x3FB7] =	sst s10  }
0x32: {  	s10 =	sld [smem:$0x3FB5];
	_ =	sdelay $0x3  }
0x33: {  	p0 =	seq.s32 s10, $0x1;
	s10 =	sld [smem:$0x3FB7];
	_ =	sdelay $0x3  }
0x34: {  	[smem:$0x3FB7] =	sst s10  }
0x35: {  	s10 =	sld [smem:$0x3FB6];
	_ =	sdelay $0x3  }
0x36: {  	p1 =	seq.s32 s10, $0x1;
	s10 =	sld [smem:$0x3FB7];
	_ =	sdelay $0x3  }
0x37: {  	[smem:$0x3FB7] =	sst s10  }
0x38: {  	s10 =	sld [smem:$0x3FB8]  }
0x39: {  	_ = 	snop;
	(pc) =	sbr.ind lr, $3  }
0x3a: {  	_ = 	snop  }
0x3b: {  	_ = 	snop  }
0x3c: {  	p2 =	seq.s32 s10, $0x1;
	s10 =	sld [smem:$0x3FB7]  }
0x3d: {  	_ =	shalt  }
0x3e: {  	_ =	shalt  }
0x3f: {  	_ =	shalt  }
0x40: {  	_ =	shalt  }
0x41: {  	_ =	shalt  }
0x42: {  	_ =	shalt  }
0x43: {  	_ =	shalt  }
0x44: {  	_ =	shalt  }
0x45: {  	_ =	shalt  }
0x46: {  	_ =	shalt  }
0x47: {  	_ =	shalt  }
0x48: {  	_ =	shalt  }
0x49: {  	_ =	shalt  }
0x4a: {  	_ =	shalt  }
0x4b: {  	_ =	shalt  }
0x4c: {  	_ =	shalt  }
0x4d: {  	_ =	shalt  }
0x4e: {  	_ =	shalt  }
0x4f: {  	_ =	shalt  }
0x50: {  	_ =	shalt  }
0x51: {  	_ =	shalt  }
0x52: {  	_ =	shalt  }
0x53: {  	_ =	shalt  }
0x54: {  	_ =	shalt  }
0x55: {  	_ =	shalt  }
0x56: {  	_ =	shalt  }
0x57: {  	_ =	shalt  }
0x58: {  	_ =	shalt  }
0x59: {  	_ =	shalt  }
0x5a: {  	_ =	shalt  }
0x5b: {  	_ =	shalt  }
0x5c: {  	_ =	shalt  }
0x5d: {  	_ =	shalt  }
0x5e: {  	_ =	shalt  }
0x5f: {  	_ =	shalt  }
0x60: {  	_ =	shalt  }
0x61: {  	_ =	shalt  }
0x62: {  	_ =	shalt  }
0x63: {  	_ =	shalt  }
0x64: {  	_ =	shalt  }
0x65: {  	_ =	shalt  }
0x66: {  	_ =	shalt  }
0x67: {  	_ =	shalt  }
0x68: {  	_ =	shalt  }
0x69: {  	_ =	shalt  }
0x6a: {  	_ =	shalt  }
0x6b: {  	_ =	shalt  }
0x6c: {  	_ =	shalt  }
0x6d: {  	_ =	shalt  }
0x6e: {  	_ =	shalt  }
0x6f: {  	_ =	shalt  }
0x70: {  	_ =	shalt  }
0x71: {  	_ =	shalt  }
0x72: {  	_ =	shalt  }
0x73: {  	_ =	shalt  }
0x74: {  	_ =	shalt  }
0x75: {  	_ =	shalt  }
0x76: {  	_ =	shalt  }
0x77: {  	_ =	shalt  }
0x78: {  	_ =	shalt  }
0x79: {  	_ =	shalt  }
0x7a: {  	_ =	shalt  }
0x7b: {  	_ =	shalt  }
0x7c: {  	_ =	shalt  }
0x7d: {  	_ =	shalt  }
0x7e: {  	_ =	shalt  }
0x7f: {  	_ =	shalt  }
0x80: {  	_ =	shalt  }
0x81: {  	_ =	shalt  }
0x82: {  	_ =	shalt  }
0x83: {  	_ =	shalt  }
0x84: {  	_ =	shalt  }
0x85: {  	_ =	shalt  }
0x86: {  	_ =	shalt  }
0x87: {  	_ =	shalt  }
.Lfunc_end0:
.L_simem_size_0:
called_computation_lowered:
.L_overlay_start_0:
0x88: {  	s2 =	sld [smem:$0x3FD9]  }
0x89: {  	s3 =	sld [smem:$0x3FFE];
	_ =	sdelay $0x1  }
0x8a: {  	s1 =	srdreg.scid  }
0x8b: {  	s0 =	sand.u32 $0x1, s1  }
0x8c: {  	s16 =	sshll.u32 s0, $0xA;
	s2 =	sadd.s32 s3, s2  }
0x8d: {  	s2 =	sadd.s32 s2, s16  }
0x8e: {  	[smem:$0x3FC3] =	sst s2  }
0x8f: {  	_ = 	snop  }
0x90: {  	(tm) =	ssettm $0x1  }
0x91: {  	s17 =	sld [smem:$0x3FFB];
	_ =	sdelay $0x3  }
0x92: {  	_ =	strace s17  }
0x93: {  	s2 =	sld [smem:$0x3FFC];
	_ =	sdelay $0x3  }
0x94: {  	_ =	strace s2  }
0x95: {  	s2 =	sld [smem:$0x3FFD];
	_ =	sdelay $0x3  }
0x96: {  	_ =	strace s2  }
0x97: {  	_ =	strace $0x8FFFFFFF  }
0x98: {  	s18 =	sld [smem:$0x3FDB];
	_ =	sdelay $0x1  }
0x99: {  	s19 =	simm.s32 $_scs_section_size  }
0x9a: {  	s4 =	simm.s32 $_size__tile_overlayer_lowered;
	s5 =	simm.s32 $_tile_overlayer_lowered  }
0x9b: {  	s22 =	simm.s32 $0x1BFF;
	s21 =	sshll.u32 s5, $0x1;
	s2 =	sadd.s32 s19, s18  }
0x9c: {  	s6 =	simm.s32 $0x0;
	s20 =	sshll.u32 s4, $0x1;
	s4 =	sadd.s32 s21, s2  }
0x9d: {  	[timem:s6], [sflag:s22] =	dma.local [hbm:s4], s20  }
0x9e: {  	_ =	swait.ge [sflag:s22], s20  }
0x9f: {  	s3 =	ssub.s32 $0x0, s20;
	[sflag:s22] =	ssyncset.done $0x0  }
0xa0: {  	[sflag:s22] =	ssyncadd.s32 s3;
	_ =	sdelay $0x1  }
0xa1: {  	s23 =	simm.s32 $0x1B8B  }
0xa2: {  	_ =	swait.ge [sflag:s23], $0x1  }
0xa3: {  	[sflag:s23] =	ssyncset.done $0x0  }
0xa4: {  	s25 =	simm.s32 $0x1B8E;
	s24 =	sld [smem:$0x3FFE];
	[sflag:s23] =	ssyncadd.s32 $0xFFFFFFFF  }
0xa5: {  	s26 =	simm.s32 $execute0_lowered;
	[smem:$0x3FD2] =	sst s25  }
0xa6: {  	s4 =	sshll.u32 s26, $0x1;
	_ =	strace $0x80000046;
	[dreg:$0x1] =	wrdreg $0xFFFFFFFF  }
0xa7: {  	s28 =	simm.s32 $_size_execute0_lowered;
	s2 =	sadd.s32 s2, s4;
	[dreg:$0x0] =	wrdreg $0x0  }
0xa8: {  	s4 =	sshll.u32 s28, $0x1;
	[dreg:$0x2] =	wrdreg s2  }
0xa9: {  	[dreg:$0x3] =	wrdreg s4  }
0xaa: {  	[dreg:$0x4] =	wrdreg $0xC0  }
0xab: {  	_ =	task [dreg:s6], $0x5FFFF  }
0xac: {  	[dreg:$0x1] =	wrdreg $0xFFFFFFFF  }
0xad: {  	[dreg:$0x0] =	wrdreg $0x60  }
0xae: {  	[dreg:$0x2] =	wrdreg s24  }
0xaf: {  	[dreg:$0x3] =	wrdreg $0x82000  }
0xb0: {  	[dreg:$0x4] =	wrdreg $0x9  }
0xb1: {  	_ =	task.clear_ibuf [dreg:s6], $0x5FFFF;
	_ =	strace $0x90000046  }
0xb2: {  	s29 =	simm.s32 $0x9;
	_ =	strace $0x80000048  }
0xb3: {  	_ =	swait.ge [sflag:s29], $0x1  }
0xb4: {  	[sflag:s29] =	ssyncadd.s32 $0xFFFFFFFF  }
0xb5: {  	_ =	strace $0x90000048  }
0xb6: {  	_ =	sfence  }
0xb7: {  	s30 =	sld [smem:$0x0];
	_ =	sdelay $0x2  }
0xb8: {  	s31 =	sshll.u32 s1, $0xD;
	s1 =	sshrl.u32 s1, $0x2  }
0xb9: {  	s3 =	sand.u32 $0x4000, s31;
	s1 =	sadd.s32 s1, s30  }
0xba: {  	s0 =	sor.u32 s3, s0;
	s1 =	sshll.u32 s1, $0x11  }
0xbb: {  	s0 =	sor.u32 s1, s0  }
0xbc: {  	s0 =	sadd.s32 $0x8F2B, s0  }
0xbd: {  	[sflag:s0] =	ssyncadd.remote.s32 $0x1  }
0xbe: {  	_ =	sfence.sel $0xFFFF  }
0xbf: {  	[dreg:$0x0] =	wrdreg $0xFFFFFFFF;
	(pc) =	sbr.abs _section_cstart, $3  }
0xc0: {  	[dreg:$0x1] =	wrdreg $0xFFFFFFFF  }
0xc1: {  	_ =	task.clear_ibuf [dreg:s6], $0x2FFFF;
	_ =	strace $0x9FFFFFFF  }
0xc2: {  	(tm) =	ssettm $0x7FFFFFFF  }
0xc3: {  	_ =	shalt  }
tec
execute0_lowered:
.L_overlay_start_1:
0x0: {  	(tag) =	ssettag $0x1  }
0x1: {  	s6 =	rddreg [dreg:$0x0]  }
0x2: {  	s2 =	rddreg [dreg:$0x1];
	s0 =	stileid.u32  }
0x3: {  	s3 =	srdreg.scid;
	s1 =	rddreg [dreg:$0x2]  }
0x4: {  	s15 =	simm.s32 $0x200;
	s16 =	simm.s32 $0x3;
	s17 =	simm.s32 $0x80  }
0x5: {  	s18 =	simm.s32 $0x100;
	s19 =	simm.s32 $0x1;
	s4 =	smul.u32 $0x1F, s0  }
0x6: {  	s20 =	simm.s32 $0x4200;
	s21 =	simm.s32 $0x2;
	s7 =	smul.u32 $0x7F, s0  }
0x7: {  	s22 =	simm.s32 $0x180;
	s23 =	simm.s32 $0x0;
	s28 =	smul.u32 $0x14000, s0  }
0x8: {  	s5 =	sand.u32 $0x1, s3;
	s3 =	simm.s32 $0x0;
	s9 =	smul.u32 $0x50000, s0  }
0x9: {  	p0 =	seq.s32 s5, $0x0;
	s8 =	smul.u32 $0x140000, s5;
	[smem:$0x7FF] =	sst s3  }
0xa: {  	s29 =	ssub.s32 $0x2, s5;
	s4 =	sadd.s32 $0x7F0, s4;
	_ =	strace $0x80000047  }
0xb: {  	s30 =	sshrl.u32 s9, $0x2;
	s31 =	sshrl.u32 s29, $0x1;
	s9 =	simm.s32 $0x3F  }
0xc: {  	s4 =	smov.u32 @p0 s7;
	s7 =	sadd.s32 s28, s8;
	s5 =	sadd.s32 s30, s2  }
0xd: {  	s13 =	ssub.s32 s29, s31;
	s9 =	simm.s32 @!p0 $0xF;
	s4 =	sshll.u32 s4, $0x5  }
0xe: {  	s7 =	sshrl.u32 s7, $0x3;
	s8 =	sadd.s32 $0xC000, s5;
	s10 =	sadd.s32 $0x10000, s5  }
0xf: {  	s13 =	smax.u32 s13, $0x1;
	s14 =	sadd.s32 s4, s6;
	s4 =	sadd.s32 $0x15400, s6  }
0x10: {  	s12 =	sadd.s32 s7, s6;
	s6 =	sadd.s32 $0x4000, s5;
	s7 =	sadd.s32 $0x8000, s5  }
0x11: {  	v0 =	vimm.f32 $0.0e+00;
	s11 =	sadd.s32 $0x1800, s14;
	s12 =	sadd.s32 $0x3D400, s12;
	s14 =	sadd.s32 $0x1840, s14  }
.LBB2_1:
0x12: {  	s24 =	simm.s32 $0x0;
	s25 =	simm.s32 $0x200  }
.LBB2_2:
0x13: {  	p0 =	sne.s32 s25, $0xFE00;
	[tilespmem:s24+$0x270] =	vst v0  }
0x14: {  	[tilespmem:s24+$0x200] =	vst v0  }
0x15: {  	[tilespmem:s24+$0x210] =	vst v0  }
.Ltmp0:
0x16: {  	[tilespmem:s24+$0x220] =	vst v0;
	(pc) =	sbr.rel @p0 .LBB2_2-.Ltmp0, $4  }
0x17: {  	[tilespmem:s24+$0x230] =	vst v0  }
0x18: {  	[tilespmem:s24+$0x240] =	vst v0  }
0x19: {  	[tilespmem:s24+$0x250] =	vst v0  }
0x1a: {  	[tilespmem:s24+$0x260] =	vst v0;
	s24 =	sshra.s32 s25, $0x2;
	s25 =	sadd.s32 $0x200, s25  }
0x1b: {  	[tilespmem:s24+$0x270] =	vst v0  }
0x1c: {  	[tilespmem:s24+$0x200] =	vst v0  }
0x1d: {  	[tilespmem:s24+$0x210] =	vst v0  }
0x1e: {  	[tilespmem:s24+$0x220] =	vst v0  }
0x1f: {  	[tilespmem:s24+$0x230] =	vst v0  }
0x20: {  	[tilespmem:s24+$0x240] =	vst v0  }
0x21: {  	[tilespmem:s24+$0x250] =	vst v0  }
0x22: {  	[tilespmem:s24+$0x260] =	vst v0  }
0x23: {  	[spmem:s5] =	stream.linear.scatter [tilespmem:s15], [sflag:$0x3], $0x4000, $0x38;
	[tilespmem:$0x1C200] =	vst v63  }
0x24: {  	_ =	swait.ge [sflag:s16], $0x4000  }
0x25: {  	[sflag:s16] =	ssyncset.done $0x0  }
0x26: {  	[sflag:s16] =	ssyncadd.s32 $0xFFFFC000  }
0x27: {  	[spmem:s6] =	stream.linear.scatter [tilespmem:s15], [sflag:$0x3], $0x4000, $0x38;
	[tilespmem:$0x1C200] =	vst v63  }
0x28: {  	_ =	swait.ge [sflag:s16], $0x4000  }
0x29: {  	[sflag:s16] =	ssyncset.done $0x0  }
0x2a: {  	[sflag:s16] =	ssyncadd.s32 $0xFFFFC000  }
0x2b: {  	[spmem:s7] =	stream.linear.scatter [tilespmem:s15], [sflag:$0x3], $0x4000, $0x38;
	[tilespmem:$0x1C200] =	vst v63  }
0x2c: {  	_ =	swait.ge [sflag:s16], $0x4000  }
0x2d: {  	[sflag:s16] =	ssyncset.done $0x0  }
0x2e: {  	[sflag:s16] =	ssyncadd.s32 $0xFFFFC000  }
0x2f: {  	[spmem:s8] =	stream.linear.scatter [tilespmem:s15], [sflag:$0x3], $0x4000, $0x38;
	[tilespmem:$0x1C200] =	vst v63  }
0x30: {  	_ =	swait.ge [sflag:s16], $0x4000  }
0x31: {  	[sflag:s16] =	ssyncset.done $0x0  }
0x32: {  	[sflag:s16] =	ssyncadd.s32 $0xFFFFC000  }
0x33: {  	[spmem:s10] =	stream.linear.scatter [tilespmem:s15], [sflag:$0x3], $0x4000, $0x38;
	[tilespmem:$0x1C200] =	vst v63  }
0x34: {  	_ =	swait.ge [sflag:s16], $0x4000  }
0x35: {  	[sflag:s16] =	ssyncset.done $0x0  }
0x36: {  	[sflag:s16] =	ssyncadd.s32 $0xFFFFC000  }
0x37: {  	[bflag:$0x0] =	sbarrier.arrive $0xFFFF  }
0x38: {  	[tilespmem:s3], [sflag:$0x3] =	stream.linear.gather [hbm4b:s11+s3], $0x100, $0x38;
	[tilespmem:$0x1C200] =	vst v63  }
0x39: {  	_ =	swait.ge [sflag:s16], $0x100  }
0x3a: {  	[sflag:s16] =	ssyncset.done $0x0  }
0x3b: {  	[sflag:s16] =	ssyncadd.s32 $0xFFFFFF00  }
0x3c: {  	[tilespmem:s15], [sflag:$0x1] =	stream.indirect.gather [hbm4b:s4+s17], $0x80, s3, s17, $0xb8;
	[tilespmem:$0x1C200] =	vst v63  }
0x3d: {  	s31 =	sadd.s32 $0xFFFFFFE0, s14  }
0x3e: {  	[tilespmem:s18], [sflag:$0x3] =	stream.linear.gather [hbm4b:s31+s3], $0x100, $0x38;
	[tilespmem:$0x1C200] =	vst v63  }
0x3f: {  	_ =	swait.ge [sflag:s16], $0x100  }
0x40: {  	[sflag:s16] =	ssyncset.done $0x0  }
0x41: {  	[sflag:s16] =	ssyncadd.s32 $0xFFFFFF00  }
0x42: {  	_ =	swait.ge [sflag:s19], $0x4000  }
0x43: {  	[sflag:s19] =	ssyncset.done $0x0  }
0x44: {  	[sflag:s19] =	ssyncadd.s32 $0xFFFFC000  }
0x45: {  	[tilespmem:s20], [sflag:$0x2] =	stream.indirect.gather [hbm4b:s4+s17], $0x80, s18, s17, $0xb8;
	[tilespmem:$0x1C200] =	vst v63  }
0x46: {  	_ = 	snop  }
0x47: {  	[spmem:s2] =	stream.indirect.scatter.add.f32 [tilespmem:s15], [sflag:$0x3], $0x80, s17, s17, $0xb8;
	[tilespmem:$0x1C200] =	vst v63  }
0x48: {  	_ =	swait.ge [sflag:s16], $0x4000  }
0x49: {  	[sflag:s16] =	ssyncset.done $0x0  }
0x4a: {  	[sflag:s16] =	ssyncadd.s32 $0xFFFFC000  }
0x4b: {  	[tilespmem:s3], [sflag:$0x3] =	stream.linear.gather [hbm4b:s14+s3], $0x100, $0x38;
	[tilespmem:$0x1C200] =	vst v63  }
0x4c: {  	_ =	swait.ge [sflag:s16], $0x100  }
0x4d: {  	[sflag:s16] =	ssyncset.done $0x0  }
0x4e: {  	[sflag:s16] =	ssyncadd.s32 $0xFFFFFF00  }
0x4f: {  	_ =	swait.ge [sflag:s21], $0x4000  }
0x50: {  	[sflag:s21] =	ssyncset.done $0x0  }
0x51: {  	p0 =	sne.s32 s9, $0x1;
	[sflag:s21] =	ssyncadd.s32 $0xFFFFC000  }
0x52: {  	[tilespmem:s15], [sflag:$0x1] =	stream.indirect.gather [hbm4b:s4+s17], $0x80, s3, s17, $0xb8;
	[tilespmem:$0x1C200] =	vst v63  }
.Ltmp1:
0x53: {  	_ = 	snop;
	(pc) =	sbr.rel @!p0 .LBB2_5-.Ltmp1, $4  }
0x54: {  	_ = 	snop  }
0x55: {  	[spmem:s2] =	stream.indirect.scatter.add.f32 [tilespmem:s20], [sflag:$0x3], $0x80, s22, s17, $0xb8;
	[tilespmem:$0x1C200] =	vst v63  }
0x56: {  	_ =	swait.ge [sflag:s16], $0x4000  }
0x57: {  	s24 =	sadd.s32 $0xFFFFFFFF, s9;
	s25 =	smov.u32 s14;
	[sflag:s16] =	ssyncset.done $0x0  }
.LBB2_4:
0x58: {  	p0 =	sne.s32 s24, $0x1;
	[sflag:s16] =	ssyncadd.s32 $0xFFFFC000;
	s25 =	sadd.s32 $0x40, s25  }
0x59: {  	s24 =	sadd.s32 $0xFFFFFFFF, s24;
	s26 =	sadd.s32 $0xFFFFFFE0, s25  }
0x5a: {  	[tilespmem:s18], [sflag:$0x3] =	stream.linear.gather [hbm4b:s26+s3], $0x100, $0x38;
	[tilespmem:$0x1C200] =	vst v63  }
0x5b: {  	_ =	swait.ge [sflag:s16], $0x100  }
0x5c: {  	[sflag:s16] =	ssyncset.done $0x0  }
0x5d: {  	[sflag:s16] =	ssyncadd.s32 $0xFFFFFF00  }
0x5e: {  	_ =	swait.ge [sflag:s19], $0x4000  }
0x5f: {  	[sflag:s19] =	ssyncset.done $0x0  }
0x60: {  	[sflag:s19] =	ssyncadd.s32 $0xFFFFC000  }
0x61: {  	[tilespmem:s20], [sflag:$0x2] =	stream.indirect.gather [hbm4b:s4+s17], $0x80, s18, s17, $0xb8;
	[tilespmem:$0x1C200] =	vst v63  }
0x62: {  	_ = 	snop  }
0x63: {  	[spmem:s2] =	stream.indirect.scatter.add.f32 [tilespmem:s15], [sflag:$0x3], $0x80, s17, s17, $0xb8;
	[tilespmem:$0x1C200] =	vst v63  }
0x64: {  	_ =	swait.ge [sflag:s16], $0x4000  }
0x65: {  	[sflag:s16] =	ssyncset.done $0x0  }
0x66: {  	[sflag:s16] =	ssyncadd.s32 $0xFFFFC000  }
0x67: {  	[tilespmem:s3], [sflag:$0x3] =	stream.linear.gather [hbm4b:s25+s3], $0x100, $0x38;
	[tilespmem:$0x1C200] =	vst v63  }
0x68: {  	_ =	swait.ge [sflag:s16], $0x100  }
0x69: {  	[sflag:s16] =	ssyncset.done $0x0  }
0x6a: {  	[sflag:s16] =	ssyncadd.s32 $0xFFFFFF00  }
0x6b: {  	_ =	swait.ge [sflag:s21], $0x4000  }
0x6c: {  	[sflag:s21] =	ssyncset.done $0x0  }
0x6d: {  	[sflag:s21] =	ssyncadd.s32 $0xFFFFC000  }
0x6e: {  	[tilespmem:s15], [sflag:$0x1] =	stream.indirect.gather [hbm4b:s4+s17], $0x80, s3, s17, $0xb8;
	[tilespmem:$0x1C200] =	vst v63  }
.Ltmp2:
0x6f: {  	_ = 	snop;
	(pc) =	sbr.rel @p0 .LBB2_4-.Ltmp2, $4  }
0x70: {  	_ = 	snop  }
0x71: {  	[spmem:s2] =	stream.indirect.scatter.add.f32 [tilespmem:s20], [sflag:$0x3], $0x80, s22, s17, $0xb8;
	[tilespmem:$0x1C200] =	vst v63  }
0x72: {  	_ =	swait.ge [sflag:s16], $0x4000  }
0x73: {  	[sflag:s16] =	ssyncset.done $0x0  }
.LBB2_5:
0x74: {  	[sflag:s16] =	ssyncadd.s32 $0xFFFFC000  }
0x75: {  	_ =	swait.ge [sflag:s19], $0x4000  }
0x76: {  	[sflag:s19] =	ssyncset.done $0x0  }
0x77: {  	[sflag:s19] =	ssyncadd.s32 $0xFFFFC000  }
0x78: {  	[spmem:s2] =	stream.indirect.scatter.add.f32 [tilespmem:s15], [sflag:$0x3], $0x80, s17, s17, $0xb8;
	[tilespmem:$0x1C200] =	vst v63  }
0x79: {  	_ =	swait.ge [sflag:s16], $0x4000  }
0x7a: {  	s24 =	sshll.u32 s0, $0x6;
	s23 =	sadd.s32 $0x1, s23;
	[sflag:s16] =	ssyncset.done $0x0  }
0x7b: {  	s25 =	sshrl.u32 s5, $0x3;
	p0 =	sne.s32 s23, s13;
	[sflag:s16] =	ssyncadd.s32 $0xFFFFC000  }
.Ltmp3:
0x7c: {  	s24 =	sor.u32 $0x1C03, s24;
	[bflag:$0x0] =	sbarrier.arrive $0xFFFF;
	(pc) =	sbr.rel @p0 .LBB2_1-.Ltmp3, $4  }
0x7d: {  	[hbm:s12], [sflag:s24] =	dma.local [spmem:s25], $0x2800  }
0x7e: {  	_ =	swait.ge [sflag:s16], $0x2800  }
0x7f: {  	[sflag:s16] =	ssyncset.done $0x0  }
0x80: {  	[sflag:s16] =	ssyncadd.s32 $0xFFFFD800  }
0x81: {  	_ =	sfence.sel $0x180000  }
0x82: {  	[bflag:$0x0] =	sbarrier.arrive $0xFFFF  }
0x83: {  	p0 =	sne.s32 s0, $0x0;
	_ =	strace $0x90000047  }
0x84: {  	s0 =	sadd.s32 @!p0 $0x100000, s1;
	[bflag:$0x2] =	sbarrier.arrive $0xFFFF  }
0x85: {  	[sflag:s0] =	ssyncadd.tile.s32 @!p0 $0x1;
	_ =	shalt  }
.Lfunc_end2:
_tile_overlayer_lowered:
.L_overlay_start_2:
0x86: {  	(tag) =	ssettag $0x2  }
0x87: {  	s0 =	rddreg [dreg:$0x0];
	s2 =	stileid.u32  }
0x88: {  	s1 =	rddreg [dreg:$0x1];
	p0 =	sne.s32 s2, $0x0  }
0x89: {  	s3 =	rddreg [dreg:$0x2];
	[bflag:$0x3] =	sbarrier.arrive $0xFFFF;
	s2 =	simm.s32 @!p0 $0x1C03  }
0x8a: {  	[timem:s3], [sflag:s2] =	dma.local @!p0 [hbm:s0], s1  }
0x8b: {  	s0 =	simm.s32 @!p0 $0x3  }
0x8c: {  	_ =	swait.ge @!p0 [sflag:s0], s1  }
0x8d: {  	s1 =	ssub.s32 @!p0 $0x0, s1;
	[sflag:s0] =	ssyncset.done @!p0 $0x0  }
0x8e: {  	[sflag:s0] =	ssyncadd.s32 @!p0 s1  }
0x8f: {  	[bflag:$0x3] =	sbarrier.arrive $0xFFFF  }
0x90: {  	_ =	shalt  }

</sc_bundles>
